<compile_context>
chip_gen: v7x
topology: tpu7x:2x2x1
jax: 0.10.2.dev20260603
libtpu: 0.0.44.dev20260713+nightly
codegen_flags: <defaults>
</compile_context>

<pallas_src>
import functools

import numpy as np
import jax
import jax.numpy as jnp
from jax import lax
from jax.experimental import pallas as pl
from jax.experimental.pallas import tpu as pltpu
from jax.experimental.pallas import tpu_sc as plsc

_EMBED = 64
_NF = 13
_NF2 = 26
_BATCH = 4096
_NW = 32
_BPW = _BATCH // _NW
_V = 1300000
_EPS = 1e-5
_TC_BB = 512
_CV_BLK = 4096


def _cv_body(t_r, l_r, out_r):
    xt = jnp.transpose(t_r[...])
    lv = l_r[...].reshape(_CV_BLK, 1)
    z = jnp.zeros((_CV_BLK, 128 - _EMBED - 1), jnp.float32)
    out_r[...] = jnp.concatenate([xt, lv, z], axis=1)


def _tc_convert(tbl_t, lin_col):
    grid = (pl.cdiv(_V, _CV_BLK),)
    return pl.pallas_call(
        _cv_body,
        grid=grid,
        in_specs=[
            pl.BlockSpec((_EMBED, _CV_BLK), lambda j: (0, j)),
            pl.BlockSpec((_CV_BLK,), lambda j: (j,)),
        ],
        out_specs=pl.BlockSpec((_CV_BLK, 128), lambda j: (j, 0)),
        out_shape=jax.ShapeDtypeStruct((_V, 128), jnp.float32),
    )(tbl_t, lin_col)


def _sc_gather(p1, p2, idx1_fm, idx2_fm):
    mesh = plsc.VectorSubcoreMesh(core_axis_name="c", subcore_axis_name="s")
    f32 = jnp.float32
    ring = 6

    def body(p1_hbm, p2_hbm, idx1_hbm, idx2_hbm, out1_hbm, out2_hbm,
             idx_v, rows_v, sem):
        wid = lax.axis_index("s") * 2 + lax.axis_index("c")
        for (tbl_hbm, idx_hbm, out_hbm) in (
                (p1_hbm, idx1_hbm, out1_hbm),
                (p2_hbm, idx2_hbm, out2_hbm)):
            pltpu.sync_copy(idx_hbm.at[wid], idx_v)

            def fire(f):
                return pltpu.async_copy(tbl_hbm.at[idx_v.at[f]],
                                        rows_v.at[f % ring], sem)

            descs = {f: fire(f) for f in range(ring)}
            for f in range(_NF):
                descs[f].wait()
                pltpu.sync_copy(
                    rows_v.at[f % ring],
                    out_hbm.at[f, pl.ds(wid * _BPW, _BPW), :])
                if f + ring < _NF:
                    descs[f + ring] = fire(f + ring)

    run = pl.kernel(
        body,
        out_type=[
            jax.ShapeDtypeStruct((_NF, _BATCH, 128), f32),
            jax.ShapeDtypeStruct((_NF, _BATCH, 128), f32),
        ],
        mesh=mesh,
        scratch_types=[
            pltpu.VMEM((_NF, 128), jnp.int32),
            pltpu.VMEM((ring, 128, 128), f32),
            pltpu.SemaphoreType.DMA,
        ],
    )
    return run(p1, p2, idx1_fm, idx2_fm)


def _tc_body(p1_r, p2_r, w1a_r, w1b_r, a1_r, cb1_r,
             w2_r, a2_r, cb2_r, w3_r, bias_r, out_r):
    planes = [p1_r[f] for f in range(_NF)] + [p2_r[f] for f in range(_NF)]
    x1 = jnp.concatenate(planes[:_NF], axis=1)
    x2 = jnp.concatenate(planes[_NF:], axis=1)
    col = lax.broadcasted_iota(jnp.int32, x1.shape, 1)
    valid = (col & 127) < _EMBED
    x1m = jnp.where(valid, x1, 0.0)
    x2m = jnp.where(valid, x2, 0.0)
    h = jnp.dot(x1m, w1a_r[...], preferred_element_type=jnp.float32)
    h = h + jnp.dot(x2m, w1b_r[...], preferred_element_type=jnp.float32)
    h = h * a1_r[...] + cb1_r[...]
    h = jnp.maximum(h, 0.0)
    h = jnp.dot(h, w2_r[...], preferred_element_type=jnp.float32)
    h = h * a2_r[...] + cb2_r[...]
    h = jnp.maximum(h, 0.0)
    mlp = jnp.dot(h, w3_r[...], preferred_element_type=jnp.float32)
    se = planes[0]
    for b in planes[1:]:
        se = se + b
    sum_e = se[:, :_EMBED]
    lin = se[:, _EMBED:_EMBED + 1]
    fm = 0.5 * (jnp.sum(sum_e * sum_e, axis=1, keepdims=True)
                - jnp.sum(x1m * x1m, axis=1, keepdims=True)
                - jnp.sum(x2m * x2m, axis=1, keepdims=True))
    z = lin + fm + mlp + bias_r[...]
    out_r[...] = jax.nn.sigmoid(z)


def _tc_fused(pl1, pl2, w1a, w1b, a1, cb1, w2, a2, cb2, w3, bias):
    dh1 = w1a.shape[1]
    dh2 = w2.shape[1]
    grid = (_BATCH // _TC_BB,)
    fixed = lambda i: (0, 0)
    return pl.pallas_call(
        _tc_body,
        grid=grid,
        in_specs=[
            pl.BlockSpec((_NF, _TC_BB, 128), lambda i: (0, i, 0)),
            pl.BlockSpec((_NF, _TC_BB, 128), lambda i: (0, i, 0)),
            pl.BlockSpec((_NF * 128, dh1), fixed),
            pl.BlockSpec((_NF * 128, dh1), fixed),
            pl.BlockSpec((1, dh1), fixed),
            pl.BlockSpec((1, dh1), fixed),
            pl.BlockSpec((dh1, dh2), fixed),
            pl.BlockSpec((1, dh2), fixed),
            pl.BlockSpec((1, dh2), fixed),
            pl.BlockSpec((dh2, 1), fixed),
            pl.BlockSpec((1, 1), fixed),
        ],
        out_specs=pl.BlockSpec((_TC_BB, 1), lambda i: (i, 0)),
        out_shape=jax.ShapeDtypeStruct((_BATCH, 1), jnp.float32),
    )(pl1, pl2, w1a, w1b, a1, cb1, w2, a2, cb2, w3, bias)


def kernel(x_b, x_u, text, label, train, epoch, loss_fct, emb1, emb2,
           lin_w, lin_b, text_w, text_b, w1, b1, g1, be1, w2, b2, g2, be2,
           w3, b3):
    off = (jnp.arange(_NF, dtype=jnp.int32) * 100000)[None, :]
    idx1 = x_b.astype(jnp.int32) + off
    idx2 = x_u.astype(jnp.int32) + off
    idx1_fm = idx1.reshape(_NW, _BPW, _NF).transpose(0, 2, 1)
    idx2_fm = idx2.reshape(_NW, _BPW, _NF).transpose(0, 2, 1)

    p1 = _tc_convert(emb1.T, lin_w[:_V, 0])
    p2 = _tc_convert(emb2.T, lin_w[_V:, 0])
    pl1, pl2 = _sc_gather(p1, p2, idx1_fm, idx2_fm)

    inv = 1.0 / jnp.sqrt(1.0 + _EPS)
    a1 = (g1 * inv)[None, :]
    cb1 = (b1 * g1 * inv + be1)[None, :]
    a2 = (g2 * inv)[None, :]
    cb2 = (b2 * g2 * inv + be2)[None, :]
    bias = (lin_b + b3)[None, :]

    def padw(w):
        return jnp.pad(w.reshape(_NF, _EMBED, -1),
                       ((0, 0), (0, 128 - _EMBED), (0, 0))
                       ).reshape(_NF * 128, -1)

    w1a = padw(w1[:_NF * _EMBED])
    w1b = padw(w1[_NF * _EMBED:])

    out2d = _tc_fused(pl1, pl2, w1a, w1b, a1, cb1, w2, a2, cb2, w3, bias)
    return out2d[:, 0]

# --- scband reference (transcript-rebuilt; emitter-appended) ---
"""Pipeline reference for scband-deep-factorization-machine-model-63471026700889 (READ-ONLY COPY).

The authoritative reference and input builder live on the scoring server;
editing this copy changes nothing except your own understanding.
"""

import jax, jax.numpy as jnp
import numpy as np

FIELD_DIMS1 = [100000] * 13
FIELD_DIMS2 = [100000] * 13
EMBED_DIM = 64
MLP_DIMS = [256, 128]
BATCH = 4096
EPS = 1e-5


def _offsets(fd):
    return jnp.asarray(np.concatenate([[0], np.cumsum(fd)[:-1]]), dtype=jnp.int32)


def setup_inputs(seed: int = 0):
    key = jax.random.key(seed)
    ks = jax.random.split(key, 16)
    sum1 = int(sum(FIELD_DIMS1))
    sum2 = int(sum(FIELD_DIMS2))
    d_in = (len(FIELD_DIMS1) + len(FIELD_DIMS2)) * EMBED_DIM
    inp = {}
    inp["x_b"] = jax.random.randint(ks[0], (BATCH, len(FIELD_DIMS1)), 0, FIELD_DIMS1[0])
    inp["x_u"] = jax.random.randint(ks[1], (BATCH, len(FIELD_DIMS2)), 0, FIELD_DIMS2[0])
    inp["text"] = jax.random.normal(ks[2], (BATCH, 12), dtype=jnp.float32)
    inp["label"] = jax.random.randint(ks[3], (BATCH,), 0, 2)
    inp["train"] = 0
    inp["epoch"] = 0
    inp["loss_fct"] = 0
    inp["emb1"] = jax.random.normal(ks[4], (sum1, EMBED_DIM), dtype=jnp.float32) * 0.01
    inp["emb2"] = jax.random.normal(ks[5], (sum2, EMBED_DIM), dtype=jnp.float32) * 0.01
    inp["lin_w"] = jax.random.normal(ks[6], (sum1 + sum2, 1), dtype=jnp.float32) * 0.01
    inp["lin_b"] = jnp.zeros((1,), dtype=jnp.float32)
    inp["text_w"] = jax.random.normal(ks[7], (12, EMBED_DIM), dtype=jnp.float32) * 0.1
    inp["text_b"] = jnp.zeros((EMBED_DIM,), dtype=jnp.float32)
    inp["w1"] = jax.random.normal(ks[8], (d_in, MLP_DIMS[0]), dtype=jnp.float32) * 0.02
    inp["b1"] = jnp.zeros((MLP_DIMS[0],), dtype=jnp.float32)
    inp["g1"] = jnp.ones((MLP_DIMS[0],), dtype=jnp.float32)
    inp["be1"] = jnp.zeros((MLP_DIMS[0],), dtype=jnp.float32)
    inp["w2"] = jax.random.normal(ks[9], (MLP_DIMS[0], MLP_DIMS[1]), dtype=jnp.float32) * 0.05
    inp["b2"] = jnp.zeros((MLP_DIMS[1],), dtype=jnp.float32)
    inp["g2"] = jnp.ones((MLP_DIMS[1],), dtype=jnp.float32)
    inp["be2"] = jnp.zeros((MLP_DIMS[1],), dtype=jnp.float32)
    inp["w3"] = jax.random.normal(ks[10], (MLP_DIMS[1], 1), dtype=jnp.float32) * 0.05
    inp["b3"] = jnp.zeros((1,), dtype=jnp.float32)
    return inp


def _fm(e):
    # FactorizationMachine(reduce_sum=True)
    square_of_sum = jnp.sum(e, axis=1) ** 2
    sum_of_square = jnp.sum(e ** 2, axis=1)
    return 0.5 * jnp.sum(square_of_sum - sum_of_square, axis=1, keepdims=True)


def _mlp(x, w1, b1, g1, be1, w2, b2, g2, be2, w3, b3):
    # Linear -> BatchNorm1d (eval mode: running_mean=0, running_var=1) -> ReLU -> (dropout no-op) x2, then output Linear
    h = x @ w1 + b1
    h = h / jnp.sqrt(1.0 + EPS) * g1 + be1
    h = jax.nn.relu(h)
    h = h @ w2 + b2
    h = h / jnp.sqrt(1.0 + EPS) * g2 + be2
    h = jax.nn.relu(h)
    return h @ w3 + b3


def reference(x_b, x_u, text, label, train, epoch, loss_fct, emb1, emb2, lin_w, lin_b, text_w, text_b, w1, b1, g1, be1, w2, b2, g2, be2, w3, b3):
    off1 = _offsets(FIELD_DIMS1)
    off2 = _offsets(FIELD_DIMS2)
    offc = _offsets(FIELD_DIMS1 + FIELD_DIMS2)
    # text branch (computed by the torch module even though add_text=False)
    text_embed = text @ text_w + text_b
    # FeaturesEmbedding: add per-field offsets, gather from one big table
    e_b = jnp.take(emb1, x_b + off1[None, :], axis=0)  # [B, 13, D]
    e_u = jnp.take(emb2, x_u + off2[None, :], axis=0)  # [B, 13, D]
    x_cat = jnp.concatenate([x_b, x_u], axis=1)
    # FeaturesLinear: gather 1-dim weights, sum over fields, add bias
    lin = jnp.sum(jnp.take(lin_w, x_cat + offc[None, :], axis=0), axis=1) + lin_b  # [B, 1]
    e_cat = jnp.concatenate([e_b, e_u], axis=1)  # [B, 26, D]
    flat = e_cat.reshape(e_cat.shape[0], -1)
    x_out = lin + _fm(e_cat) + _mlp(flat, w1, b1, g1, be1, w2, b2, g2, be2, w3, b3)
    out = jax.nn.sigmoid(jnp.squeeze(x_out, axis=1))
    # train is falsy -> torch module returns (out, 0, 0); we return out
    return out

if __name__ == "__main__":
    import jax
    _d = setup_inputs()
    print(jax.jit(kernel)(*tuple(_d.values())))

</pallas_src>

<mosaic_0001>
#map = affine_map<(d0, d1) -> (0, 0)>
#map1 = affine_map<(d0, d1) -> (0, 0, 0)>
module attributes {stable_mosaic.version = 14 : i64} {
  func.func @body(%arg0: i32, %arg1: i32, %arg2: memref<1300000x128xf32, #tpu.memory_space<hbm>>, %arg3: memref<1300000x128xf32, #tpu.memory_space<hbm>>, %arg4: memref<32x13x128xi32, #tpu.memory_space<hbm>>, %arg5: memref<32x13x128xi32, #tpu.memory_space<hbm>>, %arg6: memref<13x4096x128xf32, #tpu.memory_space<hbm>>, %arg7: memref<13x4096x128xf32, #tpu.memory_space<hbm>>, %arg8: memref<13x128xi32, #tpu.memory_space<vmem>>, %arg9: memref<6x128x128xf32, #tpu.memory_space<vmem>>, %arg10: memref<!tpu.dma_semaphore, #tpu.memory_space<semaphore_mem>>) attributes {dimension_semantics = [#tpu.dimension_semantics<core_parallel>, #tpu.dimension_semantics<subcore_parallel>], iteration_bounds = array<i64: 2, 16>, scalar_prefetch = 0 : i64, scratch_operands = 3 : i64, tpu.core_type = #tpu.core_type<sc_vector_subcore>, window_params = [{transform_indices = #map}, {transform_indices = #map}, {transform_indices = #map1}, {transform_indices = #map1}, {transform_indices = #map1}, {transform_indices = #map1}]} {
    %mul3A = arith.constant 2 : i32
    %mul3A_0 = arith.muli %arg1, %mul3A : i32
    %add3A = arith.addi %mul3A_0, %arg0 : i32
    "tpu.region"() ({
      %run_scoped3A_726 = tpu.sem_alloc : memref<!tpu.dma_semaphore, #tpu.memory_space<semaphore_mem>>
      %dma_start3A_727 = arith.constant 0 : i32
      %dma_start3A_728 = arith.constant 0 : i32
      %dma_start3A_729 = tpu.memref_slice %arg4[%add3A, %dma_start3A_727, %dma_start3A_728] : memref<32x13x128xi32, #tpu.memory_space<hbm>> -> memref<1x13x128xi32, #tpu.memory_space<hbm>>
      %dma_start3A_730 = tpu.memref_squeeze %dma_start3A_729 : memref<1x13x128xi32, #tpu.memory_space<hbm>> -> memref<13x128xi32, #tpu.memory_space<hbm>>
      %dma_start3A_731 = arith.constant 0 : i32
      %dma_start3A_732 = arith.constant 0 : i32
      %dma_start3A_733 = tpu.memref_slice %arg4[%add3A, %dma_start3A_731, %dma_start3A_732] : memref<32x13x128xi32, #tpu.memory_space<hbm>> -> memref<1x13x128xi32, #tpu.memory_space<hbm>>
      %dma_start3A_734 = tpu.memref_squeeze %dma_start3A_733 : memref<1x13x128xi32, #tpu.memory_space<hbm>> -> memref<13x128xi32, #tpu.memory_space<hbm>>
      tpu.enqueue_dma source(%dma_start3A_734 : memref<13x128xi32, #tpu.memory_space<hbm>>) target(%arg8 : memref<13x128xi32, #tpu.memory_space<vmem>>) target_semaphore(%run_scoped3A_726 : memref<!tpu.dma_semaphore, #tpu.memory_space<semaphore_mem>>)
      %dma_wait3A_735 = arith.constant 0 : i32
      %dma_wait3A_736 = arith.constant 0 : i32
      %dma_wait3A_737 = tpu.memref_slice %arg4[%add3A, %dma_wait3A_735, %dma_wait3A_736] : memref<32x13x128xi32, #tpu.memory_space<hbm>> -> memref<1x13x128xi32, #tpu.memory_space<hbm>>
      %dma_wait3A_738 = tpu.memref_squeeze %dma_wait3A_737 : memref<1x13x128xi32, #tpu.memory_space<hbm>> -> memref<13x128xi32, #tpu.memory_space<hbm>>
      %dma_wait3A_739 = arith.constant 0 : i32
      %dma_wait3A_740 = arith.constant 0 : i32
      %dma_wait3A_741 = tpu.memref_slice %arg4[%add3A, %dma_wait3A_739, %dma_wait3A_740] : memref<32x13x128xi32, #tpu.memory_space<hbm>> -> memref<1x13x128xi32, #tpu.memory_space<hbm>>
      %dma_wait3A_742 = tpu.memref_squeeze %dma_wait3A_741 : memref<1x13x128xi32, #tpu.memory_space<hbm>> -> memref<13x128xi32, #tpu.memory_space<hbm>>
      tpu.wait_dma2 semaphore(%run_scoped3A_726 : memref<!tpu.dma_semaphore, #tpu.memory_space<semaphore_mem>>) src(%dma_wait3A_742 : memref<13x128xi32, #tpu.memory_space<hbm>>) dst(%arg8 : memref<13x128xi32, #tpu.memory_space<vmem>>)
      tpu.yield
    }) : () -> ()
    %dma_start3A = arith.constant 0 : i32
    %dma_start3A_1 = arith.constant 0 : i32
    %dma_start3A_2 = arith.constant 0 : i32
    %dma_start3A_3 = arith.constant 0 : i32
    %dma_start3A_4 = tpu.memref_slice %arg9[%dma_start3A_1, %dma_start3A_2, %dma_start3A_3] : memref<6x128x128xf32, #tpu.memory_space<vmem>> -> memref<1x128x128xf32, #tpu.memory_space<vmem>>
    %dma_start3A_5 = tpu.memref_squeeze %dma_start3A_4 : memref<1x128x128xf32, #tpu.memory_space<vmem>> -> memref<128x128xf32, #tpu.memory_space<vmem>>
    %dma_start3A_6 = arith.constant 0 : i32
    %dma_start3A_7 = tpu.memref_slice %arg8[%dma_start3A, %dma_start3A_6] : memref<13x128xi32, #tpu.memory_space<vmem>> -> memref<1x128xi32, #tpu.memory_space<vmem>>
    %dma_start3A_8 = tpu.memref_squeeze %dma_start3A_7 : memref<1x128xi32, #tpu.memory_space<vmem>> -> memref<128xi32, #tpu.memory_space<vmem>>
    %dma_start3A_9 = arith.constant 0 : i32
    %dma_start3A_10 = arith.constant 0 : i32
    %dma_start3A_11 = tpu.memref_slice %arg2[%dma_start3A_9, %dma_start3A_10] : memref<1300000x128xf32, #tpu.memory_space<hbm>> -> memref<1300000x128xf32, #tpu.memory_space<hbm>>
    tpu.enqueue_indirect_dma source(%dma_start3A_11 : memref<1300000x128xf32, #tpu.memory_space<hbm>>) target(%dma_start3A_5 : memref<128x128xf32, #tpu.memory_space<vmem>>) offsets(%dma_start3A_8 : memref<128xi32, #tpu.memory_space<vmem>>) semaphore(%arg10 : memref<!tpu.dma_semaphore, #tpu.memory_space<semaphore_mem>>)
    %dma_start3A_12 = arith.constant 1 : i32
    %dma_start3A_13 = arith.constant 1 : i32
    %dma_start3A_14 = arith.constant 0 : i32
    %dma_start3A_15 = arith.constant 0 : i32
    %dma_start3A_16 = tpu.memref_slice %arg9[%dma_start3A_13, %dma_start3A_14, %dma_start3A_15] : memref<6x128x128xf32, #tpu.memory_space<vmem>> -> memref<1x128x128xf32, #tpu.memory_space<vmem>>
    %dma_start3A_17 = tpu.memref_squeeze %dma_start3A_16 : memref<1x128x128xf32, #tpu.memory_space<vmem>> -> memref<128x128xf32, #tpu.memory_space<vmem>>
    %dma_start3A_18 = arith.constant 0 : i32
    %dma_start3A_19 = tpu.memref_slice %arg8[%dma_start3A_12, %dma_start3A_18] : memref<13x128xi32, #tpu.memory_space<vmem>> -> memref<1x128xi32, #tpu.memory_space<vmem>>
    %dma_start3A_20 = tpu.memref_squeeze %dma_start3A_19 : memref<1x128xi32, #tpu.memory_space<vmem>> -> memref<128xi32, #tpu.memory_space<vmem>>
    %dma_start3A_21 = arith.constant 0 : i32
    %dma_start3A_22 = arith.constant 0 : i32
    %dma_start3A_23 = tpu.memref_slice %arg2[%dma_start3A_21, %dma_start3A_22] : memref<1300000x128xf32, #tpu.memory_space<hbm>> -> memref<1300000x128xf32, #tpu.memory_space<hbm>>
    tpu.enqueue_indirect_dma source(%dma_start3A_23 : memref<1300000x128xf32, #tpu.memory_space<hbm>>) target(%dma_start3A_17 : memref<128x128xf32, #tpu.memory_space<vmem>>) offsets(%dma_start3A_20 : memref<128xi32, #tpu.memory_space<vmem>>) semaphore(%arg10 : memref<!tpu.dma_semaphore, #tpu.memory_space<semaphore_mem>>)
    %dma_start3A_24 = arith.constant 2 : i32
    %dma_start3A_25 = arith.constant 2 : i32
    %dma_start3A_26 = arith.constant 0 : i32
    %dma_start3A_27 = arith.constant 0 : i32
    %dma_start3A_28 = tpu.memref_slice %arg9[%dma_start3A_25, %dma_start3A_26, %dma_start3A_27] : memref<6x128x128xf32, #tpu.memory_space<vmem>> -> memref<1x128x128xf32, #tpu.memory_space<vmem>>
    %dma_start3A_29 = tpu.memref_squeeze %dma_start3A_28 : memref<1x128x128xf32, #tpu.memory_space<vmem>> -> memref<128x128xf32, #tpu.memory_space<vmem>>
    %dma_start3A_30 = arith.constant 0 : i32
    %dma_start3A_31 = tpu.memref_slice %arg8[%dma_start3A_24, %dma_start3A_30] : memref<13x128xi32, #tpu.memory_space<vmem>> -> memref<1x128xi32, #tpu.memory_space<vmem>>
    %dma_start3A_32 = tpu.memref_squeeze %dma_start3A_31 : memref<1x128xi32, #tpu.memory_space<vmem>> -> memref<128xi32, #tpu.memory_space<vmem>>
    %dma_start3A_33 = arith.constant 0 : i32
    %dma_start3A_34 = arith.constant 0 : i32
    %dma_start3A_35 = tpu.memref_slice %arg2[%dma_start3A_33, %dma_start3A_34] : memref<1300000x128xf32, #tpu.memory_space<hbm>> -> memref<1300000x128xf32, #tpu.memory_space<hbm>>
    tpu.enqueue_indirect_dma source(%dma_start3A_35 : memref<1300000x128xf32, #tpu.memory_space<hbm>>) target(%dma_start3A_29 : memref<128x128xf32, #tpu.memory_space<vmem>>) offsets(%dma_start3A_32 : memref<128xi32, #tpu.memory_space<vmem>>) semaphore(%arg10 : memref<!tpu.dma_semaphore, #tpu.memory_space<semaphore_mem>>)
    %dma_start3A_36 = arith.constant 3 : i32
    %dma_start3A_37 = arith.constant 3 : i32
    %dma_start3A_38 = arith.constant 0 : i32
    %dma_start3A_39 = arith.constant 0 : i32
    %dma_start3A_40 = tpu.memref_slice %arg9[%dma_start3A_37, %dma_start3A_38, %dma_start3A_39] : memref<6x128x128xf32, #tpu.memory_space<vmem>> -> memref<1x128x128xf32, #tpu.memory_space<vmem>>
    %dma_start3A_41 = tpu.memref_squeeze %dma_start3A_40 : memref<1x128x128xf32, #tpu.memory_space<vmem>> -> memref<128x128xf32, #tpu.memory_space<vmem>>
    %dma_start3A_42 = arith.constant 0 : i32
    %dma_start3A_43 = tpu.memref_slice %arg8[%dma_start3A_36, %dma_start3A_42] : memref<13x128xi32, #tpu.memory_space<vmem>> -> memref<1x128xi32, #tpu.memory_space<vmem>>
    %dma_start3A_44 = tpu.memref_squeeze %dma_start3A_43 : memref<1x128xi32, #tpu.memory_space<vmem>> -> memref<128xi32, #tpu.memory_space<vmem>>
    %dma_start3A_45 = arith.constant 0 : i32
    %dma_start3A_46 = arith.constant 0 : i32
    %dma_start3A_47 = tpu.memref_slice %arg2[%dma_start3A_45, %dma_start3A_46] : memref<1300000x128xf32, #tpu.memory_space<hbm>> -> memref<1300000x128xf32, #tpu.memory_space<hbm>>
    tpu.enqueue_indirect_dma source(%dma_start3A_47 : memref<1300000x128xf32, #tpu.memory_space<hbm>>) target(%dma_start3A_41 : memref<128x128xf32, #tpu.memory_space<vmem>>) offsets(%dma_start3A_44 : memref<128xi32, #tpu.memory_space<vmem>>) semaphore(%arg10 : memref<!tpu.dma_semaphore, #tpu.memory_space<semaphore_mem>>)
    %dma_start3A_48 = arith.constant 4 : i32
    %dma_start3A_49 = arith.constant 4 : i32
    %dma_start3A_50 = arith.constant 0 : i32
    %dma_start3A_51 = arith.constant 0 : i32
    %dma_start3A_52 = tpu.memref_slice %arg9[%dma_start3A_49, %dma_start3A_50, %dma_start3A_51] : memref<6x128x128xf32, #tpu.memory_space<vmem>> -> memref<1x128x128xf32, #tpu.memory_space<vmem>>
    %dma_start3A_53 = tpu.memref_squeeze %dma_start3A_52 : memref<1x128x128xf32, #tpu.memory_space<vmem>> -> memref<128x128xf32, #tpu.memory_space<vmem>>
    %dma_start3A_54 = arith.constant 0 : i32
    %dma_start3A_55 = tpu.memref_slice %arg8[%dma_start3A_48, %dma_start3A_54] : memref<13x128xi32, #tpu.memory_space<vmem>> -> memref<1x128xi32, #tpu.memory_space<vmem>>
    %dma_start3A_56 = tpu.memref_squeeze %dma_start3A_55 : memref<1x128xi32, #tpu.memory_space<vmem>> -> memref<128xi32, #tpu.memory_space<vmem>>
    %dma_start3A_57 = arith.constant 0 : i32
    %dma_start3A_58 = arith.constant 0 : i32
    %dma_start3A_59 = tpu.memref_slice %arg2[%dma_start3A_57, %dma_start3A_58] : memref<1300000x128xf32, #tpu.memory_space<hbm>> -> memref<1300000x128xf32, #tpu.memory_space<hbm>>
    tpu.enqueue_indirect_dma source(%dma_start3A_59 : memref<1300000x128xf32, #tpu.memory_space<hbm>>) target(%dma_start3A_53 : memref<128x128xf32, #tpu.memory_space<vmem>>) offsets(%dma_start3A_56 : memref<128xi32, #tpu.memory_space<vmem>>) semaphore(%arg10 : memref<!tpu.dma_semaphore, #tpu.memory_space<semaphore_mem>>)
    %dma_start3A_60 = arith.constant 5 : i32
    %dma_start3A_61 = arith.constant 5 : i32
    %dma_start3A_62 = arith.constant 0 : i32
    %dma_start3A_63 = arith.constant 0 : i32
    %dma_start3A_64 = tpu.memref_slice %arg9[%dma_start3A_61, %dma_start3A_62, %dma_start3A_63] : memref<6x128x128xf32, #tpu.memory_space<vmem>> -> memref<1x128x128xf32, #tpu.memory_space<vmem>>
    %dma_start3A_65 = tpu.memref_squeeze %dma_start3A_64 : memref<1x128x128xf32, #tpu.memory_space<vmem>> -> memref<128x128xf32, #tpu.memory_space<vmem>>
    %dma_start3A_66 = arith.constant 0 : i32
    %dma_start3A_67 = tpu.memref_slice %arg8[%dma_start3A_60, %dma_start3A_66] : memref<13x128xi32, #tpu.memory_space<vmem>> -> memref<1x128xi32, #tpu.memory_space<vmem>>
    %dma_start3A_68 = tpu.memref_squeeze %dma_start3A_67 : memref<1x128xi32, #tpu.memory_space<vmem>> -> memref<128xi32, #tpu.memory_space<vmem>>
    %dma_start3A_69 = arith.constant 0 : i32
    %dma_start3A_70 = arith.constant 0 : i32
    %dma_start3A_71 = tpu.memref_slice %arg2[%dma_start3A_69, %dma_start3A_70] : memref<1300000x128xf32, #tpu.memory_space<hbm>> -> memref<1300000x128xf32, #tpu.memory_space<hbm>>
    tpu.enqueue_indirect_dma source(%dma_start3A_71 : memref<1300000x128xf32, #tpu.memory_space<hbm>>) target(%dma_start3A_65 : memref<128x128xf32, #tpu.memory_space<vmem>>) offsets(%dma_start3A_68 : memref<128xi32, #tpu.memory_space<vmem>>) semaphore(%arg10 : memref<!tpu.dma_semaphore, #tpu.memory_space<semaphore_mem>>)
    %dma_wait3A = arith.constant 0 : i32
    %dma_wait3A_72 = arith.constant 0 : i32
    %dma_wait3A_73 = arith.constant 0 : i32
    %dma_wait3A_74 = arith.constant 0 : i32
    %dma_wait3A_75 = tpu.memref_slice %arg9[%dma_wait3A_72, %dma_wait3A_73, %dma_wait3A_74] : memref<6x128x128xf32, #tpu.memory_space<vmem>> -> memref<1x128x128xf32, #tpu.memory_space<vmem>>
    %dma_wait3A_76 = tpu.memref_squeeze %dma_wait3A_75 : memref<1x128x128xf32, #tpu.memory_space<vmem>> -> memref<128x128xf32, #tpu.memory_space<vmem>>
    %dma_wait3A_77 = arith.constant 0 : i32
    %dma_wait3A_78 = tpu.memref_slice %arg8[%dma_wait3A, %dma_wait3A_77] : memref<13x128xi32, #tpu.memory_space<vmem>> -> memref<1x128xi32, #tpu.memory_space<vmem>>
    %dma_wait3A_79 = tpu.memref_squeeze %dma_wait3A_78 : memref<1x128xi32, #tpu.memory_space<vmem>> -> memref<128xi32, #tpu.memory_space<vmem>>
    %dma_wait3A_80 = arith.constant 0 : i32
    %dma_wait3A_81 = arith.constant 0 : i32
    %dma_wait3A_82 = tpu.memref_slice %arg2[%dma_wait3A_80, %dma_wait3A_81] : memref<1300000x128xf32, #tpu.memory_space<hbm>> -> memref<1300000x128xf32, #tpu.memory_space<hbm>>
    tpu.wait_indirect_dma semaphore(%arg10 : memref<!tpu.dma_semaphore, #tpu.memory_space<semaphore_mem>>) src(%dma_wait3A_82 : memref<1300000x128xf32, #tpu.memory_space<hbm>>) dst(%dma_wait3A_76 : memref<128x128xf32, #tpu.memory_space<vmem>>)
    %mul3A_83 = arith.constant 128 : i32
    %mul3A_84 = arith.muli %add3A, %mul3A_83 : i32
    %run_scoped3A = arith.constant 0 : i32
    %run_scoped3A_85 = arith.constant 0 : i32
    "tpu.region"() ({
      %run_scoped3A_726 = tpu.sem_alloc : memref<!tpu.dma_semaphore, #tpu.memory_space<semaphore_mem>>
      %dma_start3A_727 = arith.constant 0 : i32
      %dma_start3A_728 = arith.constant 0 : i32
      %dma_start3A_729 = tpu.memref_slice %arg9[%run_scoped3A, %dma_start3A_727, %dma_start3A_728] : memref<6x128x128xf32, #tpu.memory_space<vmem>> -> memref<1x128x128xf32, #tpu.memory_space<vmem>>
      %dma_start3A_730 = tpu.memref_squeeze %dma_start3A_729 : memref<1x128x128xf32, #tpu.memory_space<vmem>> -> memref<128x128xf32, #tpu.memory_space<vmem>>
      %dma_start3A_731 = arith.constant 0 : i32
      %dma_start3A_732 = tpu.memref_slice %arg6[%run_scoped3A_85, %mul3A_84, %dma_start3A_731] : memref<13x4096x128xf32, #tpu.memory_space<hbm>> -> memref<1x128x128xf32, #tpu.memory_space<hbm>>
      %dma_start3A_733 = tpu.memref_squeeze %dma_start3A_732 : memref<1x128x128xf32, #tpu.memory_space<hbm>> -> memref<128x128xf32, #tpu.memory_space<hbm>>
      %dma_start3A_734 = arith.constant 0 : i32
      %dma_start3A_735 = tpu.memref_slice %arg6[%run_scoped3A_85, %mul3A_84, %dma_start3A_734] : memref<13x4096x128xf32, #tpu.memory_space<hbm>> -> memref<1x128x128xf32, #tpu.memory_space<hbm>>
      %dma_start3A_736 = tpu.memref_squeeze %dma_start3A_735 : memref<1x128x128xf32, #tpu.memory_space<hbm>> -> memref<128x128xf32, #tpu.memory_space<hbm>>
      %dma_start3A_737 = arith.constant 0 : i32
      %dma_start3A_738 = arith.constant 0 : i32
      %dma_start3A_739 = tpu.memref_slice %arg9[%run_scoped3A, %dma_start3A_737, %dma_start3A_738] : memref<6x128x128xf32, #tpu.memory_space<vmem>> -> memref<1x128x128xf32, #tpu.memory_space<vmem>>
      %dma_start3A_740 = tpu.memref_squeeze %dma_start3A_739 : memref<1x128x128xf32, #tpu.memory_space<vmem>> -> memref<128x128xf32, #tpu.memory_space<vmem>>
      tpu.enqueue_dma source(%dma_start3A_740 : memref<128x128xf32, #tpu.memory_space<vmem>>) target(%dma_start3A_736 : memref<128x128xf32, #tpu.memory_space<hbm>>) target_semaphore(%run_scoped3A_726 : memref<!tpu.dma_semaphore, #tpu.memory_space<semaphore_mem>>)
      %dma_wait3A_741 = arith.constant 0 : i32
      %dma_wait3A_742 = arith.constant 0 : i32
      %dma_wait3A_743 = tpu.memref_slice %arg9[%run_scoped3A, %dma_wait3A_741, %dma_wait3A_742] : memref<6x128x128xf32, #tpu.memory_space<vmem>> -> memref<1x128x128xf32, #tpu.memory_space<vmem>>
      %dma_wait3A_744 = tpu.memref_squeeze %dma_wait3A_743 : memref<1x128x128xf32, #tpu.memory_space<vmem>> -> memref<128x128xf32, #tpu.memory_space<vmem>>
      %dma_wait3A_745 = arith.constant 0 : i32
      %dma_wait3A_746 = tpu.memref_slice %arg6[%run_scoped3A_85, %mul3A_84, %dma_wait3A_745] : memref<13x4096x128xf32, #tpu.memory_space<hbm>> -> memref<1x128x128xf32, #tpu.memory_space<hbm>>
      %dma_wait3A_747 = tpu.memref_squeeze %dma_wait3A_746 : memref<1x128x128xf32, #tpu.memory_space<hbm>> -> memref<128x128xf32, #tpu.memory_space<hbm>>
      %dma_wait3A_748 = arith.constant 0 : i32
      %dma_wait3A_749 = tpu.memref_slice %arg6[%run_scoped3A_85, %mul3A_84, %dma_wait3A_748] : memref<13x4096x128xf32, #tpu.memory_space<hbm>> -> memref<1x128x128xf32, #tpu.memory_space<hbm>>
      %dma_wait3A_750 = tpu.memref_squeeze %dma_wait3A_749 : memref<1x128x128xf32, #tpu.memory_space<hbm>> -> memref<128x128xf32, #tpu.memory_space<hbm>>
      %dma_wait3A_751 = arith.constant 0 : i32
      %dma_wait3A_752 = arith.constant 0 : i32
      %dma_wait3A_753 = tpu.memref_slice %arg9[%run_scoped3A, %dma_wait3A_751, %dma_wait3A_752] : memref<6x128x128xf32, #tpu.memory_space<vmem>> -> memref<1x128x128xf32, #tpu.memory_space<vmem>>
      %dma_wait3A_754 = tpu.memref_squeeze %dma_wait3A_753 : memref<1x128x128xf32, #tpu.memory_space<vmem>> -> memref<128x128xf32, #tpu.memory_space<vmem>>
      tpu.wait_dma2 semaphore(%run_scoped3A_726 : memref<!tpu.dma_semaphore, #tpu.memory_space<semaphore_mem>>) src(%dma_wait3A_754 : memref<128x128xf32, #tpu.memory_space<vmem>>) dst(%dma_wait3A_750 : memref<128x128xf32, #tpu.memory_space<hbm>>)
      tpu.yield
    }) : () -> ()
    %dma_start3A_86 = arith.constant 6 : i32
    %dma_start3A_87 = arith.constant 0 : i32
    %dma_start3A_88 = arith.constant 0 : i32
    %dma_start3A_89 = arith.constant 0 : i32
    %dma_start3A_90 = tpu.memref_slice %arg9[%dma_start3A_87, %dma_start3A_88, %dma_start3A_89] : memref<6x128x128xf32, #tpu.memory_space<vmem>> -> memref<1x128x128xf32, #tpu.memory_space<vmem>>
    %dma_start3A_91 = tpu.memref_squeeze %dma_start3A_90 : memref<1x128x128xf32, #tpu.memory_space<vmem>> -> memref<128x128xf32, #tpu.memory_space<vmem>>
    %dma_start3A_92 = arith.constant 0 : i32
    %dma_start3A_93 = tpu.memref_slice %arg8[%dma_start3A_86, %dma_start3A_92] : memref<13x128xi32, #tpu.memory_space<vmem>> -> memref<1x128xi32, #tpu.memory_space<vmem>>
    %dma_start3A_94 = tpu.memref_squeeze %dma_start3A_93 : memref<1x128xi32, #tpu.memory_space<vmem>> -> memref<128xi32, #tpu.memory_space<vmem>>
    %dma_start3A_95 = arith.constant 0 : i32
    %dma_start3A_96 = arith.constant 0 : i32
    %dma_start3A_97 = tpu.memref_slice %arg2[%dma_start3A_95, %dma_start3A_96] : memref<1300000x128xf32, #tpu.memory_space<hbm>> -> memref<1300000x128xf32, #tpu.memory_space<hbm>>
    tpu.enqueue_indirect_dma source(%dma_start3A_97 : memref<1300000x128xf32, #tpu.memory_space<hbm>>) target(%dma_start3A_91 : memref<128x128xf32, #tpu.memory_space<vmem>>) offsets(%dma_start3A_94 : memref<128xi32, #tpu.memory_space<vmem>>) semaphore(%arg10 : memref<!tpu.dma_semaphore, #tpu.memory_space<semaphore_mem>>)
    %dma_wait3A_98 = arith.constant 1 : i32
    %dma_wait3A_99 = arith.constant 1 : i32
    %dma_wait3A_100 = arith.constant 0 : i32
    %dma_wait3A_101 = arith.constant 0 : i32
    %dma_wait3A_102 = tpu.memref_slice %arg9[%dma_wait3A_99, %dma_wait3A_100, %dma_wait3A_101] : memref<6x128x128xf32, #tpu.memory_space<vmem>> -> memref<1x128x128xf32, #tpu.memory_space<vmem>>
    %dma_wait3A_103 = tpu.memref_squeeze %dma_wait3A_102 : memref<1x128x128xf32, #tpu.memory_space<vmem>> -> memref<128x128xf32, #tpu.memory_space<vmem>>
    %dma_wait3A_104 = arith.constant 0 : i32
    %dma_wait3A_105 = tpu.memref_slice %arg8[%dma_wait3A_98, %dma_wait3A_104] : memref<13x128xi32, #tpu.memory_space<vmem>> -> memref<1x128xi32, #tpu.memory_space<vmem>>
    %dma_wait3A_106 = tpu.memref_squeeze %dma_wait3A_105 : memref<1x128xi32, #tpu.memory_space<vmem>> -> memref<128xi32, #tpu.memory_space<vmem>>
    %dma_wait3A_107 = arith.constant 0 : i32
    %dma_wait3A_108 = arith.constant 0 : i32
    %dma_wait3A_109 = tpu.memref_slice %arg2[%dma_wait3A_107, %dma_wait3A_108] : memref<1300000x128xf32, #tpu.memory_space<hbm>> -> memref<1300000x128xf32, #tpu.memory_space<hbm>>
    tpu.wait_indirect_dma semaphore(%arg10 : memref<!tpu.dma_semaphore, #tpu.memory_space<semaphore_mem>>) src(%dma_wait3A_109 : memref<1300000x128xf32, #tpu.memory_space<hbm>>) dst(%dma_wait3A_103 : memref<128x128xf32, #tpu.memory_space<vmem>>)
    %mul3A_110 = arith.constant 128 : i32
    %mul3A_111 = arith.muli %add3A, %mul3A_110 : i32
    %run_scoped3A_112 = arith.constant 1 : i32
    %run_scoped3A_113 = arith.constant 1 : i32
    "tpu.region"() ({
      %run_scoped3A_726 = tpu.sem_alloc : memref<!tpu.dma_semaphore, #tpu.memory_space<semaphore_mem>>
      %dma_start3A_727 = arith.constant 0 : i32
      %dma_start3A_728 = arith.constant 0 : i32
      %dma_start3A_729 = tpu.memref_slice %arg9[%run_scoped3A_112, %dma_start3A_727, %dma_start3A_728] : memref<6x128x128xf32, #tpu.memory_space<vmem>> -> memref<1x128x128xf32, #tpu.memory_space<vmem>>
      %dma_start3A_730 = tpu.memref_squeeze %dma_start3A_729 : memref<1x128x128xf32, #tpu.memory_space<vmem>> -> memref<128x128xf32, #tpu.memory_space<vmem>>
      %dma_start3A_731 = arith.constant 0 : i32
      %dma_start3A_732 = tpu.memref_slice %arg6[%run_scoped3A_113, %mul3A_111, %dma_start3A_731] : memref<13x4096x128xf32, #tpu.memory_space<hbm>> -> memref<1x128x128xf32, #tpu.memory_space<hbm>>
      %dma_start3A_733 = tpu.memref_squeeze %dma_start3A_732 : memref<1x128x128xf32, #tpu.memory_space<hbm>> -> memref<128x128xf32, #tpu.memory_space<hbm>>
      %dma_start3A_734 = arith.constant 0 : i32
      %dma_start3A_735 = tpu.memref_slice %arg6[%run_scoped3A_113, %mul3A_111, %dma_start3A_734] : memref<13x4096x128xf32, #tpu.memory_space<hbm>> -> memref<1x128x128xf32, #tpu.memory_space<hbm>>
      %dma_start3A_736 = tpu.memref_squeeze %dma_start3A_735 : memref<1x128x128xf32, #tpu.memory_space<hbm>> -> memref<128x128xf32, #tpu.memory_space<hbm>>
      %dma_start3A_737 = arith.constant 0 : i32
      %dma_start3A_738 = arith.constant 0 : i32
      %dma_start3A_739 = tpu.memref_slice %arg9[%run_scoped3A_112, %dma_start3A_737, %dma_start3A_738] : memref<6x128x128xf32, #tpu.memory_space<vmem>> -> memref<1x128x128xf32, #tpu.memory_space<vmem>>
      %dma_start3A_740 = tpu.memref_squeeze %dma_start3A_739 : memref<1x128x128xf32, #tpu.memory_space<vmem>> -> memref<128x128xf32, #tpu.memory_space<vmem>>
      tpu.enqueue_dma source(%dma_start3A_740 : memref<128x128xf32, #tpu.memory_space<vmem>>) target(%dma_start3A_736 : memref<128x128xf32, #tpu.memory_space<hbm>>) target_semaphore(%run_scoped3A_726 : memref<!tpu.dma_semaphore, #tpu.memory_space<semaphore_mem>>)
      %dma_wait3A_741 = arith.constant 0 : i32
      %dma_wait3A_742 = arith.constant 0 : i32
      %dma_wait3A_743 = tpu.memref_slice %arg9[%run_scoped3A_112, %dma_wait3A_741, %dma_wait3A_742] : memref<6x128x128xf32, #tpu.memory_space<vmem>> -> memref<1x128x128xf32, #tpu.memory_space<vmem>>
      %dma_wait3A_744 = tpu.memref_squeeze %dma_wait3A_743 : memref<1x128x128xf32, #tpu.memory_space<vmem>> -> memref<128x128xf32, #tpu.memory_space<vmem>>
      %dma_wait3A_745 = arith.constant 0 : i32
      %dma_wait3A_746 = tpu.memref_slice %arg6[%run_scoped3A_113, %mul3A_111, %dma_wait3A_745] : memref<13x4096x128xf32, #tpu.memory_space<hbm>> -> memref<1x128x128xf32, #tpu.memory_space<hbm>>
      %dma_wait3A_747 = tpu.memref_squeeze %dma_wait3A_746 : memref<1x128x128xf32, #tpu.memory_space<hbm>> -> memref<128x128xf32, #tpu.memory_space<hbm>>
      %dma_wait3A_748 = arith.constant 0 : i32
      %dma_wait3A_749 = tpu.memref_slice %arg6[%run_scoped3A_113, %mul3A_111, %dma_wait3A_748] : memref<13x4096x128xf32, #tpu.memory_space<hbm>> -> memref<1x128x128xf32, #tpu.memory_space<hbm>>
      %dma_wait3A_750 = tpu.memref_squeeze %dma_wait3A_749 : memref<1x128x128xf32, #tpu.memory_space<hbm>> -> memref<128x128xf32, #tpu.memory_space<hbm>>
      %dma_wait3A_751 = arith.constant 0 : i32
      %dma_wait3A_752 = arith.constant 0 : i32
      %dma_wait3A_753 = tpu.memref_slice %arg9[%run_scoped3A_112, %dma_wait3A_751, %dma_wait3A_752] : memref<6x128x128xf32, #tpu.memory_space<vmem>> -> memref<1x128x128xf32, #tpu.memory_space<vmem>>
      %dma_wait3A_754 = tpu.memref_squeeze %dma_wait3A_753 : memref<1x128x128xf32, #tpu.memory_space<vmem>> -> memref<128x128xf32, #tpu.memory_space<vmem>>
      tpu.wait_dma2 semaphore(%run_scoped3A_726 : memref<!tpu.dma_semaphore, #tpu.memory_space<semaphore_mem>>) src(%dma_wait3A_754 : memref<128x128xf32, #tpu.memory_space<vmem>>) dst(%dma_wait3A_750 : memref<128x128xf32, #tpu.memory_space<hbm>>)
      tpu.yield
    }) : () -> ()
    %dma_start3A_114 = arith.constant 7 : i32
    %dma_start3A_115 = arith.constant 1 : i32
    %dma_start3A_116 = arith.constant 0 : i32
    %dma_start3A_117 = arith.constant 0 : i32
    %dma_start3A_118 = tpu.memref_slice %arg9[%dma_start3A_115, %dma_start3A_116, %dma_start3A_117] : memref<6x128x128xf32, #tpu.memory_space<vmem>> -> memref<1x128x128xf32, #tpu.memory_space<vmem>>
    %dma_start3A_119 = tpu.memref_squeeze %dma_start3A_118 : memref<1x128x128xf32, #tpu.memory_space<vmem>> -> memref<128x128xf32, #tpu.memory_space<vmem>>
    %dma_start3A_120 = arith.constant 0 : i32
    %dma_start3A_121 = tpu.memref_slice %arg8[%dma_start3A_114, %dma_start3A_120] : memref<13x128xi32, #tpu.memory_space<vmem>> -> memref<1x128xi32, #tpu.memory_space<vmem>>
    %dma_start3A_122 = tpu.memref_squeeze %dma_start3A_121 : memref<1x128xi32, #tpu.memory_space<vmem>> -> memref<128xi32, #tpu.memory_space<vmem>>
    %dma_start3A_123 = arith.constant 0 : i32
    %dma_start3A_124 = arith.constant 0 : i32
    %dma_start3A_125 = tpu.memref_slice %arg2[%dma_start3A_123, %dma_start3A_124] : memref<1300000x128xf32, #tpu.memory_space<hbm>> -> memref<1300000x128xf32, #tpu.memory_space<hbm>>
    tpu.enqueue_indirect_dma source(%dma_start3A_125 : memref<1300000x128xf32, #tpu.memory_space<hbm>>) target(%dma_start3A_119 : memref<128x128xf32, #tpu.memory_space<vmem>>) offsets(%dma_start3A_122 : memref<128xi32, #tpu.memory_space<vmem>>) semaphore(%arg10 : memref<!tpu.dma_semaphore, #tpu.memory_space<semaphore_mem>>)
    %dma_wait3A_126 = arith.constant 2 : i32
    %dma_wait3A_127 = arith.constant 2 : i32
    %dma_wait3A_128 = arith.constant 0 : i32
    %dma_wait3A_129 = arith.constant 0 : i32
    %dma_wait3A_130 = tpu.memref_slice %arg9[%dma_wait3A_127, %dma_wait3A_128, %dma_wait3A_129] : memref<6x128x128xf32, #tpu.memory_space<vmem>> -> memref<1x128x128xf32, #tpu.memory_space<vmem>>
    %dma_wait3A_131 = tpu.memref_squeeze %dma_wait3A_130 : memref<1x128x128xf32, #tpu.memory_space<vmem>> -> memref<128x128xf32, #tpu.memory_space<vmem>>
    %dma_wait3A_132 = arith.constant 0 : i32
    %dma_wait3A_133 = tpu.memref_slice %arg8[%dma_wait3A_126, %dma_wait3A_132] : memref<13x128xi32, #tpu.memory_space<vmem>> -> memref<1x128xi32, #tpu.memory_space<vmem>>
    %dma_wait3A_134 = tpu.memref_squeeze %dma_wait3A_133 : memref<1x128xi32, #tpu.memory_space<vmem>> -> memref<128xi32, #tpu.memory_space<vmem>>
    %dma_wait3A_135 = arith.constant 0 : i32
    %dma_wait3A_136 = arith.constant 0 : i32
    %dma_wait3A_137 = tpu.memref_slice %arg2[%dma_wait3A_135, %dma_wait3A_136] : memref<1300000x128xf32, #tpu.memory_space<hbm>> -> memref<1300000x128xf32, #tpu.memory_space<hbm>>
    tpu.wait_indirect_dma semaphore(%arg10 : memref<!tpu.dma_semaphore, #tpu.memory_space<semaphore_mem>>) src(%dma_wait3A_137 : memref<1300000x128xf32, #tpu.memory_space<hbm>>) dst(%dma_wait3A_131 : memref<128x128xf32, #tpu.memory_space<vmem>>)
    %mul3A_138 = arith.constant 128 : i32
    %mul3A_139 = arith.muli %add3A, %mul3A_138 : i32
    %run_scoped3A_140 = arith.constant 2 : i32
    %run_scoped3A_141 = arith.constant 2 : i32
    "tpu.region"() ({
      %run_scoped3A_726 = tpu.sem_alloc : memref<!tpu.dma_semaphore, #tpu.memory_space<semaphore_mem>>
      %dma_start3A_727 = arith.constant 0 : i32
      %dma_start3A_728 = arith.constant 0 : i32
      %dma_start3A_729 = tpu.memref_slice %arg9[%run_scoped3A_140, %dma_start3A_727, %dma_start3A_728] : memref<6x128x128xf32, #tpu.memory_space<vmem>> -> memref<1x128x128xf32, #tpu.memory_space<vmem>>
      %dma_start3A_730 = tpu.memref_squeeze %dma_start3A_729 : memref<1x128x128xf32, #tpu.memory_space<vmem>> -> memref<128x128xf32, #tpu.memory_space<vmem>>
      %dma_start3A_731 = arith.constant 0 : i32
      %dma_start3A_732 = tpu.memref_slice %arg6[%run_scoped3A_141, %mul3A_139, %dma_start3A_731] : memref<13x4096x128xf32, #tpu.memory_space<hbm>> -> memref<1x128x128xf32, #tpu.memory_space<hbm>>
      %dma_start3A_733 = tpu.memref_squeeze %dma_start3A_732 : memref<1x128x128xf32, #tpu.memory_space<hbm>> -> memref<128x128xf32, #tpu.memory_space<hbm>>
      %dma_start3A_734 = arith.constant 0 : i32
      %dma_start3A_735 = tpu.memref_slice %arg6[%run_scoped3A_141, %mul3A_139, %dma_start3A_734] : memref<13x4096x128xf32, #tpu.memory_space<hbm>> -> memref<1x128x128xf32, #tpu.memory_space<hbm>>
      %dma_start3A_736 = tpu.memref_squeeze %dma_start3A_735 : memref<1x128x128xf32, #tpu.memory_space<hbm>> -> memref<128x128xf32, #tpu.memory_space<hbm>>
      %dma_start3A_737 = arith.constant 0 : i32
      %dma_start3A_738 = arith.constant 0 : i32
      %dma_start3A_739 = tpu.memref_slice %arg9[%run_scoped3A_140, %dma_start3A_737, %dma_start3A_738] : memref<6x128x128xf32, #tpu.memory_space<vmem>> -> memref<1x128x128xf32, #tpu.memory_space<vmem>>
      %dma_start3A_740 = tpu.memref_squeeze %dma_start3A_739 : memref<1x128x128xf32, #tpu.memory_space<vmem>> -> memref<128x128xf32, #tpu.memory_space<vmem>>
      tpu.enqueue_dma source(%dma_start3A_740 : memref<128x128xf32, #tpu.memory_space<vmem>>) target(%dma_start3A_736 : memref<128x128xf32, #tpu.memory_space<hbm>>) target_semaphore(%run_scoped3A_726 : memref<!tpu.dma_semaphore, #tpu.memory_space<semaphore_mem>>)
      %dma_wait3A_741 = arith.constant 0 : i32
      %dma_wait3A_742 = arith.constant 0 : i32
      %dma_wait3A_743 = tpu.memref_slice %arg9[%run_scoped3A_140, %dma_wait3A_741, %dma_wait3A_742] : memref<6x128x128xf32, #tpu.memory_space<vmem>> -> memref<1x128x128xf32, #tpu.memory_space<vmem>>
      %dma_wait3A_744 = tpu.memref_squeeze %dma_wait3A_743 : memref<1x128x128xf32, #tpu.memory_space<vmem>> -> memref<128x128xf32, #tpu.memory_space<vmem>>
      %dma_wait3A_745 = arith.constant 0 : i32
      %dma_wait3A_746 = tpu.memref_slice %arg6[%run_scoped3A_141, %mul3A_139, %dma_wait3A_745] : memref<13x4096x128xf32, #tpu.memory_space<hbm>> -> memref<1x128x128xf32, #tpu.memory_space<hbm>>
      %dma_wait3A_747 = tpu.memref_squeeze %dma_wait3A_746 : memref<1x128x128xf32, #tpu.memory_space<hbm>> -> memref<128x128xf32, #tpu.memory_space<hbm>>
      %dma_wait3A_748 = arith.constant 0 : i32
      %dma_wait3A_749 = tpu.memref_slice %arg6[%run_scoped3A_141, %mul3A_139, %dma_wait3A_748] : memref<13x4096x128xf32, #tpu.memory_space<hbm>> -> memref<1x128x128xf32, #tpu.memory_space<hbm>>
      %dma_wait3A_750 = tpu.memref_squeeze %dma_wait3A_749 : memref<1x128x128xf32, #tpu.memory_space<hbm>> -> memref<128x128xf32, #tpu.memory_space<hbm>>
      %dma_wait3A_751 = arith.constant 0 : i32
      %dma_wait3A_752 = arith.constant 0 : i32
      %dma_wait3A_753 = tpu.memref_slice %arg9[%run_scoped3A_140, %dma_wait3A_751, %dma_wait3A_752] : memref<6x128x128xf32, #tpu.memory_space<vmem>> -> memref<1x128x128xf32, #tpu.memory_space<vmem>>
      %dma_wait3A_754 = tpu.memref_squeeze %dma_wait3A_753 : memref<1x128x128xf32, #tpu.memory_space<vmem>> -> memref<128x128xf32, #tpu.memory_space<vmem>>
      tpu.wait_dma2 semaphore(%run_scoped3A_726 : memref<!tpu.dma_semaphore, #tpu.memory_space<semaphore_mem>>) src(%dma_wait3A_754 : memref<128x128xf32, #tpu.memory_space<vmem>>) dst(%dma_wait3A_750 : memref<128x128xf32, #tpu.memory_space<hbm>>)
      tpu.yield
    }) : () -> ()
    %dma_start3A_142 = arith.constant 8 : i32
    %dma_start3A_143 = arith.constant 2 : i32
    %dma_start3A_144 = arith.constant 0 : i32
    %dma_start3A_145 = arith.constant 0 : i32
    %dma_start3A_146 = tpu.memref_slice %arg9[%dma_start3A_143, %dma_start3A_144, %dma_start3A_145] : memref<6x128x128xf32, #tpu.memory_space<vmem>> -> memref<1x128x128xf32, #tpu.memory_space<vmem>>
    %dma_start3A_147 = tpu.memref_squeeze %dma_start3A_146 : memref<1x128x128xf32, #tpu.memory_space<vmem>> -> memref<128x128xf32, #tpu.memory_space<vmem>>
    %dma_start3A_148 = arith.constant 0 : i32
    %dma_start3A_149 = tpu.memref_slice %arg8[%dma_start3A_142, %dma_start3A_148] : memref<13x128xi32, #tpu.memory_space<vmem>> -> memref<1x128xi32, #tpu.memory_space<vmem>>
    %dma_start3A_150 = tpu.memref_squeeze %dma_start3A_149 : memref<1x128xi32, #tpu.memory_space<vmem>> -> memref<128xi32, #tpu.memory_space<vmem>>
    %dma_start3A_151 = arith.constant 0 : i32
    %dma_start3A_152 = arith.constant 0 : i32
    %dma_start3A_153 = tpu.memref_slice %arg2[%dma_start3A_151, %dma_start3A_152] : memref<1300000x128xf32, #tpu.memory_space<hbm>> -> memref<1300000x128xf32, #tpu.memory_space<hbm>>
    tpu.enqueue_indirect_dma source(%dma_start3A_153 : memref<1300000x128xf32, #tpu.memory_space<hbm>>) target(%dma_start3A_147 : memref<128x128xf32, #tpu.memory_space<vmem>>) offsets(%dma_start3A_150 : memref<128xi32, #tpu.memory_space<vmem>>) semaphore(%arg10 : memref<!tpu.dma_semaphore, #tpu.memory_space<semaphore_mem>>)
    %dma_wait3A_154 = arith.constant 3 : i32
    %dma_wait3A_155 = arith.constant 3 : i32
    %dma_wait3A_156 = arith.constant 0 : i32
    %dma_wait3A_157 = arith.constant 0 : i32
    %dma_wait3A_158 = tpu.memref_slice %arg9[%dma_wait3A_155, %dma_wait3A_156, %dma_wait3A_157] : memref<6x128x128xf32, #tpu.memory_space<vmem>> -> memref<1x128x128xf32, #tpu.memory_space<vmem>>
    %dma_wait3A_159 = tpu.memref_squeeze %dma_wait3A_158 : memref<1x128x128xf32, #tpu.memory_space<vmem>> -> memref<128x128xf32, #tpu.memory_space<vmem>>
    %dma_wait3A_160 = arith.constant 0 : i32
    %dma_wait3A_161 = tpu.memref_slice %arg8[%dma_wait3A_154, %dma_wait3A_160] : memref<13x128xi32, #tpu.memory_space<vmem>> -> memref<1x128xi32, #tpu.memory_space<vmem>>
    %dma_wait3A_162 = tpu.memref_squeeze %dma_wait3A_161 : memref<1x128xi32, #tpu.memory_space<vmem>> -> memref<128xi32, #tpu.memory_space<vmem>>
    %dma_wait3A_163 = arith.constant 0 : i32
    %dma_wait3A_164 = arith.constant 0 : i32
    %dma_wait3A_165 = tpu.memref_slice %arg2[%dma_wait3A_163, %dma_wait3A_164] : memref<1300000x128xf32, #tpu.memory_space<hbm>> -> memref<1300000x128xf32, #tpu.memory_space<hbm>>
    tpu.wait_indirect_dma semaphore(%arg10 : memref<!tpu.dma_semaphore, #tpu.memory_space<semaphore_mem>>) src(%dma_wait3A_165 : memref<1300000x128xf32, #tpu.memory_space<hbm>>) dst(%dma_wait3A_159 : memref<128x128xf32, #tpu.memory_space<vmem>>)
    %mul3A_166 = arith.constant 128 : i32
    %mul3A_167 = arith.muli %add3A, %mul3A_166 : i32
    %run_scoped3A_168 = arith.constant 3 : i32
    %run_scoped3A_169 = arith.constant 3 : i32
    "tpu.region"() ({
      %run_scoped3A_726 = tpu.sem_alloc : memref<!tpu.dma_semaphore, #tpu.memory_space<semaphore_mem>>
      %dma_start3A_727 = arith.constant 0 : i32
      %dma_start3A_728 = arith.constant 0 : i32
      %dma_start3A_729 = tpu.memref_slice %arg9[%run_scoped3A_168, %dma_start3A_727, %dma_start3A_728] : memref<6x128x128xf32, #tpu.memory_space<vmem>> -> memref<1x128x128xf32, #tpu.memory_space<vmem>>
      %dma_start3A_730 = tpu.memref_squeeze %dma_start3A_729 : memref<1x128x128xf32, #tpu.memory_space<vmem>> -> memref<128x128xf32, #tpu.memory_space<vmem>>
      %dma_start3A_731 = arith.constant 0 : i32
      %dma_start3A_732 = tpu.memref_slice %arg6[%run_scoped3A_169, %mul3A_167, %dma_start3A_731] : memref<13x4096x128xf32, #tpu.memory_space<hbm>> -> memref<1x128x128xf32, #tpu.memory_space<hbm>>
      %dma_start3A_733 = tpu.memref_squeeze %dma_start3A_732 : memref<1x128x128xf32, #tpu.memory_space<hbm>> -> memref<128x128xf32, #tpu.memory_space<hbm>>
      %dma_start3A_734 = arith.constant 0 : i32
      %dma_start3A_735 = tpu.memref_slice %arg6[%run_scoped3A_169, %mul3A_167, %dma_start3A_734] : memref<13x4096x128xf32, #tpu.memory_space<hbm>> -> memref<1x128x128xf32, #tpu.memory_space<hbm>>
      %dma_start3A_736 = tpu.memref_squeeze %dma_start3A_735 : memref<1x128x128xf32, #tpu.memory_space<hbm>> -> memref<128x128xf32, #tpu.memory_space<hbm>>
      %dma_start3A_737 = arith.constant 0 : i32
      %dma_start3A_738 = arith.constant 0 : i32
      %dma_start3A_739 = tpu.memref_slice %arg9[%run_scoped3A_168, %dma_start3A_737, %dma_start3A_738] : memref<6x128x128xf32, #tpu.memory_space<vmem>> -> memref<1x128x128xf32, #tpu.memory_space<vmem>>
      %dma_start3A_740 = tpu.memref_squeeze %dma_start3A_739 : memref<1x128x128xf32, #tpu.memory_space<vmem>> -> memref<128x128xf32, #tpu.memory_space<vmem>>
      tpu.enqueue_dma source(%dma_start3A_740 : memref<128x128xf32, #tpu.memory_space<vmem>>) target(%dma_start3A_736 : memref<128x128xf32, #tpu.memory_space<hbm>>) target_semaphore(%run_scoped3A_726 : memref<!tpu.dma_semaphore, #tpu.memory_space<semaphore_mem>>)
      %dma_wait3A_741 = arith.constant 0 : i32
      %dma_wait3A_742 = arith.constant 0 : i32
      %dma_wait3A_743 = tpu.memref_slice %arg9[%run_scoped3A_168, %dma_wait3A_741, %dma_wait3A_742] : memref<6x128x128xf32, #tpu.memory_space<vmem>> -> memref<1x128x128xf32, #tpu.memory_space<vmem>>
      %dma_wait3A_744 = tpu.memref_squeeze %dma_wait3A_743 : memref<1x128x128xf32, #tpu.memory_space<vmem>> -> memref<128x128xf32, #tpu.memory_space<vmem>>
      %dma_wait3A_745 = arith.constant 0 : i32
      %dma_wait3A_746 = tpu.memref_slice %arg6[%run_scoped3A_169, %mul3A_167, %dma_wait3A_745] : memref<13x4096x128xf32, #tpu.memory_space<hbm>> -> memref<1x128x128xf32, #tpu.memory_space<hbm>>
      %dma_wait3A_747 = tpu.memref_squeeze %dma_wait3A_746 : memref<1x128x128xf32, #tpu.memory_space<hbm>> -> memref<128x128xf32, #tpu.memory_space<hbm>>
      %dma_wait3A_748 = arith.constant 0 : i32
      %dma_wait3A_749 = tpu.memref_slice %arg6[%run_scoped3A_169, %mul3A_167, %dma_wait3A_748] : memref<13x4096x128xf32, #tpu.memory_space<hbm>> -> memref<1x128x128xf32, #tpu.memory_space<hbm>>
      %dma_wait3A_750 = tpu.memref_squeeze %dma_wait3A_749 : memref<1x128x128xf32, #tpu.memory_space<hbm>> -> memref<128x128xf32, #tpu.memory_space<hbm>>
      %dma_wait3A_751 = arith.constant 0 : i32
      %dma_wait3A_752 = arith.constant 0 : i32
      %dma_wait3A_753 = tpu.memref_slice %arg9[%run_scoped3A_168, %dma_wait3A_751, %dma_wait3A_752] : memref<6x128x128xf32, #tpu.memory_space<vmem>> -> memref<1x128x128xf32, #tpu.memory_space<vmem>>
      %dma_wait3A_754 = tpu.memref_squeeze %dma_wait3A_753 : memref<1x128x128xf32, #tpu.memory_space<vmem>> -> memref<128x128xf32, #tpu.memory_space<vmem>>
      tpu.wait_dma2 semaphore(%run_scoped3A_726 : memref<!tpu.dma_semaphore, #tpu.memory_space<semaphore_mem>>) src(%dma_wait3A_754 : memref<128x128xf32, #tpu.memory_space<vmem>>) dst(%dma_wait3A_750 : memref<128x128xf32, #tpu.memory_space<hbm>>)
      tpu.yield
    }) : () -> ()
    %dma_start3A_170 = arith.constant 9 : i32
    %dma_start3A_171 = arith.constant 3 : i32
    %dma_start3A_172 = arith.constant 0 : i32
    %dma_start3A_173 = arith.constant 0 : i32
    %dma_start3A_174 = tpu.memref_slice %arg9[%dma_start3A_171, %dma_start3A_172, %dma_start3A_173] : memref<6x128x128xf32, #tpu.memory_space<vmem>> -> memref<1x128x128xf32, #tpu.memory_space<vmem>>
    %dma_start3A_175 = tpu.memref_squeeze %dma_start3A_174 : memref<1x128x128xf32, #tpu.memory_space<vmem>> -> memref<128x128xf32, #tpu.memory_space<vmem>>
    %dma_start3A_176 = arith.constant 0 : i32
    %dma_start3A_177 = tpu.memref_slice %arg8[%dma_start3A_170, %dma_start3A_176] : memref<13x128xi32, #tpu.memory_space<vmem>> -> memref<1x128xi32, #tpu.memory_space<vmem>>
    %dma_start3A_178 = tpu.memref_squeeze %dma_start3A_177 : memref<1x128xi32, #tpu.memory_space<vmem>> -> memref<128xi32, #tpu.memory_space<vmem>>
    %dma_start3A_179 = arith.constant 0 : i32
    %dma_start3A_180 = arith.constant 0 : i32
    %dma_start3A_181 = tpu.memref_slice %arg2[%dma_start3A_179, %dma_start3A_180] : memref<1300000x128xf32, #tpu.memory_space<hbm>> -> memref<1300000x128xf32, #tpu.memory_space<hbm>>
    tpu.enqueue_indirect_dma source(%dma_start3A_181 : memref<1300000x128xf32, #tpu.memory_space<hbm>>) target(%dma_start3A_175 : memref<128x128xf32, #tpu.memory_space<vmem>>) offsets(%dma_start3A_178 : memref<128xi32, #tpu.memory_space<vmem>>) semaphore(%arg10 : memref<!tpu.dma_semaphore, #tpu.memory_space<semaphore_mem>>)
    %dma_wait3A_182 = arith.constant 4 : i32
    %dma_wait3A_183 = arith.constant 4 : i32
    %dma_wait3A_184 = arith.constant 0 : i32
    %dma_wait3A_185 = arith.constant 0 : i32
    %dma_wait3A_186 = tpu.memref_slice %arg9[%dma_wait3A_183, %dma_wait3A_184, %dma_wait3A_185] : memref<6x128x128xf32, #tpu.memory_space<vmem>> -> memref<1x128x128xf32, #tpu.memory_space<vmem>>
    %dma_wait3A_187 = tpu.memref_squeeze %dma_wait3A_186 : memref<1x128x128xf32, #tpu.memory_space<vmem>> -> memref<128x128xf32, #tpu.memory_space<vmem>>
    %dma_wait3A_188 = arith.constant 0 : i32
    %dma_wait3A_189 = tpu.memref_slice %arg8[%dma_wait3A_182, %dma_wait3A_188] : memref<13x128xi32, #tpu.memory_space<vmem>> -> memref<1x128xi32, #tpu.memory_space<vmem>>
    %dma_wait3A_190 = tpu.memref_squeeze %dma_wait3A_189 : memref<1x128xi32, #tpu.memory_space<vmem>> -> memref<128xi32, #tpu.memory_space<vmem>>
    %dma_wait3A_191 = arith.constant 0 : i32
    %dma_wait3A_192 = arith.constant 0 : i32
    %dma_wait3A_193 = tpu.memref_slice %arg2[%dma_wait3A_191, %dma_wait3A_192] : memref<1300000x128xf32, #tpu.memory_space<hbm>> -> memref<1300000x128xf32, #tpu.memory_space<hbm>>
    tpu.wait_indirect_dma semaphore(%arg10 : memref<!tpu.dma_semaphore, #tpu.memory_space<semaphore_mem>>) src(%dma_wait3A_193 : memref<1300000x128xf32, #tpu.memory_space<hbm>>) dst(%dma_wait3A_187 : memref<128x128xf32, #tpu.memory_space<vmem>>)
    %mul3A_194 = arith.constant 128 : i32
    %mul3A_195 = arith.muli %add3A, %mul3A_194 : i32
    %run_scoped3A_196 = arith.constant 4 : i32
    %run_scoped3A_197 = arith.constant 4 : i32
    "tpu.region"() ({
      %run_scoped3A_726 = tpu.sem_alloc : memref<!tpu.dma_semaphore, #tpu.memory_space<semaphore_mem>>
      %dma_start3A_727 = arith.constant 0 : i32
      %dma_start3A_728 = arith.constant 0 : i32
      %dma_start3A_729 = tpu.memref_slice %arg9[%run_scoped3A_196, %dma_start3A_727, %dma_start3A_728] : memref<6x128x128xf32, #tpu.memory_space<vmem>> -> memref<1x128x128xf32, #tpu.memory_space<vmem>>
      %dma_start3A_730 = tpu.memref_squeeze %dma_start3A_729 : memref<1x128x128xf32, #tpu.memory_space<vmem>> -> memref<128x128xf32, #tpu.memory_space<vmem>>
      %dma_start3A_731 = arith.constant 0 : i32
      %dma_start3A_732 = tpu.memref_slice %arg6[%run_scoped3A_197, %mul3A_195, %dma_start3A_731] : memref<13x4096x128xf32, #tpu.memory_space<hbm>> -> memref<1x128x128xf32, #tpu.memory_space<hbm>>
      %dma_start3A_733 = tpu.memref_squeeze %dma_start3A_732 : memref<1x128x128xf32, #tpu.memory_space<hbm>> -> memref<128x128xf32, #tpu.memory_space<hbm>>
      %dma_start3A_734 = arith.constant 0 : i32
      %dma_start3A_735 = tpu.memref_slice %arg6[%run_scoped3A_197, %mul3A_195, %dma_start3A_734] : memref<13x4096x128xf32, #tpu.memory_space<hbm>> -> memref<1x128x128xf32, #tpu.memory_space<hbm>>
      %dma_start3A_736 = tpu.memref_squeeze %dma_start3A_735 : memref<1x128x128xf32, #tpu.memory_space<hbm>> -> memref<128x128xf32, #tpu.memory_space<hbm>>
      %dma_start3A_737 = arith.constant 0 : i32
      %dma_start3A_738 = arith.constant 0 : i32
      %dma_start3A_739 = tpu.memref_slice %arg9[%run_scoped3A_196, %dma_start3A_737, %dma_start3A_738] : memref<6x128x128xf32, #tpu.memory_space<vmem>> -> memref<1x128x128xf32, #tpu.memory_space<vmem>>
      %dma_start3A_740 = tpu.memref_squeeze %dma_start3A_739 : memref<1x128x128xf32, #tpu.memory_space<vmem>> -> memref<128x128xf32, #tpu.memory_space<vmem>>
      tpu.enqueue_dma source(%dma_start3A_740 : memref<128x128xf32, #tpu.memory_space<vmem>>) target(%dma_start3A_736 : memref<128x128xf32, #tpu.memory_space<hbm>>) target_semaphore(%run_scoped3A_726 : memref<!tpu.dma_semaphore, #tpu.memory_space<semaphore_mem>>)
      %dma_wait3A_741 = arith.constant 0 : i32
      %dma_wait3A_742 = arith.constant 0 : i32
      %dma_wait3A_743 = tpu.memref_slice %arg9[%run_scoped3A_196, %dma_wait3A_741, %dma_wait3A_742] : memref<6x128x128xf32, #tpu.memory_space<vmem>> -> memref<1x128x128xf32, #tpu.memory_space<vmem>>
      %dma_wait3A_744 = tpu.memref_squeeze %dma_wait3A_743 : memref<1x128x128xf32, #tpu.memory_space<vmem>> -> memref<128x128xf32, #tpu.memory_space<vmem>>
      %dma_wait3A_745 = arith.constant 0 : i32
      %dma_wait3A_746 = tpu.memref_slice %arg6[%run_scoped3A_197, %mul3A_195, %dma_wait3A_745] : memref<13x4096x128xf32, #tpu.memory_space<hbm>> -> memref<1x128x128xf32, #tpu.memory_space<hbm>>
      %dma_wait3A_747 = tpu.memref_squeeze %dma_wait3A_746 : memref<1x128x128xf32, #tpu.memory_space<hbm>> -> memref<128x128xf32, #tpu.memory_space<hbm>>
      %dma_wait3A_748 = arith.constant 0 : i32
      %dma_wait3A_749 = tpu.memref_slice %arg6[%run_scoped3A_197, %mul3A_195, %dma_wait3A_748] : memref<13x4096x128xf32, #tpu.memory_space<hbm>> -> memref<1x128x128xf32, #tpu.memory_space<hbm>>
      %dma_wait3A_750 = tpu.memref_squeeze %dma_wait3A_749 : memref<1x128x128xf32, #tpu.memory_space<hbm>> -> memref<128x128xf32, #tpu.memory_space<hbm>>
      %dma_wait3A_751 = arith.constant 0 : i32
      %dma_wait3A_752 = arith.constant 0 : i32
      %dma_wait3A_753 = tpu.memref_slice %arg9[%run_scoped3A_196, %dma_wait3A_751, %dma_wait3A_752] : memref<6x128x128xf32, #tpu.memory_space<vmem>> -> memref<1x128x128xf32, #tpu.memory_space<vmem>>
      %dma_wait3A_754 = tpu.memref_squeeze %dma_wait3A_753 : memref<1x128x128xf32, #tpu.memory_space<vmem>> -> memref<128x128xf32, #tpu.memory_space<vmem>>
      tpu.wait_dma2 semaphore(%run_scoped3A_726 : memref<!tpu.dma_semaphore, #tpu.memory_space<semaphore_mem>>) src(%dma_wait3A_754 : memref<128x128xf32, #tpu.memory_space<vmem>>) dst(%dma_wait3A_750 : memref<128x128xf32, #tpu.memory_space<hbm>>)
      tpu.yield
    }) : () -> ()
    %dma_start3A_198 = arith.constant 10 : i32
    %dma_start3A_199 = arith.constant 4 : i32
    %dma_start3A_200 = arith.constant 0 : i32
    %dma_start3A_201 = arith.constant 0 : i32
    %dma_start3A_202 = tpu.memref_slice %arg9[%dma_start3A_199, %dma_start3A_200, %dma_start3A_201] : memref<6x128x128xf32, #tpu.memory_space<vmem>> -> memref<1x128x128xf32, #tpu.memory_space<vmem>>
    %dma_start3A_203 = tpu.memref_squeeze %dma_start3A_202 : memref<1x128x128xf32, #tpu.memory_space<vmem>> -> memref<128x128xf32, #tpu.memory_space<vmem>>
    %dma_start3A_204 = arith.constant 0 : i32
    %dma_start3A_205 = tpu.memref_slice %arg8[%dma_start3A_198, %dma_start3A_204] : memref<13x128xi32, #tpu.memory_space<vmem>> -> memref<1x128xi32, #tpu.memory_space<vmem>>
    %dma_start3A_206 = tpu.memref_squeeze %dma_start3A_205 : memref<1x128xi32, #tpu.memory_space<vmem>> -> memref<128xi32, #tpu.memory_space<vmem>>
    %dma_start3A_207 = arith.constant 0 : i32
    %dma_start3A_208 = arith.constant 0 : i32
    %dma_start3A_209 = tpu.memref_slice %arg2[%dma_start3A_207, %dma_start3A_208] : memref<1300000x128xf32, #tpu.memory_space<hbm>> -> memref<1300000x128xf32, #tpu.memory_space<hbm>>
    tpu.enqueue_indirect_dma source(%dma_start3A_209 : memref<1300000x128xf32, #tpu.memory_space<hbm>>) target(%dma_start3A_203 : memref<128x128xf32, #tpu.memory_space<vmem>>) offsets(%dma_start3A_206 : memref<128xi32, #tpu.memory_space<vmem>>) semaphore(%arg10 : memref<!tpu.dma_semaphore, #tpu.memory_space<semaphore_mem>>)
    %dma_wait3A_210 = arith.constant 5 : i32
    %dma_wait3A_211 = arith.constant 5 : i32
    %dma_wait3A_212 = arith.constant 0 : i32
    %dma_wait3A_213 = arith.constant 0 : i32
    %dma_wait3A_214 = tpu.memref_slice %arg9[%dma_wait3A_211, %dma_wait3A_212, %dma_wait3A_213] : memref<6x128x128xf32, #tpu.memory_space<vmem>> -> memref<1x128x128xf32, #tpu.memory_space<vmem>>
    %dma_wait3A_215 = tpu.memref_squeeze %dma_wait3A_214 : memref<1x128x128xf32, #tpu.memory_space<vmem>> -> memref<128x128xf32, #tpu.memory_space<vmem>>
    %dma_wait3A_216 = arith.constant 0 : i32
    %dma_wait3A_217 = tpu.memref_slice %arg8[%dma_wait3A_210, %dma_wait3A_216] : memref<13x128xi32, #tpu.memory_space<vmem>> -> memref<1x128xi32, #tpu.memory_space<vmem>>
    %dma_wait3A_218 = tpu.memref_squeeze %dma_wait3A_217 : memref<1x128xi32, #tpu.memory_space<vmem>> -> memref<128xi32, #tpu.memory_space<vmem>>
    %dma_wait3A_219 = arith.constant 0 : i32
    %dma_wait3A_220 = arith.constant 0 : i32
    %dma_wait3A_221 = tpu.memref_slice %arg2[%dma_wait3A_219, %dma_wait3A_220] : memref<1300000x128xf32, #tpu.memory_space<hbm>> -> memref<1300000x128xf32, #tpu.memory_space<hbm>>
    tpu.wait_indirect_dma semaphore(%arg10 : memref<!tpu.dma_semaphore, #tpu.memory_space<semaphore_mem>>) src(%dma_wait3A_221 : memref<1300000x128xf32, #tpu.memory_space<hbm>>) dst(%dma_wait3A_215 : memref<128x128xf32, #tpu.memory_space<vmem>>)
    %mul3A_222 = arith.constant 128 : i32
    %mul3A_223 = arith.muli %add3A, %mul3A_222 : i32
    %run_scoped3A_224 = arith.constant 5 : i32
    %run_scoped3A_225 = arith.constant 5 : i32
    "tpu.region"() ({
      %run_scoped3A_726 = tpu.sem_alloc : memref<!tpu.dma_semaphore, #tpu.memory_space<semaphore_mem>>
      %dma_start3A_727 = arith.constant 0 : i32
      %dma_start3A_728 = arith.constant 0 : i32
      %dma_start3A_729 = tpu.memref_slice %arg9[%run_scoped3A_224, %dma_start3A_727, %dma_start3A_728] : memref<6x128x128xf32, #tpu.memory_space<vmem>> -> memref<1x128x128xf32, #tpu.memory_space<vmem>>
      %dma_start3A_730 = tpu.memref_squeeze %dma_start3A_729 : memref<1x128x128xf32, #tpu.memory_space<vmem>> -> memref<128x128xf32, #tpu.memory_space<vmem>>
      %dma_start3A_731 = arith.constant 0 : i32
      %dma_start3A_732 = tpu.memref_slice %arg6[%run_scoped3A_225, %mul3A_223, %dma_start3A_731] : memref<13x4096x128xf32, #tpu.memory_space<hbm>> -> memref<1x128x128xf32, #tpu.memory_space<hbm>>
      %dma_start3A_733 = tpu.memref_squeeze %dma_start3A_732 : memref<1x128x128xf32, #tpu.memory_space<hbm>> -> memref<128x128xf32, #tpu.memory_space<hbm>>
      %dma_start3A_734 = arith.constant 0 : i32
      %dma_start3A_735 = tpu.memref_slice %arg6[%run_scoped3A_225, %mul3A_223, %dma_start3A_734] : memref<13x4096x128xf32, #tpu.memory_space<hbm>> -> memref<1x128x128xf32, #tpu.memory_space<hbm>>
      %dma_start3A_736 = tpu.memref_squeeze %dma_start3A_735 : memref<1x128x128xf32, #tpu.memory_space<hbm>> -> memref<128x128xf32, #tpu.memory_space<hbm>>
      %dma_start3A_737 = arith.constant 0 : i32
      %dma_start3A_738 = arith.constant 0 : i32
      %dma_start3A_739 = tpu.memref_slice %arg9[%run_scoped3A_224, %dma_start3A_737, %dma_start3A_738] : memref<6x128x128xf32, #tpu.memory_space<vmem>> -> memref<1x128x128xf32, #tpu.memory_space<vmem>>
      %dma_start3A_740 = tpu.memref_squeeze %dma_start3A_739 : memref<1x128x128xf32, #tpu.memory_space<vmem>> -> memref<128x128xf32, #tpu.memory_space<vmem>>
      tpu.enqueue_dma source(%dma_start3A_740 : memref<128x128xf32, #tpu.memory_space<vmem>>) target(%dma_start3A_736 : memref<128x128xf32, #tpu.memory_space<hbm>>) target_semaphore(%run_scoped3A_726 : memref<!tpu.dma_semaphore, #tpu.memory_space<semaphore_mem>>)
      %dma_wait3A_741 = arith.constant 0 : i32
      %dma_wait3A_742 = arith.constant 0 : i32
      %dma_wait3A_743 = tpu.memref_slice %arg9[%run_scoped3A_224, %dma_wait3A_741, %dma_wait3A_742] : memref<6x128x128xf32, #tpu.memory_space<vmem>> -> memref<1x128x128xf32, #tpu.memory_space<vmem>>
      %dma_wait3A_744 = tpu.memref_squeeze %dma_wait3A_743 : memref<1x128x128xf32, #tpu.memory_space<vmem>> -> memref<128x128xf32, #tpu.memory_space<vmem>>
      %dma_wait3A_745 = arith.constant 0 : i32
      %dma_wait3A_746 = tpu.memref_slice %arg6[%run_scoped3A_225, %mul3A_223, %dma_wait3A_745] : memref<13x4096x128xf32, #tpu.memory_space<hbm>> -> memref<1x128x128xf32, #tpu.memory_space<hbm>>
      %dma_wait3A_747 = tpu.memref_squeeze %dma_wait3A_746 : memref<1x128x128xf32, #tpu.memory_space<hbm>> -> memref<128x128xf32, #tpu.memory_space<hbm>>
      %dma_wait3A_748 = arith.constant 0 : i32
      %dma_wait3A_749 = tpu.memref_slice %arg6[%run_scoped3A_225, %mul3A_223, %dma_wait3A_748] : memref<13x4096x128xf32, #tpu.memory_space<hbm>> -> memref<1x128x128xf32, #tpu.memory_space<hbm>>
      %dma_wait3A_750 = tpu.memref_squeeze %dma_wait3A_749 : memref<1x128x128xf32, #tpu.memory_space<hbm>> -> memref<128x128xf32, #tpu.memory_space<hbm>>
      %dma_wait3A_751 = arith.constant 0 : i32
      %dma_wait3A_752 = arith.constant 0 : i32
      %dma_wait3A_753 = tpu.memref_slice %arg9[%run_scoped3A_224, %dma_wait3A_751, %dma_wait3A_752] : memref<6x128x128xf32, #tpu.memory_space<vmem>> -> memref<1x128x128xf32, #tpu.memory_space<vmem>>
      %dma_wait3A_754 = tpu.memref_squeeze %dma_wait3A_753 : memref<1x128x128xf32, #tpu.memory_space<vmem>> -> memref<128x128xf32, #tpu.memory_space<vmem>>
      tpu.wait_dma2 semaphore(%run_scoped3A_726 : memref<!tpu.dma_semaphore, #tpu.memory_space<semaphore_mem>>) src(%dma_wait3A_754 : memref<128x128xf32, #tpu.memory_space<vmem>>) dst(%dma_wait3A_750 : memref<128x128xf32, #tpu.memory_space<hbm>>)
      tpu.yield
    }) : () -> ()
    %dma_start3A_226 = arith.constant 11 : i32
    %dma_start3A_227 = arith.constant 5 : i32
    %dma_start3A_228 = arith.constant 0 : i32
    %dma_start3A_229 = arith.constant 0 : i32
    %dma_start3A_230 = tpu.memref_slice %arg9[%dma_start3A_227, %dma_start3A_228, %dma_start3A_229] : memref<6x128x128xf32, #tpu.memory_space<vmem>> -> memref<1x128x128xf32, #tpu.memory_space<vmem>>
    %dma_start3A_231 = tpu.memref_squeeze %dma_start3A_230 : memref<1x128x128xf32, #tpu.memory_space<vmem>> -> memref<128x128xf32, #tpu.memory_space<vmem>>
    %dma_start3A_232 = arith.constant 0 : i32
    %dma_start3A_233 = tpu.memref_slice %arg8[%dma_start3A_226, %dma_start3A_232] : memref<13x128xi32, #tpu.memory_space<vmem>> -> memref<1x128xi32, #tpu.memory_space<vmem>>
    %dma_start3A_234 = tpu.memref_squeeze %dma_start3A_233 : memref<1x128xi32, #tpu.memory_space<vmem>> -> memref<128xi32, #tpu.memory_space<vmem>>
    %dma_start3A_235 = arith.constant 0 : i32
    %dma_start3A_236 = arith.constant 0 : i32
    %dma_start3A_237 = tpu.memref_slice %arg2[%dma_start3A_235, %dma_start3A_236] : memref<1300000x128xf32, #tpu.memory_space<hbm>> -> memref<1300000x128xf32, #tpu.memory_space<hbm>>
    tpu.enqueue_indirect_dma source(%dma_start3A_237 : memref<1300000x128xf32, #tpu.memory_space<hbm>>) target(%dma_start3A_231 : memref<128x128xf32, #tpu.memory_space<vmem>>) offsets(%dma_start3A_234 : memref<128xi32, #tpu.memory_space<vmem>>) semaphore(%arg10 : memref<!tpu.dma_semaphore, #tpu.memory_space<semaphore_mem>>)
    %dma_wait3A_238 = arith.constant 6 : i32
    %dma_wait3A_239 = arith.constant 0 : i32
    %dma_wait3A_240 = arith.constant 0 : i32
    %dma_wait3A_241 = arith.constant 0 : i32
    %dma_wait3A_242 = tpu.memref_slice %arg9[%dma_wait3A_239, %dma_wait3A_240, %dma_wait3A_241] : memref<6x128x128xf32, #tpu.memory_space<vmem>> -> memref<1x128x128xf32, #tpu.memory_space<vmem>>
    %dma_wait3A_243 = tpu.memref_squeeze %dma_wait3A_242 : memref<1x128x128xf32, #tpu.memory_space<vmem>> -> memref<128x128xf32, #tpu.memory_space<vmem>>
    %dma_wait3A_244 = arith.constant 0 : i32
    %dma_wait3A_245 = tpu.memref_slice %arg8[%dma_wait3A_238, %dma_wait3A_244] : memref<13x128xi32, #tpu.memory_space<vmem>> -> memref<1x128xi32, #tpu.memory_space<vmem>>
    %dma_wait3A_246 = tpu.memref_squeeze %dma_wait3A_245 : memref<1x128xi32, #tpu.memory_space<vmem>> -> memref<128xi32, #tpu.memory_space<vmem>>
    %dma_wait3A_247 = arith.constant 0 : i32
    %dma_wait3A_248 = arith.constant 0 : i32
    %dma_wait3A_249 = tpu.memref_slice %arg2[%dma_wait3A_247, %dma_wait3A_248] : memref<1300000x128xf32, #tpu.memory_space<hbm>> -> memref<1300000x128xf32, #tpu.memory_space<hbm>>
    tpu.wait_indirect_dma semaphore(%arg10 : memref<!tpu.dma_semaphore, #tpu.memory_space<semaphore_mem>>) src(%dma_wait3A_249 : memref<1300000x128xf32, #tpu.memory_space<hbm>>) dst(%dma_wait3A_243 : memref<128x128xf32, #tpu.memory_space<vmem>>)
    %mul3A_250 = arith.constant 128 : i32
    %mul3A_251 = arith.muli %add3A, %mul3A_250 : i32
    %run_scoped3A_252 = arith.constant 0 : i32
    %run_scoped3A_253 = arith.constant 6 : i32
    "tpu.region"() ({
      %run_scoped3A_726 = tpu.sem_alloc : memref<!tpu.dma_semaphore, #tpu.memory_space<semaphore_mem>>
      %dma_start3A_727 = arith.constant 0 : i32
      %dma_start3A_728 = arith.constant 0 : i32
      %dma_start3A_729 = tpu.memref_slice %arg9[%run_scoped3A_252, %dma_start3A_727, %dma_start3A_728] : memref<6x128x128xf32, #tpu.memory_space<vmem>> -> memref<1x128x128xf32, #tpu.memory_space<vmem>>
      %dma_start3A_730 = tpu.memref_squeeze %dma_start3A_729 : memref<1x128x128xf32, #tpu.memory_space<vmem>> -> memref<128x128xf32, #tpu.memory_space<vmem>>
      %dma_start3A_731 = arith.constant 0 : i32
      %dma_start3A_732 = tpu.memref_slice %arg6[%run_scoped3A_253, %mul3A_251, %dma_start3A_731] : memref<13x4096x128xf32, #tpu.memory_space<hbm>> -> memref<1x128x128xf32, #tpu.memory_space<hbm>>
      %dma_start3A_733 = tpu.memref_squeeze %dma_start3A_732 : memref<1x128x128xf32, #tpu.memory_space<hbm>> -> memref<128x128xf32, #tpu.memory_space<hbm>>
      %dma_start3A_734 = arith.constant 0 : i32
      %dma_start3A_735 = tpu.memref_slice %arg6[%run_scoped3A_253, %mul3A_251, %dma_start3A_734] : memref<13x4096x128xf32, #tpu.memory_space<hbm>> -> memref<1x128x128xf32, #tpu.memory_space<hbm>>
      %dma_start3A_736 = tpu.memref_squeeze %dma_start3A_735 : memref<1x128x128xf32, #tpu.memory_space<hbm>> -> memref<128x128xf32, #tpu.memory_space<hbm>>
      %dma_start3A_737 = arith.constant 0 : i32
      %dma_start3A_738 = arith.constant 0 : i32
      %dma_start3A_739 = tpu.memref_slice %arg9[%run_scoped3A_252, %dma_start3A_737, %dma_start3A_738] : memref<6x128x128xf32, #tpu.memory_space<vmem>> -> memref<1x128x128xf32, #tpu.memory_space<vmem>>
      %dma_start3A_740 = tpu.memref_squeeze %dma_start3A_739 : memref<1x128x128xf32, #tpu.memory_space<vmem>> -> memref<128x128xf32, #tpu.memory_space<vmem>>
      tpu.enqueue_dma source(%dma_start3A_740 : memref<128x128xf32, #tpu.memory_space<vmem>>) target(%dma_start3A_736 : memref<128x128xf32, #tpu.memory_space<hbm>>) target_semaphore(%run_scoped3A_726 : memref<!tpu.dma_semaphore, #tpu.memory_space<semaphore_mem>>)
      %dma_wait3A_741 = arith.constant 0 : i32
      %dma_wait3A_742 = arith.constant 0 : i32
      %dma_wait3A_743 = tpu.memref_slice %arg9[%run_scoped3A_252, %dma_wait3A_741, %dma_wait3A_742] : memref<6x128x128xf32, #tpu.memory_space<vmem>> -> memref<1x128x128xf32, #tpu.memory_space<vmem>>
      %dma_wait3A_744 = tpu.memref_squeeze %dma_wait3A_743 : memref<1x128x128xf32, #tpu.memory_space<vmem>> -> memref<128x128xf32, #tpu.memory_space<vmem>>
      %dma_wait3A_745 = arith.constant 0 : i32
      %dma_wait3A_746 = tpu.memref_slice %arg6[%run_scoped3A_253, %mul3A_251, %dma_wait3A_745] : memref<13x4096x128xf32, #tpu.memory_space<hbm>> -> memref<1x128x128xf32, #tpu.memory_space<hbm>>
      %dma_wait3A_747 = tpu.memref_squeeze %dma_wait3A_746 : memref<1x128x128xf32, #tpu.memory_space<hbm>> -> memref<128x128xf32, #tpu.memory_space<hbm>>
      %dma_wait3A_748 = arith.constant 0 : i32
      %dma_wait3A_749 = tpu.memref_slice %arg6[%run_scoped3A_253, %mul3A_251, %dma_wait3A_748] : memref<13x4096x128xf32, #tpu.memory_space<hbm>> -> memref<1x128x128xf32, #tpu.memory_space<hbm>>
      %dma_wait3A_750 = tpu.memref_squeeze %dma_wait3A_749 : memref<1x128x128xf32, #tpu.memory_space<hbm>> -> memref<128x128xf32, #tpu.memory_space<hbm>>
      %dma_wait3A_751 = arith.constant 0 : i32
      %dma_wait3A_752 = arith.constant 0 : i32
      %dma_wait3A_753 = tpu.memref_slice %arg9[%run_scoped3A_252, %dma_wait3A_751, %dma_wait3A_752] : memref<6x128x128xf32, #tpu.memory_space<vmem>> -> memref<1x128x128xf32, #tpu.memory_space<vmem>>
      %dma_wait3A_754 = tpu.memref_squeeze %dma_wait3A_753 : memref<1x128x128xf32, #tpu.memory_space<vmem>> -> memref<128x128xf32, #tpu.memory_space<vmem>>
      tpu.wait_dma2 semaphore(%run_scoped3A_726 : memref<!tpu.dma_semaphore, #tpu.memory_space<semaphore_mem>>) src(%dma_wait3A_754 : memref<128x128xf32, #tpu.memory_space<vmem>>) dst(%dma_wait3A_750 : memref<128x128xf32, #tpu.memory_space<hbm>>)
      tpu.yield
    }) : () -> ()
    %dma_start3A_254 = arith.constant 12 : i32
    %dma_start3A_255 = arith.constant 0 : i32
    %dma_start3A_256 = arith.constant 0 : i32
    %dma_start3A_257 = arith.constant 0 : i32
    %dma_start3A_258 = tpu.memref_slice %arg9[%dma_start3A_255, %dma_start3A_256, %dma_start3A_257] : memref<6x128x128xf32, #tpu.memory_space<vmem>> -> memref<1x128x128xf32, #tpu.memory_space<vmem>>
    %dma_start3A_259 = tpu.memref_squeeze %dma_start3A_258 : memref<1x128x128xf32, #tpu.memory_space<vmem>> -> memref<128x128xf32, #tpu.memory_space<vmem>>
    %dma_start3A_260 = arith.constant 0 : i32
    %dma_start3A_261 = tpu.memref_slice %arg8[%dma_start3A_254, %dma_start3A_260] : memref<13x128xi32, #tpu.memory_space<vmem>> -> memref<1x128xi32, #tpu.memory_space<vmem>>
    %dma_start3A_262 = tpu.memref_squeeze %dma_start3A_261 : memref<1x128xi32, #tpu.memory_space<vmem>> -> memref<128xi32, #tpu.memory_space<vmem>>
    %dma_start3A_263 = arith.constant 0 : i32
    %dma_start3A_264 = arith.constant 0 : i32
    %dma_start3A_265 = tpu.memref_slice %arg2[%dma_start3A_263, %dma_start3A_264] : memref<1300000x128xf32, #tpu.memory_space<hbm>> -> memref<1300000x128xf32, #tpu.memory_space<hbm>>
    tpu.enqueue_indirect_dma source(%dma_start3A_265 : memref<1300000x128xf32, #tpu.memory_space<hbm>>) target(%dma_start3A_259 : memref<128x128xf32, #tpu.memory_space<vmem>>) offsets(%dma_start3A_262 : memref<128xi32, #tpu.memory_space<vmem>>) semaphore(%arg10 : memref<!tpu.dma_semaphore, #tpu.memory_space<semaphore_mem>>)
    %dma_wait3A_266 = arith.constant 7 : i32
    %dma_wait3A_267 = arith.constant 1 : i32
    %dma_wait3A_268 = arith.constant 0 : i32
    %dma_wait3A_269 = arith.constant 0 : i32
    %dma_wait3A_270 = tpu.memref_slice %arg9[%dma_wait3A_267, %dma_wait3A_268, %dma_wait3A_269] : memref<6x128x128xf32, #tpu.memory_space<vmem>> -> memref<1x128x128xf32, #tpu.memory_space<vmem>>
    %dma_wait3A_271 = tpu.memref_squeeze %dma_wait3A_270 : memref<1x128x128xf32, #tpu.memory_space<vmem>> -> memref<128x128xf32, #tpu.memory_space<vmem>>
    %dma_wait3A_272 = arith.constant 0 : i32
    %dma_wait3A_273 = tpu.memref_slice %arg8[%dma_wait3A_266, %dma_wait3A_272] : memref<13x128xi32, #tpu.memory_space<vmem>> -> memref<1x128xi32, #tpu.memory_space<vmem>>
    %dma_wait3A_274 = tpu.memref_squeeze %dma_wait3A_273 : memref<1x128xi32, #tpu.memory_space<vmem>> -> memref<128xi32, #tpu.memory_space<vmem>>
    %dma_wait3A_275 = arith.constant 0 : i32
    %dma_wait3A_276 = arith.constant 0 : i32
    %dma_wait3A_277 = tpu.memref_slice %arg2[%dma_wait3A_275, %dma_wait3A_276] : memref<1300000x128xf32, #tpu.memory_space<hbm>> -> memref<1300000x128xf32, #tpu.memory_space<hbm>>
    tpu.wait_indirect_dma semaphore(%arg10 : memref<!tpu.dma_semaphore, #tpu.memory_space<semaphore_mem>>) src(%dma_wait3A_277 : memref<1300000x128xf32, #tpu.memory_space<hbm>>) dst(%dma_wait3A_271 : memref<128x128xf32, #tpu.memory_space<vmem>>)
    %mul3A_278 = arith.constant 128 : i32
    %mul3A_279 = arith.muli %add3A, %mul3A_278 : i32
    %run_scoped3A_280 = arith.constant 1 : i32
    %run_scoped3A_281 = arith.constant 7 : i32
    "tpu.region"() ({
      %run_scoped3A_726 = tpu.sem_alloc : memref<!tpu.dma_semaphore, #tpu.memory_space<semaphore_mem>>
      %dma_start3A_727 = arith.constant 0 : i32
      %dma_start3A_728 = arith.constant 0 : i32
      %dma_start3A_729 = tpu.memref_slice %arg9[%run_scoped3A_280, %dma_start3A_727, %dma_start3A_728] : memref<6x128x128xf32, #tpu.memory_space<vmem>> -> memref<1x128x128xf32, #tpu.memory_space<vmem>>
      %dma_start3A_730 = tpu.memref_squeeze %dma_start3A_729 : memref<1x128x128xf32, #tpu.memory_space<vmem>> -> memref<128x128xf32, #tpu.memory_space<vmem>>
      %dma_start3A_731 = arith.constant 0 : i32
      %dma_start3A_732 = tpu.memref_slice %arg6[%run_scoped3A_281, %mul3A_279, %dma_start3A_731] : memref<13x4096x128xf32, #tpu.memory_space<hbm>> -> memref<1x128x128xf32, #tpu.memory_space<hbm>>
      %dma_start3A_733 = tpu.memref_squeeze %dma_start3A_732 : memref<1x128x128xf32, #tpu.memory_space<hbm>> -> memref<128x128xf32, #tpu.memory_space<hbm>>
      %dma_start3A_734 = arith.constant 0 : i32
      %dma_start3A_735 = tpu.memref_slice %arg6[%run_scoped3A_281, %mul3A_279, %dma_start3A_734] : memref<13x4096x128xf32, #tpu.memory_space<hbm>> -> memref<1x128x128xf32, #tpu.memory_space<hbm>>
      %dma_start3A_736 = tpu.memref_squeeze %dma_start3A_735 : memref<1x128x128xf32, #tpu.memory_space<hbm>> -> memref<128x128xf32, #tpu.memory_space<hbm>>
      %dma_start3A_737 = arith.constant 0 : i32
      %dma_start3A_738 = arith.constant 0 : i32
      %dma_start3A_739 = tpu.memref_slice %arg9[%run_scoped3A_280, %dma_start3A_737, %dma_start3A_738] : memref<6x128x128xf32, #tpu.memory_space<vmem>> -> memref<1x128x128xf32, #tpu.memory_space<vmem>>
      %dma_start3A_740 = tpu.memref_squeeze %dma_start3A_739 : memref<1x128x128xf32, #tpu.memory_space<vmem>> -> memref<128x128xf32, #tpu.memory_space<vmem>>
      tpu.enqueue_dma source(%dma_start3A_740 : memref<128x128xf32, #tpu.memory_space<vmem>>) target(%dma_start3A_736 : memref<128x128xf32, #tpu.memory_space<hbm>>) target_semaphore(%run_scoped3A_726 : memref<!tpu.dma_semaphore, #tpu.memory_space<semaphore_mem>>)
      %dma_wait3A_741 = arith.constant 0 : i32
      %dma_wait3A_742 = arith.constant 0 : i32
      %dma_wait3A_743 = tpu.memref_slice %arg9[%run_scoped3A_280, %dma_wait3A_741, %dma_wait3A_742] : memref<6x128x128xf32, #tpu.memory_space<vmem>> -> memref<1x128x128xf32, #tpu.memory_space<vmem>>
      %dma_wait3A_744 = tpu.memref_squeeze %dma_wait3A_743 : memref<1x128x128xf32, #tpu.memory_space<vmem>> -> memref<128x128xf32, #tpu.memory_space<vmem>>
      %dma_wait3A_745 = arith.constant 0 : i32
      %dma_wait3A_746 = tpu.memref_slice %arg6[%run_scoped3A_281, %mul3A_279, %dma_wait3A_745] : memref<13x4096x128xf32, #tpu.memory_space<hbm>> -> memref<1x128x128xf32, #tpu.memory_space<hbm>>
      %dma_wait3A_747 = tpu.memref_squeeze %dma_wait3A_746 : memref<1x128x128xf32, #tpu.memory_space<hbm>> -> memref<128x128xf32, #tpu.memory_space<hbm>>
      %dma_wait3A_748 = arith.constant 0 : i32
      %dma_wait3A_749 = tpu.memref_slice %arg6[%run_scoped3A_281, %mul3A_279, %dma_wait3A_748] : memref<13x4096x128xf32, #tpu.memory_space<hbm>> -> memref<1x128x128xf32, #tpu.memory_space<hbm>>
      %dma_wait3A_750 = tpu.memref_squeeze %dma_wait3A_749 : memref<1x128x128xf32, #tpu.memory_space<hbm>> -> memref<128x128xf32, #tpu.memory_space<hbm>>
      %dma_wait3A_751 = arith.constant 0 : i32
      %dma_wait3A_752 = arith.constant 0 : i32
      %dma_wait3A_753 = tpu.memref_slice %arg9[%run_scoped3A_280, %dma_wait3A_751, %dma_wait3A_752] : memref<6x128x128xf32, #tpu.memory_space<vmem>> -> memref<1x128x128xf32, #tpu.memory_space<vmem>>
      %dma_wait3A_754 = tpu.memref_squeeze %dma_wait3A_753 : memref<1x128x128xf32, #tpu.memory_space<vmem>> -> memref<128x128xf32, #tpu.memory_space<vmem>>
      tpu.wait_dma2 semaphore(%run_scoped3A_726 : memref<!tpu.dma_semaphore, #tpu.memory_space<semaphore_mem>>) src(%dma_wait3A_754 : memref<128x128xf32, #tpu.memory_space<vmem>>) dst(%dma_wait3A_750 : memref<128x128xf32, #tpu.memory_space<hbm>>)
      tpu.yield
    }) : () -> ()
    %dma_wait3A_282 = arith.constant 8 : i32
    %dma_wait3A_283 = arith.constant 2 : i32
    %dma_wait3A_284 = arith.constant 0 : i32
    %dma_wait3A_285 = arith.constant 0 : i32
    %dma_wait3A_286 = tpu.memref_slice %arg9[%dma_wait3A_283, %dma_wait3A_284, %dma_wait3A_285] : memref<6x128x128xf32, #tpu.memory_space<vmem>> -> memref<1x128x128xf32, #tpu.memory_space<vmem>>
    %dma_wait3A_287 = tpu.memref_squeeze %dma_wait3A_286 : memref<1x128x128xf32, #tpu.memory_space<vmem>> -> memref<128x128xf32, #tpu.memory_space<vmem>>
    %dma_wait3A_288 = arith.constant 0 : i32
    %dma_wait3A_289 = tpu.memref_slice %arg8[%dma_wait3A_282, %dma_wait3A_288] : memref<13x128xi32, #tpu.memory_space<vmem>> -> memref<1x128xi32, #tpu.memory_space<vmem>>
    %dma_wait3A_290 = tpu.memref_squeeze %dma_wait3A_289 : memref<1x128xi32, #tpu.memory_space<vmem>> -> memref<128xi32, #tpu.memory_space<vmem>>
    %dma_wait3A_291 = arith.constant 0 : i32
    %dma_wait3A_292 = arith.constant 0 : i32
    %dma_wait3A_293 = tpu.memref_slice %arg2[%dma_wait3A_291, %dma_wait3A_292] : memref<1300000x128xf32, #tpu.memory_space<hbm>> -> memref<1300000x128xf32, #tpu.memory_space<hbm>>
    tpu.wait_indirect_dma semaphore(%arg10 : memref<!tpu.dma_semaphore, #tpu.memory_space<semaphore_mem>>) src(%dma_wait3A_293 : memref<1300000x128xf32, #tpu.memory_space<hbm>>) dst(%dma_wait3A_287 : memref<128x128xf32, #tpu.memory_space<vmem>>)
    %mul3A_294 = arith.constant 128 : i32
    %mul3A_295 = arith.muli %add3A, %mul3A_294 : i32
    %run_scoped3A_296 = arith.constant 2 : i32
    %run_scoped3A_297 = arith.constant 8 : i32
    "tpu.region"() ({
      %run_scoped3A_726 = tpu.sem_alloc : memref<!tpu.dma_semaphore, #tpu.memory_space<semaphore_mem>>
      %dma_start3A_727 = arith.constant 0 : i32
      %dma_start3A_728 = arith.constant 0 : i32
      %dma_start3A_729 = tpu.memref_slice %arg9[%run_scoped3A_296, %dma_start3A_727, %dma_start3A_728] : memref<6x128x128xf32, #tpu.memory_space<vmem>> -> memref<1x128x128xf32, #tpu.memory_space<vmem>>
      %dma_start3A_730 = tpu.memref_squeeze %dma_start3A_729 : memref<1x128x128xf32, #tpu.memory_space<vmem>> -> memref<128x128xf32, #tpu.memory_space<vmem>>
      %dma_start3A_731 = arith.constant 0 : i32
      %dma_start3A_732 = tpu.memref_slice %arg6[%run_scoped3A_297, %mul3A_295, %dma_start3A_731] : memref<13x4096x128xf32, #tpu.memory_space<hbm>> -> memref<1x128x128xf32, #tpu.memory_space<hbm>>
      %dma_start3A_733 = tpu.memref_squeeze %dma_start3A_732 : memref<1x128x128xf32, #tpu.memory_space<hbm>> -> memref<128x128xf32, #tpu.memory_space<hbm>>
      %dma_start3A_734 = arith.constant 0 : i32
      %dma_start3A_735 = tpu.memref_slice %arg6[%run_scoped3A_297, %mul3A_295, %dma_start3A_734] : memref<13x4096x128xf32, #tpu.memory_space<hbm>> -> memref<1x128x128xf32, #tpu.memory_space<hbm>>
      %dma_start3A_736 = tpu.memref_squeeze %dma_start3A_735 : memref<1x128x128xf32, #tpu.memory_space<hbm>> -> memref<128x128xf32, #tpu.memory_space<hbm>>
      %dma_start3A_737 = arith.constant 0 : i32
      %dma_start3A_738 = arith.constant 0 : i32
      %dma_start3A_739 = tpu.memref_slice %arg9[%run_scoped3A_296, %dma_start3A_737, %dma_start3A_738] : memref<6x128x128xf32, #tpu.memory_space<vmem>> -> memref<1x128x128xf32, #tpu.memory_space<vmem>>
      %dma_start3A_740 = tpu.memref_squeeze %dma_start3A_739 : memref<1x128x128xf32, #tpu.memory_space<vmem>> -> memref<128x128xf32, #tpu.memory_space<vmem>>
      tpu.enqueue_dma source(%dma_start3A_740 : memref<128x128xf32, #tpu.memory_space<vmem>>) target(%dma_start3A_736 : memref<128x128xf32, #tpu.memory_space<hbm>>) target_semaphore(%run_scoped3A_726 : memref<!tpu.dma_semaphore, #tpu.memory_space<semaphore_mem>>)
      %dma_wait3A_741 = arith.constant 0 : i32
      %dma_wait3A_742 = arith.constant 0 : i32
      %dma_wait3A_743 = tpu.memref_slice %arg9[%run_scoped3A_296, %dma_wait3A_741, %dma_wait3A_742] : memref<6x128x128xf32, #tpu.memory_space<vmem>> -> memref<1x128x128xf32, #tpu.memory_space<vmem>>
      %dma_wait3A_744 = tpu.memref_squeeze %dma_wait3A_743 : memref<1x128x128xf32, #tpu.memory_space<vmem>> -> memref<128x128xf32, #tpu.memory_space<vmem>>
      %dma_wait3A_745 = arith.constant 0 : i32
      %dma_wait3A_746 = tpu.memref_slice %arg6[%run_scoped3A_297, %mul3A_295, %dma_wait3A_745] : memref<13x4096x128xf32, #tpu.memory_space<hbm>> -> memref<1x128x128xf32, #tpu.memory_space<hbm>>
      %dma_wait3A_747 = tpu.memref_squeeze %dma_wait3A_746 : memref<1x128x128xf32, #tpu.memory_space<hbm>> -> memref<128x128xf32, #tpu.memory_space<hbm>>
      %dma_wait3A_748 = arith.constant 0 : i32
      %dma_wait3A_749 = tpu.memref_slice %arg6[%run_scoped3A_297, %mul3A_295, %dma_wait3A_748] : memref<13x4096x128xf32, #tpu.memory_space<hbm>> -> memref<1x128x128xf32, #tpu.memory_space<hbm>>
      %dma_wait3A_750 = tpu.memref_squeeze %dma_wait3A_749 : memref<1x128x128xf32, #tpu.memory_space<hbm>> -> memref<128x128xf32, #tpu.memory_space<hbm>>
      %dma_wait3A_751 = arith.constant 0 : i32
      %dma_wait3A_752 = arith.constant 0 : i32
      %dma_wait3A_753 = tpu.memref_slice %arg9[%run_scoped3A_296, %dma_wait3A_751, %dma_wait3A_752] : memref<6x128x128xf32, #tpu.memory_space<vmem>> -> memref<1x128x128xf32, #tpu.memory_space<vmem>>
      %dma_wait3A_754 = tpu.memref_squeeze %dma_wait3A_753 : memref<1x128x128xf32, #tpu.memory_space<vmem>> -> memref<128x128xf32, #tpu.memory_space<vmem>>
      tpu.wait_dma2 semaphore(%run_scoped3A_726 : memref<!tpu.dma_semaphore, #tpu.memory_space<semaphore_mem>>) src(%dma_wait3A_754 : memref<128x128xf32, #tpu.memory_space<vmem>>) dst(%dma_wait3A_750 : memref<128x128xf32, #tpu.memory_space<hbm>>)
      tpu.yield
    }) : () -> ()
    %dma_wait3A_298 = arith.constant 9 : i32
    %dma_wait3A_299 = arith.constant 3 : i32
    %dma_wait3A_300 = arith.constant 0 : i32
    %dma_wait3A_301 = arith.constant 0 : i32
    %dma_wait3A_302 = tpu.memref_slice %arg9[%dma_wait3A_299, %dma_wait3A_300, %dma_wait3A_301] : memref<6x128x128xf32, #tpu.memory_space<vmem>> -> memref<1x128x128xf32, #tpu.memory_space<vmem>>
    %dma_wait3A_303 = tpu.memref_squeeze %dma_wait3A_302 : memref<1x128x128xf32, #tpu.memory_space<vmem>> -> memref<128x128xf32, #tpu.memory_space<vmem>>
    %dma_wait3A_304 = arith.constant 0 : i32
    %dma_wait3A_305 = tpu.memref_slice %arg8[%dma_wait3A_298, %dma_wait3A_304] : memref<13x128xi32, #tpu.memory_space<vmem>> -> memref<1x128xi32, #tpu.memory_space<vmem>>
    %dma_wait3A_306 = tpu.memref_squeeze %dma_wait3A_305 : memref<1x128xi32, #tpu.memory_space<vmem>> -> memref<128xi32, #tpu.memory_space<vmem>>
    %dma_wait3A_307 = arith.constant 0 : i32
    %dma_wait3A_308 = arith.constant 0 : i32
    %dma_wait3A_309 = tpu.memref_slice %arg2[%dma_wait3A_307, %dma_wait3A_308] : memref<1300000x128xf32, #tpu.memory_space<hbm>> -> memref<1300000x128xf32, #tpu.memory_space<hbm>>
    tpu.wait_indirect_dma semaphore(%arg10 : memref<!tpu.dma_semaphore, #tpu.memory_space<semaphore_mem>>) src(%dma_wait3A_309 : memref<1300000x128xf32, #tpu.memory_space<hbm>>) dst(%dma_wait3A_303 : memref<128x128xf32, #tpu.memory_space<vmem>>)
    %mul3A_310 = arith.constant 128 : i32
    %mul3A_311 = arith.muli %add3A, %mul3A_310 : i32
    %run_scoped3A_312 = arith.constant 3 : i32
    %run_scoped3A_313 = arith.constant 9 : i32
    "tpu.region"() ({
      %run_scoped3A_726 = tpu.sem_alloc : memref<!tpu.dma_semaphore, #tpu.memory_space<semaphore_mem>>
      %dma_start3A_727 = arith.constant 0 : i32
      %dma_start3A_728 = arith.constant 0 : i32
      %dma_start3A_729 = tpu.memref_slice %arg9[%run_scoped3A_312, %dma_start3A_727, %dma_start3A_728] : memref<6x128x128xf32, #tpu.memory_space<vmem>> -> memref<1x128x128xf32, #tpu.memory_space<vmem>>
      %dma_start3A_730 = tpu.memref_squeeze %dma_start3A_729 : memref<1x128x128xf32, #tpu.memory_space<vmem>> -> memref<128x128xf32, #tpu.memory_space<vmem>>
      %dma_start3A_731 = arith.constant 0 : i32
      %dma_start3A_732 = tpu.memref_slice %arg6[%run_scoped3A_313, %mul3A_311, %dma_start3A_731] : memref<13x4096x128xf32, #tpu.memory_space<hbm>> -> memref<1x128x128xf32, #tpu.memory_space<hbm>>
      %dma_start3A_733 = tpu.memref_squeeze %dma_start3A_732 : memref<1x128x128xf32, #tpu.memory_space<hbm>> -> memref<128x128xf32, #tpu.memory_space<hbm>>
      %dma_start3A_734 = arith.constant 0 : i32
      %dma_start3A_735 = tpu.memref_slice %arg6[%run_scoped3A_313, %mul3A_311, %dma_start3A_734] : memref<13x4096x128xf32, #tpu.memory_space<hbm>> -> memref<1x128x128xf32, #tpu.memory_space<hbm>>
      %dma_start3A_736 = tpu.memref_squeeze %dma_start3A_735 : memref<1x128x128xf32, #tpu.memory_space<hbm>> -> memref<128x128xf32, #tpu.memory_space<hbm>>
      %dma_start3A_737 = arith.constant 0 : i32
      %dma_start3A_738 = arith.constant 0 : i32
      %dma_start3A_739 = tpu.memref_slice %arg9[%run_scoped3A_312, %dma_start3A_737, %dma_start3A_738] : memref<6x128x128xf32, #tpu.memory_space<vmem>> -> memref<1x128x128xf32, #tpu.memory_space<vmem>>
      %dma_start3A_740 = tpu.memref_squeeze %dma_start3A_739 : memref<1x128x128xf32, #tpu.memory_space<vmem>> -> memref<128x128xf32, #tpu.memory_space<vmem>>
      tpu.enqueue_dma source(%dma_start3A_740 : memref<128x128xf32, #tpu.memory_space<vmem>>) target(%dma_start3A_736 : memref<128x128xf32, #tpu.memory_space<hbm>>) target_semaphore(%run_scoped3A_726 : memref<!tpu.dma_semaphore, #tpu.memory_space<semaphore_mem>>)
      %dma_wait3A_741 = arith.constant 0 : i32
      %dma_wait3A_742 = arith.constant 0 : i32
      %dma_wait3A_743 = tpu.memref_slice %arg9[%run_scoped3A_312, %dma_wait3A_741, %dma_wait3A_742] : memref<6x128x128xf32, #tpu.memory_space<vmem>> -> memref<1x128x128xf32, #tpu.memory_space<vmem>>
      %dma_wait3A_744 = tpu.memref_squeeze %dma_wait3A_743 : memref<1x128x128xf32, #tpu.memory_space<vmem>> -> memref<128x128xf32, #tpu.memory_space<vmem>>
      %dma_wait3A_745 = arith.constant 0 : i32
      %dma_wait3A_746 = tpu.memref_slice %arg6[%run_scoped3A_313, %mul3A_311, %dma_wait3A_745] : memref<13x4096x128xf32, #tpu.memory_space<hbm>> -> memref<1x128x128xf32, #tpu.memory_space<hbm>>
      %dma_wait3A_747 = tpu.memref_squeeze %dma_wait3A_746 : memref<1x128x128xf32, #tpu.memory_space<hbm>> -> memref<128x128xf32, #tpu.memory_space<hbm>>
      %dma_wait3A_748 = arith.constant 0 : i32
      %dma_wait3A_749 = tpu.memref_slice %arg6[%run_scoped3A_313, %mul3A_311, %dma_wait3A_748] : memref<13x4096x128xf32, #tpu.memory_space<hbm>> -> memref<1x128x128xf32, #tpu.memory_space<hbm>>
      %dma_wait3A_750 = tpu.memref_squeeze %dma_wait3A_749 : memref<1x128x128xf32, #tpu.memory_space<hbm>> -> memref<128x128xf32, #tpu.memory_space<hbm>>
      %dma_wait3A_751 = arith.constant 0 : i32
      %dma_wait3A_752 = arith.constant 0 : i32
      %dma_wait3A_753 = tpu.memref_slice %arg9[%run_scoped3A_312, %dma_wait3A_751, %dma_wait3A_752] : memref<6x128x128xf32, #tpu.memory_space<vmem>> -> memref<1x128x128xf32, #tpu.memory_space<vmem>>
      %dma_wait3A_754 = tpu.memref_squeeze %dma_wait3A_753 : memref<1x128x128xf32, #tpu.memory_space<vmem>> -> memref<128x128xf32, #tpu.memory_space<vmem>>
      tpu.wait_dma2 semaphore(%run_scoped3A_726 : memref<!tpu.dma_semaphore, #tpu.memory_space<semaphore_mem>>) src(%dma_wait3A_754 : memref<128x128xf32, #tpu.memory_space<vmem>>) dst(%dma_wait3A_750 : memref<128x128xf32, #tpu.memory_space<hbm>>)
      tpu.yield
    }) : () -> ()
    %dma_wait3A_314 = arith.constant 10 : i32
    %dma_wait3A_315 = arith.constant 4 : i32
    %dma_wait3A_316 = arith.constant 0 : i32
    %dma_wait3A_317 = arith.constant 0 : i32
    %dma_wait3A_318 = tpu.memref_slice %arg9[%dma_wait3A_315, %dma_wait3A_316, %dma_wait3A_317] : memref<6x128x128xf32, #tpu.memory_space<vmem>> -> memref<1x128x128xf32, #tpu.memory_space<vmem>>
    %dma_wait3A_319 = tpu.memref_squeeze %dma_wait3A_318 : memref<1x128x128xf32, #tpu.memory_space<vmem>> -> memref<128x128xf32, #tpu.memory_space<vmem>>
    %dma_wait3A_320 = arith.constant 0 : i32
    %dma_wait3A_321 = tpu.memref_slice %arg8[%dma_wait3A_314, %dma_wait3A_320] : memref<13x128xi32, #tpu.memory_space<vmem>> -> memref<1x128xi32, #tpu.memory_space<vmem>>
    %dma_wait3A_322 = tpu.memref_squeeze %dma_wait3A_321 : memref<1x128xi32, #tpu.memory_space<vmem>> -> memref<128xi32, #tpu.memory_space<vmem>>
    %dma_wait3A_323 = arith.constant 0 : i32
    %dma_wait3A_324 = arith.constant 0 : i32
    %dma_wait3A_325 = tpu.memref_slice %arg2[%dma_wait3A_323, %dma_wait3A_324] : memref<1300000x128xf32, #tpu.memory_space<hbm>> -> memref<1300000x128xf32, #tpu.memory_space<hbm>>
    tpu.wait_indirect_dma semaphore(%arg10 : memref<!tpu.dma_semaphore, #tpu.memory_space<semaphore_mem>>) src(%dma_wait3A_325 : memref<1300000x128xf32, #tpu.memory_space<hbm>>) dst(%dma_wait3A_319 : memref<128x128xf32, #tpu.memory_space<vmem>>)
    %mul3A_326 = arith.constant 128 : i32
    %mul3A_327 = arith.muli %add3A, %mul3A_326 : i32
    %run_scoped3A_328 = arith.constant 4 : i32
    %run_scoped3A_329 = arith.constant 10 : i32
    "tpu.region"() ({
      %run_scoped3A_726 = tpu.sem_alloc : memref<!tpu.dma_semaphore, #tpu.memory_space<semaphore_mem>>
      %dma_start3A_727 = arith.constant 0 : i32
      %dma_start3A_728 = arith.constant 0 : i32
      %dma_start3A_729 = tpu.memref_slice %arg9[%run_scoped3A_328, %dma_start3A_727, %dma_start3A_728] : memref<6x128x128xf32, #tpu.memory_space<vmem>> -> memref<1x128x128xf32, #tpu.memory_space<vmem>>
      %dma_start3A_730 = tpu.memref_squeeze %dma_start3A_729 : memref<1x128x128xf32, #tpu.memory_space<vmem>> -> memref<128x128xf32, #tpu.memory_space<vmem>>
      %dma_start3A_731 = arith.constant 0 : i32
      %dma_start3A_732 = tpu.memref_slice %arg6[%run_scoped3A_329, %mul3A_327, %dma_start3A_731] : memref<13x4096x128xf32, #tpu.memory_space<hbm>> -> memref<1x128x128xf32, #tpu.memory_space<hbm>>
      %dma_start3A_733 = tpu.memref_squeeze %dma_start3A_732 : memref<1x128x128xf32, #tpu.memory_space<hbm>> -> memref<128x128xf32, #tpu.memory_space<hbm>>
      %dma_start3A_734 = arith.constant 0 : i32
      %dma_start3A_735 = tpu.memref_slice %arg6[%run_scoped3A_329, %mul3A_327, %dma_start3A_734] : memref<13x4096x128xf32, #tpu.memory_space<hbm>> -> memref<1x128x128xf32, #tpu.memory_space<hbm>>
      %dma_start3A_736 = tpu.memref_squeeze %dma_start3A_735 : memref<1x128x128xf32, #tpu.memory_space<hbm>> -> memref<128x128xf32, #tpu.memory_space<hbm>>
      %dma_start3A_737 = arith.constant 0 : i32
      %dma_start3A_738 = arith.constant 0 : i32
      %dma_start3A_739 = tpu.memref_slice %arg9[%run_scoped3A_328, %dma_start3A_737, %dma_start3A_738] : memref<6x128x128xf32, #tpu.memory_space<vmem>> -> memref<1x128x128xf32, #tpu.memory_space<vmem>>
      %dma_start3A_740 = tpu.memref_squeeze %dma_start3A_739 : memref<1x128x128xf32, #tpu.memory_space<vmem>> -> memref<128x128xf32, #tpu.memory_space<vmem>>
      tpu.enqueue_dma source(%dma_start3A_740 : memref<128x128xf32, #tpu.memory_space<vmem>>) target(%dma_start3A_736 : memref<128x128xf32, #tpu.memory_space<hbm>>) target_semaphore(%run_scoped3A_726 : memref<!tpu.dma_semaphore, #tpu.memory_space<semaphore_mem>>)
      %dma_wait3A_741 = arith.constant 0 : i32
      %dma_wait3A_742 = arith.constant 0 : i32
      %dma_wait3A_743 = tpu.memref_slice %arg9[%run_scoped3A_328, %dma_wait3A_741, %dma_wait3A_742] : memref<6x128x128xf32, #tpu.memory_space<vmem>> -> memref<1x128x128xf32, #tpu.memory_space<vmem>>
      %dma_wait3A_744 = tpu.memref_squeeze %dma_wait3A_743 : memref<1x128x128xf32, #tpu.memory_space<vmem>> -> memref<128x128xf32, #tpu.memory_space<vmem>>
      %dma_wait3A_745 = arith.constant 0 : i32
      %dma_wait3A_746 = tpu.memref_slice %arg6[%run_scoped3A_329, %mul3A_327, %dma_wait3A_745] : memref<13x4096x128xf32, #tpu.memory_space<hbm>> -> memref<1x128x128xf32, #tpu.memory_space<hbm>>
      %dma_wait3A_747 = tpu.memref_squeeze %dma_wait3A_746 : memref<1x128x128xf32, #tpu.memory_space<hbm>> -> memref<128x128xf32, #tpu.memory_space<hbm>>
      %dma_wait3A_748 = arith.constant 0 : i32
      %dma_wait3A_749 = tpu.memref_slice %arg6[%run_scoped3A_329, %mul3A_327, %dma_wait3A_748] : memref<13x4096x128xf32, #tpu.memory_space<hbm>> -> memref<1x128x128xf32, #tpu.memory_space<hbm>>
      %dma_wait3A_750 = tpu.memref_squeeze %dma_wait3A_749 : memref<1x128x128xf32, #tpu.memory_space<hbm>> -> memref<128x128xf32, #tpu.memory_space<hbm>>
      %dma_wait3A_751 = arith.constant 0 : i32
      %dma_wait3A_752 = arith.constant 0 : i32
      %dma_wait3A_753 = tpu.memref_slice %arg9[%run_scoped3A_328, %dma_wait3A_751, %dma_wait3A_752] : memref<6x128x128xf32, #tpu.memory_space<vmem>> -> memref<1x128x128xf32, #tpu.memory_space<vmem>>
      %dma_wait3A_754 = tpu.memref_squeeze %dma_wait3A_753 : memref<1x128x128xf32, #tpu.memory_space<vmem>> -> memref<128x128xf32, #tpu.memory_space<vmem>>
      tpu.wait_dma2 semaphore(%run_scoped3A_726 : memref<!tpu.dma_semaphore, #tpu.memory_space<semaphore_mem>>) src(%dma_wait3A_754 : memref<128x128xf32, #tpu.memory_space<vmem>>) dst(%dma_wait3A_750 : memref<128x128xf32, #tpu.memory_space<hbm>>)
      tpu.yield
    }) : () -> ()
    %dma_wait3A_330 = arith.constant 11 : i32
    %dma_wait3A_331 = arith.constant 5 : i32
    %dma_wait3A_332 = arith.constant 0 : i32
    %dma_wait3A_333 = arith.constant 0 : i32
    %dma_wait3A_334 = tpu.memref_slice %arg9[%dma_wait3A_331, %dma_wait3A_332, %dma_wait3A_333] : memref<6x128x128xf32, #tpu.memory_space<vmem>> -> memref<1x128x128xf32, #tpu.memory_space<vmem>>
    %dma_wait3A_335 = tpu.memref_squeeze %dma_wait3A_334 : memref<1x128x128xf32, #tpu.memory_space<vmem>> -> memref<128x128xf32, #tpu.memory_space<vmem>>
    %dma_wait3A_336 = arith.constant 0 : i32
    %dma_wait3A_337 = tpu.memref_slice %arg8[%dma_wait3A_330, %dma_wait3A_336] : memref<13x128xi32, #tpu.memory_space<vmem>> -> memref<1x128xi32, #tpu.memory_space<vmem>>
    %dma_wait3A_338 = tpu.memref_squeeze %dma_wait3A_337 : memref<1x128xi32, #tpu.memory_space<vmem>> -> memref<128xi32, #tpu.memory_space<vmem>>
    %dma_wait3A_339 = arith.constant 0 : i32
    %dma_wait3A_340 = arith.constant 0 : i32
    %dma_wait3A_341 = tpu.memref_slice %arg2[%dma_wait3A_339, %dma_wait3A_340] : memref<1300000x128xf32, #tpu.memory_space<hbm>> -> memref<1300000x128xf32, #tpu.memory_space<hbm>>
    tpu.wait_indirect_dma semaphore(%arg10 : memref<!tpu.dma_semaphore, #tpu.memory_space<semaphore_mem>>) src(%dma_wait3A_341 : memref<1300000x128xf32, #tpu.memory_space<hbm>>) dst(%dma_wait3A_335 : memref<128x128xf32, #tpu.memory_space<vmem>>)
    %mul3A_342 = arith.constant 128 : i32
    %mul3A_343 = arith.muli %add3A, %mul3A_342 : i32
    %run_scoped3A_344 = arith.constant 5 : i32
    %run_scoped3A_345 = arith.constant 11 : i32
    "tpu.region"() ({
      %run_scoped3A_726 = tpu.sem_alloc : memref<!tpu.dma_semaphore, #tpu.memory_space<semaphore_mem>>
      %dma_start3A_727 = arith.constant 0 : i32
      %dma_start3A_728 = arith.constant 0 : i32
      %dma_start3A_729 = tpu.memref_slice %arg9[%run_scoped3A_344, %dma_start3A_727, %dma_start3A_728] : memref<6x128x128xf32, #tpu.memory_space<vmem>> -> memref<1x128x128xf32, #tpu.memory_space<vmem>>
      %dma_start3A_730 = tpu.memref_squeeze %dma_start3A_729 : memref<1x128x128xf32, #tpu.memory_space<vmem>> -> memref<128x128xf32, #tpu.memory_space<vmem>>
      %dma_start3A_731 = arith.constant 0 : i32
      %dma_start3A_732 = tpu.memref_slice %arg6[%run_scoped3A_345, %mul3A_343, %dma_start3A_731] : memref<13x4096x128xf32, #tpu.memory_space<hbm>> -> memref<1x128x128xf32, #tpu.memory_space<hbm>>
      %dma_start3A_733 = tpu.memref_squeeze %dma_start3A_732 : memref<1x128x128xf32, #tpu.memory_space<hbm>> -> memref<128x128xf32, #tpu.memory_space<hbm>>
      %dma_start3A_734 = arith.constant 0 : i32
      %dma_start3A_735 = tpu.memref_slice %arg6[%run_scoped3A_345, %mul3A_343, %dma_start3A_734] : memref<13x4096x128xf32, #tpu.memory_space<hbm>> -> memref<1x128x128xf32, #tpu.memory_space<hbm>>
      %dma_start3A_736 = tpu.memref_squeeze %dma_start3A_735 : memref<1x128x128xf32, #tpu.memory_space<hbm>> -> memref<128x128xf32, #tpu.memory_space<hbm>>
      %dma_start3A_737 = arith.constant 0 : i32
      %dma_start3A_738 = arith.constant 0 : i32
      %dma_start3A_739 = tpu.memref_slice %arg9[%run_scoped3A_344, %dma_start3A_737, %dma_start3A_738] : memref<6x128x128xf32, #tpu.memory_space<vmem>> -> memref<1x128x128xf32, #tpu.memory_space<vmem>>
      %dma_start3A_740 = tpu.memref_squeeze %dma_start3A_739 : memref<1x128x128xf32, #tpu.memory_space<vmem>> -> memref<128x128xf32, #tpu.memory_space<vmem>>
      tpu.enqueue_dma source(%dma_start3A_740 : memref<128x128xf32, #tpu.memory_space<vmem>>) target(%dma_start3A_736 : memref<128x128xf32, #tpu.memory_space<hbm>>) target_semaphore(%run_scoped3A_726 : memref<!tpu.dma_semaphore, #tpu.memory_space<semaphore_mem>>)
      %dma_wait3A_741 = arith.constant 0 : i32
      %dma_wait3A_742 = arith.constant 0 : i32
      %dma_wait3A_743 = tpu.memref_slice %arg9[%run_scoped3A_344, %dma_wait3A_741, %dma_wait3A_742] : memref<6x128x128xf32, #tpu.memory_space<vmem>> -> memref<1x128x128xf32, #tpu.memory_space<vmem>>
      %dma_wait3A_744 = tpu.memref_squeeze %dma_wait3A_743 : memref<1x128x128xf32, #tpu.memory_space<vmem>> -> memref<128x128xf32, #tpu.memory_space<vmem>>
      %dma_wait3A_745 = arith.constant 0 : i32
      %dma_wait3A_746 = tpu.memref_slice %arg6[%run_scoped3A_345, %mul3A_343, %dma_wait3A_745] : memref<13x4096x128xf32, #tpu.memory_space<hbm>> -> memref<1x128x128xf32, #tpu.memory_space<hbm>>
      %dma_wait3A_747 = tpu.memref_squeeze %dma_wait3A_746 : memref<1x128x128xf32, #tpu.memory_space<hbm>> -> memref<128x128xf32, #tpu.memory_space<hbm>>
      %dma_wait3A_748 = arith.constant 0 : i32
      %dma_wait3A_749 = tpu.memref_slice %arg6[%run_scoped3A_345, %mul3A_343, %dma_wait3A_748] : memref<13x4096x128xf32, #tpu.memory_space<hbm>> -> memref<1x128x128xf32, #tpu.memory_space<hbm>>
      %dma_wait3A_750 = tpu.memref_squeeze %dma_wait3A_749 : memref<1x128x128xf32, #tpu.memory_space<hbm>> -> memref<128x128xf32, #tpu.memory_space<hbm>>
      %dma_wait3A_751 = arith.constant 0 : i32
      %dma_wait3A_752 = arith.constant 0 : i32
      %dma_wait3A_753 = tpu.memref_slice %arg9[%run_scoped3A_344, %dma_wait3A_751, %dma_wait3A_752] : memref<6x128x128xf32, #tpu.memory_space<vmem>> -> memref<1x128x128xf32, #tpu.memory_space<vmem>>
      %dma_wait3A_754 = tpu.memref_squeeze %dma_wait3A_753 : memref<1x128x128xf32, #tpu.memory_space<vmem>> -> memref<128x128xf32, #tpu.memory_space<vmem>>
      tpu.wait_dma2 semaphore(%run_scoped3A_726 : memref<!tpu.dma_semaphore, #tpu.memory_space<semaphore_mem>>) src(%dma_wait3A_754 : memref<128x128xf32, #tpu.memory_space<vmem>>) dst(%dma_wait3A_750 : memref<128x128xf32, #tpu.memory_space<hbm>>)
      tpu.yield
    }) : () -> ()
    %dma_wait3A_346 = arith.constant 12 : i32
    %dma_wait3A_347 = arith.constant 0 : i32
    %dma_wait3A_348 = arith.constant 0 : i32
    %dma_wait3A_349 = arith.constant 0 : i32
    %dma_wait3A_350 = tpu.memref_slice %arg9[%dma_wait3A_347, %dma_wait3A_348, %dma_wait3A_349] : memref<6x128x128xf32, #tpu.memory_space<vmem>> -> memref<1x128x128xf32, #tpu.memory_space<vmem>>
    %dma_wait3A_351 = tpu.memref_squeeze %dma_wait3A_350 : memref<1x128x128xf32, #tpu.memory_space<vmem>> -> memref<128x128xf32, #tpu.memory_space<vmem>>
    %dma_wait3A_352 = arith.constant 0 : i32
    %dma_wait3A_353 = tpu.memref_slice %arg8[%dma_wait3A_346, %dma_wait3A_352] : memref<13x128xi32, #tpu.memory_space<vmem>> -> memref<1x128xi32, #tpu.memory_space<vmem>>
    %dma_wait3A_354 = tpu.memref_squeeze %dma_wait3A_353 : memref<1x128xi32, #tpu.memory_space<vmem>> -> memref<128xi32, #tpu.memory_space<vmem>>
    %dma_wait3A_355 = arith.constant 0 : i32
    %dma_wait3A_356 = arith.constant 0 : i32
    %dma_wait3A_357 = tpu.memref_slice %arg2[%dma_wait3A_355, %dma_wait3A_356] : memref<1300000x128xf32, #tpu.memory_space<hbm>> -> memref<1300000x128xf32, #tpu.memory_space<hbm>>
    tpu.wait_indirect_dma semaphore(%arg10 : memref<!tpu.dma_semaphore, #tpu.memory_space<semaphore_mem>>) src(%dma_wait3A_357 : memref<1300000x128xf32, #tpu.memory_space<hbm>>) dst(%dma_wait3A_351 : memref<128x128xf32, #tpu.memory_space<vmem>>)
    %mul3A_358 = arith.constant 128 : i32
    %mul3A_359 = arith.muli %add3A, %mul3A_358 : i32
    %run_scoped3A_360 = arith.constant 0 : i32
    %run_scoped3A_361 = arith.constant 12 : i32
    "tpu.region"() ({
      %run_scoped3A_726 = tpu.sem_alloc : memref<!tpu.dma_semaphore, #tpu.memory_space<semaphore_mem>>
      %dma_start3A_727 = arith.constant 0 : i32
      %dma_start3A_728 = arith.constant 0 : i32
      %dma_start3A_729 = tpu.memref_slice %arg9[%run_scoped3A_360, %dma_start3A_727, %dma_start3A_728] : memref<6x128x128xf32, #tpu.memory_space<vmem>> -> memref<1x128x128xf32, #tpu.memory_space<vmem>>
      %dma_start3A_730 = tpu.memref_squeeze %dma_start3A_729 : memref<1x128x128xf32, #tpu.memory_space<vmem>> -> memref<128x128xf32, #tpu.memory_space<vmem>>
      %dma_start3A_731 = arith.constant 0 : i32
      %dma_start3A_732 = tpu.memref_slice %arg6[%run_scoped3A_361, %mul3A_359, %dma_start3A_731] : memref<13x4096x128xf32, #tpu.memory_space<hbm>> -> memref<1x128x128xf32, #tpu.memory_space<hbm>>
      %dma_start3A_733 = tpu.memref_squeeze %dma_start3A_732 : memref<1x128x128xf32, #tpu.memory_space<hbm>> -> memref<128x128xf32, #tpu.memory_space<hbm>>
      %dma_start3A_734 = arith.constant 0 : i32
      %dma_start3A_735 = tpu.memref_slice %arg6[%run_scoped3A_361, %mul3A_359, %dma_start3A_734] : memref<13x4096x128xf32, #tpu.memory_space<hbm>> -> memref<1x128x128xf32, #tpu.memory_space<hbm>>
      %dma_start3A_736 = tpu.memref_squeeze %dma_start3A_735 : memref<1x128x128xf32, #tpu.memory_space<hbm>> -> memref<128x128xf32, #tpu.memory_space<hbm>>
      %dma_start3A_737 = arith.constant 0 : i32
      %dma_start3A_738 = arith.constant 0 : i32
      %dma_start3A_739 = tpu.memref_slice %arg9[%run_scoped3A_360, %dma_start3A_737, %dma_start3A_738] : memref<6x128x128xf32, #tpu.memory_space<vmem>> -> memref<1x128x128xf32, #tpu.memory_space<vmem>>
      %dma_start3A_740 = tpu.memref_squeeze %dma_start3A_739 : memref<1x128x128xf32, #tpu.memory_space<vmem>> -> memref<128x128xf32, #tpu.memory_space<vmem>>
      tpu.enqueue_dma source(%dma_start3A_740 : memref<128x128xf32, #tpu.memory_space<vmem>>) target(%dma_start3A_736 : memref<128x128xf32, #tpu.memory_space<hbm>>) target_semaphore(%run_scoped3A_726 : memref<!tpu.dma_semaphore, #tpu.memory_space<semaphore_mem>>)
      %dma_wait3A_741 = arith.constant 0 : i32
      %dma_wait3A_742 = arith.constant 0 : i32
      %dma_wait3A_743 = tpu.memref_slice %arg9[%run_scoped3A_360, %dma_wait3A_741, %dma_wait3A_742] : memref<6x128x128xf32, #tpu.memory_space<vmem>> -> memref<1x128x128xf32, #tpu.memory_space<vmem>>
      %dma_wait3A_744 = tpu.memref_squeeze %dma_wait3A_743 : memref<1x128x128xf32, #tpu.memory_space<vmem>> -> memref<128x128xf32, #tpu.memory_space<vmem>>
      %dma_wait3A_745 = arith.constant 0 : i32
      %dma_wait3A_746 = tpu.memref_slice %arg6[%run_scoped3A_361, %mul3A_359, %dma_wait3A_745] : memref<13x4096x128xf32, #tpu.memory_space<hbm>> -> memref<1x128x128xf32, #tpu.memory_space<hbm>>
      %dma_wait3A_747 = tpu.memref_squeeze %dma_wait3A_746 : memref<1x128x128xf32, #tpu.memory_space<hbm>> -> memref<128x128xf32, #tpu.memory_space<hbm>>
      %dma_wait3A_748 = arith.constant 0 : i32
      %dma_wait3A_749 = tpu.memref_slice %arg6[%run_scoped3A_361, %mul3A_359, %dma_wait3A_748] : memref<13x4096x128xf32, #tpu.memory_space<hbm>> -> memref<1x128x128xf32, #tpu.memory_space<hbm>>
      %dma_wait3A_750 = tpu.memref_squeeze %dma_wait3A_749 : memref<1x128x128xf32, #tpu.memory_space<hbm>> -> memref<128x128xf32, #tpu.memory_space<hbm>>
      %dma_wait3A_751 = arith.constant 0 : i32
      %dma_wait3A_752 = arith.constant 0 : i32
      %dma_wait3A_753 = tpu.memref_slice %arg9[%run_scoped3A_360, %dma_wait3A_751, %dma_wait3A_752] : memref<6x128x128xf32, #tpu.memory_space<vmem>> -> memref<1x128x128xf32, #tpu.memory_space<vmem>>
      %dma_wait3A_754 = tpu.memref_squeeze %dma_wait3A_753 : memref<1x128x128xf32, #tpu.memory_space<vmem>> -> memref<128x128xf32, #tpu.memory_space<vmem>>
      tpu.wait_dma2 semaphore(%run_scoped3A_726 : memref<!tpu.dma_semaphore, #tpu.memory_space<semaphore_mem>>) src(%dma_wait3A_754 : memref<128x128xf32, #tpu.memory_space<vmem>>) dst(%dma_wait3A_750 : memref<128x128xf32, #tpu.memory_space<hbm>>)
      tpu.yield
    }) : () -> ()
    "tpu.region"() ({
      %run_scoped3A_726 = tpu.sem_alloc : memref<!tpu.dma_semaphore, #tpu.memory_space<semaphore_mem>>
      %dma_start3A_727 = arith.constant 0 : i32
      %dma_start3A_728 = arith.constant 0 : i32
      %dma_start3A_729 = tpu.memref_slice %arg5[%add3A, %dma_start3A_727, %dma_start3A_728] : memref<32x13x128xi32, #tpu.memory_space<hbm>> -> memref<1x13x128xi32, #tpu.memory_space<hbm>>
      %dma_start3A_730 = tpu.memref_squeeze %dma_start3A_729 : memref<1x13x128xi32, #tpu.memory_space<hbm>> -> memref<13x128xi32, #tpu.memory_space<hbm>>
      %dma_start3A_731 = arith.constant 0 : i32
      %dma_start3A_732 = arith.constant 0 : i32
      %dma_start3A_733 = tpu.memref_slice %arg5[%add3A, %dma_start3A_731, %dma_start3A_732] : memref<32x13x128xi32, #tpu.memory_space<hbm>> -> memref<1x13x128xi32, #tpu.memory_space<hbm>>
      %dma_start3A_734 = tpu.memref_squeeze %dma_start3A_733 : memref<1x13x128xi32, #tpu.memory_space<hbm>> -> memref<13x128xi32, #tpu.memory_space<hbm>>
      tpu.enqueue_dma source(%dma_start3A_734 : memref<13x128xi32, #tpu.memory_space<hbm>>) target(%arg8 : memref<13x128xi32, #tpu.memory_space<vmem>>) target_semaphore(%run_scoped3A_726 : memref<!tpu.dma_semaphore, #tpu.memory_space<semaphore_mem>>)
      %dma_wait3A_735 = arith.constant 0 : i32
      %dma_wait3A_736 = arith.constant 0 : i32
      %dma_wait3A_737 = tpu.memref_slice %arg5[%add3A, %dma_wait3A_735, %dma_wait3A_736] : memref<32x13x128xi32, #tpu.memory_space<hbm>> -> memref<1x13x128xi32, #tpu.memory_space<hbm>>
      %dma_wait3A_738 = tpu.memref_squeeze %dma_wait3A_737 : memref<1x13x128xi32, #tpu.memory_space<hbm>> -> memref<13x128xi32, #tpu.memory_space<hbm>>
      %dma_wait3A_739 = arith.constant 0 : i32
      %dma_wait3A_740 = arith.constant 0 : i32
      %dma_wait3A_741 = tpu.memref_slice %arg5[%add3A, %dma_wait3A_739, %dma_wait3A_740] : memref<32x13x128xi32, #tpu.memory_space<hbm>> -> memref<1x13x128xi32, #tpu.memory_space<hbm>>
      %dma_wait3A_742 = tpu.memref_squeeze %dma_wait3A_741 : memref<1x13x128xi32, #tpu.memory_space<hbm>> -> memref<13x128xi32, #tpu.memory_space<hbm>>
      tpu.wait_dma2 semaphore(%run_scoped3A_726 : memref<!tpu.dma_semaphore, #tpu.memory_space<semaphore_mem>>) src(%dma_wait3A_742 : memref<13x128xi32, #tpu.memory_space<hbm>>) dst(%arg8 : memref<13x128xi32, #tpu.memory_space<vmem>>)
      tpu.yield
    }) : () -> ()
    %dma_start3A_362 = arith.constant 0 : i32
    %dma_start3A_363 = arith.constant 0 : i32
    %dma_start3A_364 = arith.constant 0 : i32
    %dma_start3A_365 = arith.constant 0 : i32
    %dma_start3A_366 = tpu.memref_slice %arg9[%dma_start3A_363, %dma_start3A_364, %dma_start3A_365] : memref<6x128x128xf32, #tpu.memory_space<vmem>> -> memref<1x128x128xf32, #tpu.memory_space<vmem>>
    %dma_start3A_367 = tpu.memref_squeeze %dma_start3A_366 : memref<1x128x128xf32, #tpu.memory_space<vmem>> -> memref<128x128xf32, #tpu.memory_space<vmem>>
    %dma_start3A_368 = arith.constant 0 : i32
    %dma_start3A_369 = tpu.memref_slice %arg8[%dma_start3A_362, %dma_start3A_368] : memref<13x128xi32, #tpu.memory_space<vmem>> -> memref<1x128xi32, #tpu.memory_space<vmem>>
    %dma_start3A_370 = tpu.memref_squeeze %dma_start3A_369 : memref<1x128xi32, #tpu.memory_space<vmem>> -> memref<128xi32, #tpu.memory_space<vmem>>
    %dma_start3A_371 = arith.constant 0 : i32
    %dma_start3A_372 = arith.constant 0 : i32
    %dma_start3A_373 = tpu.memref_slice %arg3[%dma_start3A_371, %dma_start3A_372] : memref<1300000x128xf32, #tpu.memory_space<hbm>> -> memref<1300000x128xf32, #tpu.memory_space<hbm>>
    tpu.enqueue_indirect_dma source(%dma_start3A_373 : memref<1300000x128xf32, #tpu.memory_space<hbm>>) target(%dma_start3A_367 : memref<128x128xf32, #tpu.memory_space<vmem>>) offsets(%dma_start3A_370 : memref<128xi32, #tpu.memory_space<vmem>>) semaphore(%arg10 : memref<!tpu.dma_semaphore, #tpu.memory_space<semaphore_mem>>)
    %dma_start3A_374 = arith.constant 1 : i32
    %dma_start3A_375 = arith.constant 1 : i32
    %dma_start3A_376 = arith.constant 0 : i32
    %dma_start3A_377 = arith.constant 0 : i32
    %dma_start3A_378 = tpu.memref_slice %arg9[%dma_start3A_375, %dma_start3A_376, %dma_start3A_377] : memref<6x128x128xf32, #tpu.memory_space<vmem>> -> memref<1x128x128xf32, #tpu.memory_space<vmem>>
    %dma_start3A_379 = tpu.memref_squeeze %dma_start3A_378 : memref<1x128x128xf32, #tpu.memory_space<vmem>> -> memref<128x128xf32, #tpu.memory_space<vmem>>
    %dma_start3A_380 = arith.constant 0 : i32
    %dma_start3A_381 = tpu.memref_slice %arg8[%dma_start3A_374, %dma_start3A_380] : memref<13x128xi32, #tpu.memory_space<vmem>> -> memref<1x128xi32, #tpu.memory_space<vmem>>
    %dma_start3A_382 = tpu.memref_squeeze %dma_start3A_381 : memref<1x128xi32, #tpu.memory_space<vmem>> -> memref<128xi32, #tpu.memory_space<vmem>>
    %dma_start3A_383 = arith.constant 0 : i32
    %dma_start3A_384 = arith.constant 0 : i32
    %dma_start3A_385 = tpu.memref_slice %arg3[%dma_start3A_383, %dma_start3A_384] : memref<1300000x128xf32, #tpu.memory_space<hbm>> -> memref<1300000x128xf32, #tpu.memory_space<hbm>>
    tpu.enqueue_indirect_dma source(%dma_start3A_385 : memref<1300000x128xf32, #tpu.memory_space<hbm>>) target(%dma_start3A_379 : memref<128x128xf32, #tpu.memory_space<vmem>>) offsets(%dma_start3A_382 : memref<128xi32, #tpu.memory_space<vmem>>) semaphore(%arg10 : memref<!tpu.dma_semaphore, #tpu.memory_space<semaphore_mem>>)
    %dma_start3A_386 = arith.constant 2 : i32
    %dma_start3A_387 = arith.constant 2 : i32
    %dma_start3A_388 = arith.constant 0 : i32
    %dma_start3A_389 = arith.constant 0 : i32
    %dma_start3A_390 = tpu.memref_slice %arg9[%dma_start3A_387, %dma_start3A_388, %dma_start3A_389] : memref<6x128x128xf32, #tpu.memory_space<vmem>> -> memref<1x128x128xf32, #tpu.memory_space<vmem>>
    %dma_start3A_391 = tpu.memref_squeeze %dma_start3A_390 : memref<1x128x128xf32, #tpu.memory_space<vmem>> -> memref<128x128xf32, #tpu.memory_space<vmem>>
    %dma_start3A_392 = arith.constant 0 : i32
    %dma_start3A_393 = tpu.memref_slice %arg8[%dma_start3A_386, %dma_start3A_392] : memref<13x128xi32, #tpu.memory_space<vmem>> -> memref<1x128xi32, #tpu.memory_space<vmem>>
    %dma_start3A_394 = tpu.memref_squeeze %dma_start3A_393 : memref<1x128xi32, #tpu.memory_space<vmem>> -> memref<128xi32, #tpu.memory_space<vmem>>
    %dma_start3A_395 = arith.constant 0 : i32
    %dma_start3A_396 = arith.constant 0 : i32
    %dma_start3A_397 = tpu.memref_slice %arg3[%dma_start3A_395, %dma_start3A_396] : memref<1300000x128xf32, #tpu.memory_space<hbm>> -> memref<1300000x128xf32, #tpu.memory_space<hbm>>
    tpu.enqueue_indirect_dma source(%dma_start3A_397 : memref<1300000x128xf32, #tpu.memory_space<hbm>>) target(%dma_start3A_391 : memref<128x128xf32, #tpu.memory_space<vmem>>) offsets(%dma_start3A_394 : memref<128xi32, #tpu.memory_space<vmem>>) semaphore(%arg10 : memref<!tpu.dma_semaphore, #tpu.memory_space<semaphore_mem>>)
    %dma_start3A_398 = arith.constant 3 : i32
    %dma_start3A_399 = arith.constant 3 : i32
    %dma_start3A_400 = arith.constant 0 : i32
    %dma_start3A_401 = arith.constant 0 : i32
    %dma_start3A_402 = tpu.memref_slice %arg9[%dma_start3A_399, %dma_start3A_400, %dma_start3A_401] : memref<6x128x128xf32, #tpu.memory_space<vmem>> -> memref<1x128x128xf32, #tpu.memory_space<vmem>>
    %dma_start3A_403 = tpu.memref_squeeze %dma_start3A_402 : memref<1x128x128xf32, #tpu.memory_space<vmem>> -> memref<128x128xf32, #tpu.memory_space<vmem>>
    %dma_start3A_404 = arith.constant 0 : i32
    %dma_start3A_405 = tpu.memref_slice %arg8[%dma_start3A_398, %dma_start3A_404] : memref<13x128xi32, #tpu.memory_space<vmem>> -> memref<1x128xi32, #tpu.memory_space<vmem>>
    %dma_start3A_406 = tpu.memref_squeeze %dma_start3A_405 : memref<1x128xi32, #tpu.memory_space<vmem>> -> memref<128xi32, #tpu.memory_space<vmem>>
    %dma_start3A_407 = arith.constant 0 : i32
    %dma_start3A_408 = arith.constant 0 : i32
    %dma_start3A_409 = tpu.memref_slice %arg3[%dma_start3A_407, %dma_start3A_408] : memref<1300000x128xf32, #tpu.memory_space<hbm>> -> memref<1300000x128xf32, #tpu.memory_space<hbm>>
    tpu.enqueue_indirect_dma source(%dma_start3A_409 : memref<1300000x128xf32, #tpu.memory_space<hbm>>) target(%dma_start3A_403 : memref<128x128xf32, #tpu.memory_space<vmem>>) offsets(%dma_start3A_406 : memref<128xi32, #tpu.memory_space<vmem>>) semaphore(%arg10 : memref<!tpu.dma_semaphore, #tpu.memory_space<semaphore_mem>>)
    %dma_start3A_410 = arith.constant 4 : i32
    %dma_start3A_411 = arith.constant 4 : i32
    %dma_start3A_412 = arith.constant 0 : i32
    %dma_start3A_413 = arith.constant 0 : i32
    %dma_start3A_414 = tpu.memref_slice %arg9[%dma_start3A_411, %dma_start3A_412, %dma_start3A_413] : memref<6x128x128xf32, #tpu.memory_space<vmem>> -> memref<1x128x128xf32, #tpu.memory_space<vmem>>
    %dma_start3A_415 = tpu.memref_squeeze %dma_start3A_414 : memref<1x128x128xf32, #tpu.memory_space<vmem>> -> memref<128x128xf32, #tpu.memory_space<vmem>>
    %dma_start3A_416 = arith.constant 0 : i32
    %dma_start3A_417 = tpu.memref_slice %arg8[%dma_start3A_410, %dma_start3A_416] : memref<13x128xi32, #tpu.memory_space<vmem>> -> memref<1x128xi32, #tpu.memory_space<vmem>>
    %dma_start3A_418 = tpu.memref_squeeze %dma_start3A_417 : memref<1x128xi32, #tpu.memory_space<vmem>> -> memref<128xi32, #tpu.memory_space<vmem>>
    %dma_start3A_419 = arith.constant 0 : i32
    %dma_start3A_420 = arith.constant 0 : i32
    %dma_start3A_421 = tpu.memref_slice %arg3[%dma_start3A_419, %dma_start3A_420] : memref<1300000x128xf32, #tpu.memory_space<hbm>> -> memref<1300000x128xf32, #tpu.memory_space<hbm>>
    tpu.enqueue_indirect_dma source(%dma_start3A_421 : memref<1300000x128xf32, #tpu.memory_space<hbm>>) target(%dma_start3A_415 : memref<128x128xf32, #tpu.memory_space<vmem>>) offsets(%dma_start3A_418 : memref<128xi32, #tpu.memory_space<vmem>>) semaphore(%arg10 : memref<!tpu.dma_semaphore, #tpu.memory_space<semaphore_mem>>)
    %dma_start3A_422 = arith.constant 5 : i32
    %dma_start3A_423 = arith.constant 5 : i32
    %dma_start3A_424 = arith.constant 0 : i32
    %dma_start3A_425 = arith.constant 0 : i32
    %dma_start3A_426 = tpu.memref_slice %arg9[%dma_start3A_423, %dma_start3A_424, %dma_start3A_425] : memref<6x128x128xf32, #tpu.memory_space<vmem>> -> memref<1x128x128xf32, #tpu.memory_space<vmem>>
    %dma_start3A_427 = tpu.memref_squeeze %dma_start3A_426 : memref<1x128x128xf32, #tpu.memory_space<vmem>> -> memref<128x128xf32, #tpu.memory_space<vmem>>
    %dma_start3A_428 = arith.constant 0 : i32
    %dma_start3A_429 = tpu.memref_slice %arg8[%dma_start3A_422, %dma_start3A_428] : memref<13x128xi32, #tpu.memory_space<vmem>> -> memref<1x128xi32, #tpu.memory_space<vmem>>
    %dma_start3A_430 = tpu.memref_squeeze %dma_start3A_429 : memref<1x128xi32, #tpu.memory_space<vmem>> -> memref<128xi32, #tpu.memory_space<vmem>>
    %dma_start3A_431 = arith.constant 0 : i32
    %dma_start3A_432 = arith.constant 0 : i32
    %dma_start3A_433 = tpu.memref_slice %arg3[%dma_start3A_431, %dma_start3A_432] : memref<1300000x128xf32, #tpu.memory_space<hbm>> -> memref<1300000x128xf32, #tpu.memory_space<hbm>>
    tpu.enqueue_indirect_dma source(%dma_start3A_433 : memref<1300000x128xf32, #tpu.memory_space<hbm>>) target(%dma_start3A_427 : memref<128x128xf32, #tpu.memory_space<vmem>>) offsets(%dma_start3A_430 : memref<128xi32, #tpu.memory_space<vmem>>) semaphore(%arg10 : memref<!tpu.dma_semaphore, #tpu.memory_space<semaphore_mem>>)
    %dma_wait3A_434 = arith.constant 0 : i32
    %dma_wait3A_435 = arith.constant 0 : i32
    %dma_wait3A_436 = arith.constant 0 : i32
    %dma_wait3A_437 = arith.constant 0 : i32
    %dma_wait3A_438 = tpu.memref_slice %arg9[%dma_wait3A_435, %dma_wait3A_436, %dma_wait3A_437] : memref<6x128x128xf32, #tpu.memory_space<vmem>> -> memref<1x128x128xf32, #tpu.memory_space<vmem>>
    %dma_wait3A_439 = tpu.memref_squeeze %dma_wait3A_438 : memref<1x128x128xf32, #tpu.memory_space<vmem>> -> memref<128x128xf32, #tpu.memory_space<vmem>>
    %dma_wait3A_440 = arith.constant 0 : i32
    %dma_wait3A_441 = tpu.memref_slice %arg8[%dma_wait3A_434, %dma_wait3A_440] : memref<13x128xi32, #tpu.memory_space<vmem>> -> memref<1x128xi32, #tpu.memory_space<vmem>>
    %dma_wait3A_442 = tpu.memref_squeeze %dma_wait3A_441 : memref<1x128xi32, #tpu.memory_space<vmem>> -> memref<128xi32, #tpu.memory_space<vmem>>
    %dma_wait3A_443 = arith.constant 0 : i32
    %dma_wait3A_444 = arith.constant 0 : i32
    %dma_wait3A_445 = tpu.memref_slice %arg3[%dma_wait3A_443, %dma_wait3A_444] : memref<1300000x128xf32, #tpu.memory_space<hbm>> -> memref<1300000x128xf32, #tpu.memory_space<hbm>>
    tpu.wait_indirect_dma semaphore(%arg10 : memref<!tpu.dma_semaphore, #tpu.memory_space<semaphore_mem>>) src(%dma_wait3A_445 : memref<1300000x128xf32, #tpu.memory_space<hbm>>) dst(%dma_wait3A_439 : memref<128x128xf32, #tpu.memory_space<vmem>>)
    %mul3A_446 = arith.constant 128 : i32
    %mul3A_447 = arith.muli %add3A, %mul3A_446 : i32
    %run_scoped3A_448 = arith.constant 0 : i32
    %run_scoped3A_449 = arith.constant 0 : i32
    "tpu.region"() ({
      %run_scoped3A_726 = tpu.sem_alloc : memref<!tpu.dma_semaphore, #tpu.memory_space<semaphore_mem>>
      %dma_start3A_727 = arith.constant 0 : i32
      %dma_start3A_728 = arith.constant 0 : i32
      %dma_start3A_729 = tpu.memref_slice %arg9[%run_scoped3A_448, %dma_start3A_727, %dma_start3A_728] : memref<6x128x128xf32, #tpu.memory_space<vmem>> -> memref<1x128x128xf32, #tpu.memory_space<vmem>>
      %dma_start3A_730 = tpu.memref_squeeze %dma_start3A_729 : memref<1x128x128xf32, #tpu.memory_space<vmem>> -> memref<128x128xf32, #tpu.memory_space<vmem>>
      %dma_start3A_731 = arith.constant 0 : i32
      %dma_start3A_732 = tpu.memref_slice %arg7[%run_scoped3A_449, %mul3A_447, %dma_start3A_731] : memref<13x4096x128xf32, #tpu.memory_space<hbm>> -> memref<1x128x128xf32, #tpu.memory_space<hbm>>
      %dma_start3A_733 = tpu.memref_squeeze %dma_start3A_732 : memref<1x128x128xf32, #tpu.memory_space<hbm>> -> memref<128x128xf32, #tpu.memory_space<hbm>>
      %dma_start3A_734 = arith.constant 0 : i32
      %dma_start3A_735 = tpu.memref_slice %arg7[%run_scoped3A_449, %mul3A_447, %dma_start3A_734] : memref<13x4096x128xf32, #tpu.memory_space<hbm>> -> memref<1x128x128xf32, #tpu.memory_space<hbm>>
      %dma_start3A_736 = tpu.memref_squeeze %dma_start3A_735 : memref<1x128x128xf32, #tpu.memory_space<hbm>> -> memref<128x128xf32, #tpu.memory_space<hbm>>
      %dma_start3A_737 = arith.constant 0 : i32
      %dma_start3A_738 = arith.constant 0 : i32
      %dma_start3A_739 = tpu.memref_slice %arg9[%run_scoped3A_448, %dma_start3A_737, %dma_start3A_738] : memref<6x128x128xf32, #tpu.memory_space<vmem>> -> memref<1x128x128xf32, #tpu.memory_space<vmem>>
      %dma_start3A_740 = tpu.memref_squeeze %dma_start3A_739 : memref<1x128x128xf32, #tpu.memory_space<vmem>> -> memref<128x128xf32, #tpu.memory_space<vmem>>
      tpu.enqueue_dma source(%dma_start3A_740 : memref<128x128xf32, #tpu.memory_space<vmem>>) target(%dma_start3A_736 : memref<128x128xf32, #tpu.memory_space<hbm>>) target_semaphore(%run_scoped3A_726 : memref<!tpu.dma_semaphore, #tpu.memory_space<semaphore_mem>>)
      %dma_wait3A_741 = arith.constant 0 : i32
      %dma_wait3A_742 = arith.constant 0 : i32
      %dma_wait3A_743 = tpu.memref_slice %arg9[%run_scoped3A_448, %dma_wait3A_741, %dma_wait3A_742] : memref<6x128x128xf32, #tpu.memory_space<vmem>> -> memref<1x128x128xf32, #tpu.memory_space<vmem>>
      %dma_wait3A_744 = tpu.memref_squeeze %dma_wait3A_743 : memref<1x128x128xf32, #tpu.memory_space<vmem>> -> memref<128x128xf32, #tpu.memory_space<vmem>>
      %dma_wait3A_745 = arith.constant 0 : i32
      %dma_wait3A_746 = tpu.memref_slice %arg7[%run_scoped3A_449, %mul3A_447, %dma_wait3A_745] : memref<13x4096x128xf32, #tpu.memory_space<hbm>> -> memref<1x128x128xf32, #tpu.memory_space<hbm>>
      %dma_wait3A_747 = tpu.memref_squeeze %dma_wait3A_746 : memref<1x128x128xf32, #tpu.memory_space<hbm>> -> memref<128x128xf32, #tpu.memory_space<hbm>>
      %dma_wait3A_748 = arith.constant 0 : i32
      %dma_wait3A_749 = tpu.memref_slice %arg7[%run_scoped3A_449, %mul3A_447, %dma_wait3A_748] : memref<13x4096x128xf32, #tpu.memory_space<hbm>> -> memref<1x128x128xf32, #tpu.memory_space<hbm>>
      %dma_wait3A_750 = tpu.memref_squeeze %dma_wait3A_749 : memref<1x128x128xf32, #tpu.memory_space<hbm>> -> memref<128x128xf32, #tpu.memory_space<hbm>>
      %dma_wait3A_751 = arith.constant 0 : i32
      %dma_wait3A_752 = arith.constant 0 : i32
      %dma_wait3A_753 = tpu.memref_slice %arg9[%run_scoped3A_448, %dma_wait3A_751, %dma_wait3A_752] : memref<6x128x128xf32, #tpu.memory_space<vmem>> -> memref<1x128x128xf32, #tpu.memory_space<vmem>>
      %dma_wait3A_754 = tpu.memref_squeeze %dma_wait3A_753 : memref<1x128x128xf32, #tpu.memory_space<vmem>> -> memref<128x128xf32, #tpu.memory_space<vmem>>
      tpu.wait_dma2 semaphore(%run_scoped3A_726 : memref<!tpu.dma_semaphore, #tpu.memory_space<semaphore_mem>>) src(%dma_wait3A_754 : memref<128x128xf32, #tpu.memory_space<vmem>>) dst(%dma_wait3A_750 : memref<128x128xf32, #tpu.memory_space<hbm>>)
      tpu.yield
    }) : () -> ()
    %dma_start3A_450 = arith.constant 6 : i32
    %dma_start3A_451 = arith.constant 0 : i32
    %dma_start3A_452 = arith.constant 0 : i32
    %dma_start3A_453 = arith.constant 0 : i32
    %dma_start3A_454 = tpu.memref_slice %arg9[%dma_start3A_451, %dma_start3A_452, %dma_start3A_453] : memref<6x128x128xf32, #tpu.memory_space<vmem>> -> memref<1x128x128xf32, #tpu.memory_space<vmem>>
    %dma_start3A_455 = tpu.memref_squeeze %dma_start3A_454 : memref<1x128x128xf32, #tpu.memory_space<vmem>> -> memref<128x128xf32, #tpu.memory_space<vmem>>
    %dma_start3A_456 = arith.constant 0 : i32
    %dma_start3A_457 = tpu.memref_slice %arg8[%dma_start3A_450, %dma_start3A_456] : memref<13x128xi32, #tpu.memory_space<vmem>> -> memref<1x128xi32, #tpu.memory_space<vmem>>
    %dma_start3A_458 = tpu.memref_squeeze %dma_start3A_457 : memref<1x128xi32, #tpu.memory_space<vmem>> -> memref<128xi32, #tpu.memory_space<vmem>>
    %dma_start3A_459 = arith.constant 0 : i32
    %dma_start3A_460 = arith.constant 0 : i32
    %dma_start3A_461 = tpu.memref_slice %arg3[%dma_start3A_459, %dma_start3A_460] : memref<1300000x128xf32, #tpu.memory_space<hbm>> -> memref<1300000x128xf32, #tpu.memory_space<hbm>>
    tpu.enqueue_indirect_dma source(%dma_start3A_461 : memref<1300000x128xf32, #tpu.memory_space<hbm>>) target(%dma_start3A_455 : memref<128x128xf32, #tpu.memory_space<vmem>>) offsets(%dma_start3A_458 : memref<128xi32, #tpu.memory_space<vmem>>) semaphore(%arg10 : memref<!tpu.dma_semaphore, #tpu.memory_space<semaphore_mem>>)
    %dma_wait3A_462 = arith.constant 1 : i32
    %dma_wait3A_463 = arith.constant 1 : i32
    %dma_wait3A_464 = arith.constant 0 : i32
    %dma_wait3A_465 = arith.constant 0 : i32
    %dma_wait3A_466 = tpu.memref_slice %arg9[%dma_wait3A_463, %dma_wait3A_464, %dma_wait3A_465] : memref<6x128x128xf32, #tpu.memory_space<vmem>> -> memref<1x128x128xf32, #tpu.memory_space<vmem>>
    %dma_wait3A_467 = tpu.memref_squeeze %dma_wait3A_466 : memref<1x128x128xf32, #tpu.memory_space<vmem>> -> memref<128x128xf32, #tpu.memory_space<vmem>>
    %dma_wait3A_468 = arith.constant 0 : i32
    %dma_wait3A_469 = tpu.memref_slice %arg8[%dma_wait3A_462, %dma_wait3A_468] : memref<13x128xi32, #tpu.memory_space<vmem>> -> memref<1x128xi32, #tpu.memory_space<vmem>>
    %dma_wait3A_470 = tpu.memref_squeeze %dma_wait3A_469 : memref<1x128xi32, #tpu.memory_space<vmem>> -> memref<128xi32, #tpu.memory_space<vmem>>
    %dma_wait3A_471 = arith.constant 0 : i32
    %dma_wait3A_472 = arith.constant 0 : i32
    %dma_wait3A_473 = tpu.memref_slice %arg3[%dma_wait3A_471, %dma_wait3A_472] : memref<1300000x128xf32, #tpu.memory_space<hbm>> -> memref<1300000x128xf32, #tpu.memory_space<hbm>>
    tpu.wait_indirect_dma semaphore(%arg10 : memref<!tpu.dma_semaphore, #tpu.memory_space<semaphore_mem>>) src(%dma_wait3A_473 : memref<1300000x128xf32, #tpu.memory_space<hbm>>) dst(%dma_wait3A_467 : memref<128x128xf32, #tpu.memory_space<vmem>>)
    %mul3A_474 = arith.constant 128 : i32
    %mul3A_475 = arith.muli %add3A, %mul3A_474 : i32
    %run_scoped3A_476 = arith.constant 1 : i32
    %run_scoped3A_477 = arith.constant 1 : i32
    "tpu.region"() ({
      %run_scoped3A_726 = tpu.sem_alloc : memref<!tpu.dma_semaphore, #tpu.memory_space<semaphore_mem>>
      %dma_start3A_727 = arith.constant 0 : i32
      %dma_start3A_728 = arith.constant 0 : i32
      %dma_start3A_729 = tpu.memref_slice %arg9[%run_scoped3A_476, %dma_start3A_727, %dma_start3A_728] : memref<6x128x128xf32, #tpu.memory_space<vmem>> -> memref<1x128x128xf32, #tpu.memory_space<vmem>>
      %dma_start3A_730 = tpu.memref_squeeze %dma_start3A_729 : memref<1x128x128xf32, #tpu.memory_space<vmem>> -> memref<128x128xf32, #tpu.memory_space<vmem>>
      %dma_start3A_731 = arith.constant 0 : i32
      %dma_start3A_732 = tpu.memref_slice %arg7[%run_scoped3A_477, %mul3A_475, %dma_start3A_731] : memref<13x4096x128xf32, #tpu.memory_space<hbm>> -> memref<1x128x128xf32, #tpu.memory_space<hbm>>
      %dma_start3A_733 = tpu.memref_squeeze %dma_start3A_732 : memref<1x128x128xf32, #tpu.memory_space<hbm>> -> memref<128x128xf32, #tpu.memory_space<hbm>>
      %dma_start3A_734 = arith.constant 0 : i32
      %dma_start3A_735 = tpu.memref_slice %arg7[%run_scoped3A_477, %mul3A_475, %dma_start3A_734] : memref<13x4096x128xf32, #tpu.memory_space<hbm>> -> memref<1x128x128xf32, #tpu.memory_space<hbm>>
      %dma_start3A_736 = tpu.memref_squeeze %dma_start3A_735 : memref<1x128x128xf32, #tpu.memory_space<hbm>> -> memref<128x128xf32, #tpu.memory_space<hbm>>
      %dma_start3A_737 = arith.constant 0 : i32
      %dma_start3A_738 = arith.constant 0 : i32
      %dma_start3A_739 = tpu.memref_slice %arg9[%run_scoped3A_476, %dma_start3A_737, %dma_start3A_738] : memref<6x128x128xf32, #tpu.memory_space<vmem>> -> memref<1x128x128xf32, #tpu.memory_space<vmem>>
      %dma_start3A_740 = tpu.memref_squeeze %dma_start3A_739 : memref<1x128x128xf32, #tpu.memory_space<vmem>> -> memref<128x128xf32, #tpu.memory_space<vmem>>
      tpu.enqueue_dma source(%dma_start3A_740 : memref<128x128xf32, #tpu.memory_space<vmem>>) target(%dma_start3A_736 : memref<128x128xf32, #tpu.memory_space<hbm>>) target_semaphore(%run_scoped3A_726 : memref<!tpu.dma_semaphore, #tpu.memory_space<semaphore_mem>>)
      %dma_wait3A_741 = arith.constant 0 : i32
      %dma_wait3A_742 = arith.constant 0 : i32
      %dma_wait3A_743 = tpu.memref_slice %arg9[%run_scoped3A_476, %dma_wait3A_741, %dma_wait3A_742] : memref<6x128x128xf32, #tpu.memory_space<vmem>> -> memref<1x128x128xf32, #tpu.memory_space<vmem>>
      %dma_wait3A_744 = tpu.memref_squeeze %dma_wait3A_743 : memref<1x128x128xf32, #tpu.memory_space<vmem>> -> memref<128x128xf32, #tpu.memory_space<vmem>>
      %dma_wait3A_745 = arith.constant 0 : i32
      %dma_wait3A_746 = tpu.memref_slice %arg7[%run_scoped3A_477, %mul3A_475, %dma_wait3A_745] : memref<13x4096x128xf32, #tpu.memory_space<hbm>> -> memref<1x128x128xf32, #tpu.memory_space<hbm>>
      %dma_wait3A_747 = tpu.memref_squeeze %dma_wait3A_746 : memref<1x128x128xf32, #tpu.memory_space<hbm>> -> memref<128x128xf32, #tpu.memory_space<hbm>>
      %dma_wait3A_748 = arith.constant 0 : i32
      %dma_wait3A_749 = tpu.memref_slice %arg7[%run_scoped3A_477, %mul3A_475, %dma_wait3A_748] : memref<13x4096x128xf32, #tpu.memory_space<hbm>> -> memref<1x128x128xf32, #tpu.memory_space<hbm>>
      %dma_wait3A_750 = tpu.memref_squeeze %dma_wait3A_749 : memref<1x128x128xf32, #tpu.memory_space<hbm>> -> memref<128x128xf32, #tpu.memory_space<hbm>>
      %dma_wait3A_751 = arith.constant 0 : i32
      %dma_wait3A_752 = arith.constant 0 : i32
      %dma_wait3A_753 = tpu.memref_slice %arg9[%run_scoped3A_476, %dma_wait3A_751, %dma_wait3A_752] : memref<6x128x128xf32, #tpu.memory_space<vmem>> -> memref<1x128x128xf32, #tpu.memory_space<vmem>>
      %dma_wait3A_754 = tpu.memref_squeeze %dma_wait3A_753 : memref<1x128x128xf32, #tpu.memory_space<vmem>> -> memref<128x128xf32, #tpu.memory_space<vmem>>
      tpu.wait_dma2 semaphore(%run_scoped3A_726 : memref<!tpu.dma_semaphore, #tpu.memory_space<semaphore_mem>>) src(%dma_wait3A_754 : memref<128x128xf32, #tpu.memory_space<vmem>>) dst(%dma_wait3A_750 : memref<128x128xf32, #tpu.memory_space<hbm>>)
      tpu.yield
    }) : () -> ()
    %dma_start3A_478 = arith.constant 7 : i32
    %dma_start3A_479 = arith.constant 1 : i32
    %dma_start3A_480 = arith.constant 0 : i32
    %dma_start3A_481 = arith.constant 0 : i32
    %dma_start3A_482 = tpu.memref_slice %arg9[%dma_start3A_479, %dma_start3A_480, %dma_start3A_481] : memref<6x128x128xf32, #tpu.memory_space<vmem>> -> memref<1x128x128xf32, #tpu.memory_space<vmem>>
    %dma_start3A_483 = tpu.memref_squeeze %dma_start3A_482 : memref<1x128x128xf32, #tpu.memory_space<vmem>> -> memref<128x128xf32, #tpu.memory_space<vmem>>
    %dma_start3A_484 = arith.constant 0 : i32
    %dma_start3A_485 = tpu.memref_slice %arg8[%dma_start3A_478, %dma_start3A_484] : memref<13x128xi32, #tpu.memory_space<vmem>> -> memref<1x128xi32, #tpu.memory_space<vmem>>
    %dma_start3A_486 = tpu.memref_squeeze %dma_start3A_485 : memref<1x128xi32, #tpu.memory_space<vmem>> -> memref<128xi32, #tpu.memory_space<vmem>>
    %dma_start3A_487 = arith.constant 0 : i32
    %dma_start3A_488 = arith.constant 0 : i32
    %dma_start3A_489 = tpu.memref_slice %arg3[%dma_start3A_487, %dma_start3A_488] : memref<1300000x128xf32, #tpu.memory_space<hbm>> -> memref<1300000x128xf32, #tpu.memory_space<hbm>>
    tpu.enqueue_indirect_dma source(%dma_start3A_489 : memref<1300000x128xf32, #tpu.memory_space<hbm>>) target(%dma_start3A_483 : memref<128x128xf32, #tpu.memory_space<vmem>>) offsets(%dma_start3A_486 : memref<128xi32, #tpu.memory_space<vmem>>) semaphore(%arg10 : memref<!tpu.dma_semaphore, #tpu.memory_space<semaphore_mem>>)
    %dma_wait3A_490 = arith.constant 2 : i32
    %dma_wait3A_491 = arith.constant 2 : i32
    %dma_wait3A_492 = arith.constant 0 : i32
    %dma_wait3A_493 = arith.constant 0 : i32
    %dma_wait3A_494 = tpu.memref_slice %arg9[%dma_wait3A_491, %dma_wait3A_492, %dma_wait3A_493] : memref<6x128x128xf32, #tpu.memory_space<vmem>> -> memref<1x128x128xf32, #tpu.memory_space<vmem>>
    %dma_wait3A_495 = tpu.memref_squeeze %dma_wait3A_494 : memref<1x128x128xf32, #tpu.memory_space<vmem>> -> memref<128x128xf32, #tpu.memory_space<vmem>>
    %dma_wait3A_496 = arith.constant 0 : i32
    %dma_wait3A_497 = tpu.memref_slice %arg8[%dma_wait3A_490, %dma_wait3A_496] : memref<13x128xi32, #tpu.memory_space<vmem>> -> memref<1x128xi32, #tpu.memory_space<vmem>>
    %dma_wait3A_498 = tpu.memref_squeeze %dma_wait3A_497 : memref<1x128xi32, #tpu.memory_space<vmem>> -> memref<128xi32, #tpu.memory_space<vmem>>
    %dma_wait3A_499 = arith.constant 0 : i32
    %dma_wait3A_500 = arith.constant 0 : i32
    %dma_wait3A_501 = tpu.memref_slice %arg3[%dma_wait3A_499, %dma_wait3A_500] : memref<1300000x128xf32, #tpu.memory_space<hbm>> -> memref<1300000x128xf32, #tpu.memory_space<hbm>>
    tpu.wait_indirect_dma semaphore(%arg10 : memref<!tpu.dma_semaphore, #tpu.memory_space<semaphore_mem>>) src(%dma_wait3A_501 : memref<1300000x128xf32, #tpu.memory_space<hbm>>) dst(%dma_wait3A_495 : memref<128x128xf32, #tpu.memory_space<vmem>>)
    %mul3A_502 = arith.constant 128 : i32
    %mul3A_503 = arith.muli %add3A, %mul3A_502 : i32
    %run_scoped3A_504 = arith.constant 2 : i32
    %run_scoped3A_505 = arith.constant 2 : i32
    "tpu.region"() ({
      %run_scoped3A_726 = tpu.sem_alloc : memref<!tpu.dma_semaphore, #tpu.memory_space<semaphore_mem>>
      %dma_start3A_727 = arith.constant 0 : i32
      %dma_start3A_728 = arith.constant 0 : i32
      %dma_start3A_729 = tpu.memref_slice %arg9[%run_scoped3A_504, %dma_start3A_727, %dma_start3A_728] : memref<6x128x128xf32, #tpu.memory_space<vmem>> -> memref<1x128x128xf32, #tpu.memory_space<vmem>>
      %dma_start3A_730 = tpu.memref_squeeze %dma_start3A_729 : memref<1x128x128xf32, #tpu.memory_space<vmem>> -> memref<128x128xf32, #tpu.memory_space<vmem>>
      %dma_start3A_731 = arith.constant 0 : i32
      %dma_start3A_732 = tpu.memref_slice %arg7[%run_scoped3A_505, %mul3A_503, %dma_start3A_731] : memref<13x4096x128xf32, #tpu.memory_space<hbm>> -> memref<1x128x128xf32, #tpu.memory_space<hbm>>
      %dma_start3A_733 = tpu.memref_squeeze %dma_start3A_732 : memref<1x128x128xf32, #tpu.memory_space<hbm>> -> memref<128x128xf32, #tpu.memory_space<hbm>>
      %dma_start3A_734 = arith.constant 0 : i32
      %dma_start3A_735 = tpu.memref_slice %arg7[%run_scoped3A_505, %mul3A_503, %dma_start3A_734] : memref<13x4096x128xf32, #tpu.memory_space<hbm>> -> memref<1x128x128xf32, #tpu.memory_space<hbm>>
      %dma_start3A_736 = tpu.memref_squeeze %dma_start3A_735 : memref<1x128x128xf32, #tpu.memory_space<hbm>> -> memref<128x128xf32, #tpu.memory_space<hbm>>
      %dma_start3A_737 = arith.constant 0 : i32
      %dma_start3A_738 = arith.constant 0 : i32
      %dma_start3A_739 = tpu.memref_slice %arg9[%run_scoped3A_504, %dma_start3A_737, %dma_start3A_738] : memref<6x128x128xf32, #tpu.memory_space<vmem>> -> memref<1x128x128xf32, #tpu.memory_space<vmem>>
      %dma_start3A_740 = tpu.memref_squeeze %dma_start3A_739 : memref<1x128x128xf32, #tpu.memory_space<vmem>> -> memref<128x128xf32, #tpu.memory_space<vmem>>
      tpu.enqueue_dma source(%dma_start3A_740 : memref<128x128xf32, #tpu.memory_space<vmem>>) target(%dma_start3A_736 : memref<128x128xf32, #tpu.memory_space<hbm>>) target_semaphore(%run_scoped3A_726 : memref<!tpu.dma_semaphore, #tpu.memory_space<semaphore_mem>>)
      %dma_wait3A_741 = arith.constant 0 : i32
      %dma_wait3A_742 = arith.constant 0 : i32
      %dma_wait3A_743 = tpu.memref_slice %arg9[%run_scoped3A_504, %dma_wait3A_741, %dma_wait3A_742] : memref<6x128x128xf32, #tpu.memory_space<vmem>> -> memref<1x128x128xf32, #tpu.memory_space<vmem>>
      %dma_wait3A_744 = tpu.memref_squeeze %dma_wait3A_743 : memref<1x128x128xf32, #tpu.memory_space<vmem>> -> memref<128x128xf32, #tpu.memory_space<vmem>>
      %dma_wait3A_745 = arith.constant 0 : i32
      %dma_wait3A_746 = tpu.memref_slice %arg7[%run_scoped3A_505, %mul3A_503, %dma_wait3A_745] : memref<13x4096x128xf32, #tpu.memory_space<hbm>> -> memref<1x128x128xf32, #tpu.memory_space<hbm>>
      %dma_wait3A_747 = tpu.memref_squeeze %dma_wait3A_746 : memref<1x128x128xf32, #tpu.memory_space<hbm>> -> memref<128x128xf32, #tpu.memory_space<hbm>>
      %dma_wait3A_748 = arith.constant 0 : i32
      %dma_wait3A_749 = tpu.memref_slice %arg7[%run_scoped3A_505, %mul3A_503, %dma_wait3A_748] : memref<13x4096x128xf32, #tpu.memory_space<hbm>> -> memref<1x128x128xf32, #tpu.memory_space<hbm>>
      %dma_wait3A_750 = tpu.memref_squeeze %dma_wait3A_749 : memref<1x128x128xf32, #tpu.memory_space<hbm>> -> memref<128x128xf32, #tpu.memory_space<hbm>>
      %dma_wait3A_751 = arith.constant 0 : i32
      %dma_wait3A_752 = arith.constant 0 : i32
      %dma_wait3A_753 = tpu.memref_slice %arg9[%run_scoped3A_504, %dma_wait3A_751, %dma_wait3A_752] : memref<6x128x128xf32, #tpu.memory_space<vmem>> -> memref<1x128x128xf32, #tpu.memory_space<vmem>>
      %dma_wait3A_754 = tpu.memref_squeeze %dma_wait3A_753 : memref<1x128x128xf32, #tpu.memory_space<vmem>> -> memref<128x128xf32, #tpu.memory_space<vmem>>
      tpu.wait_dma2 semaphore(%run_scoped3A_726 : memref<!tpu.dma_semaphore, #tpu.memory_space<semaphore_mem>>) src(%dma_wait3A_754 : memref<128x128xf32, #tpu.memory_space<vmem>>) dst(%dma_wait3A_750 : memref<128x128xf32, #tpu.memory_space<hbm>>)
      tpu.yield
    }) : () -> ()
    %dma_start3A_506 = arith.constant 8 : i32
    %dma_start3A_507 = arith.constant 2 : i32
    %dma_start3A_508 = arith.constant 0 : i32
    %dma_start3A_509 = arith.constant 0 : i32
    %dma_start3A_510 = tpu.memref_slice %arg9[%dma_start3A_507, %dma_start3A_508, %dma_start3A_509] : memref<6x128x128xf32, #tpu.memory_space<vmem>> -> memref<1x128x128xf32, #tpu.memory_space<vmem>>
    %dma_start3A_511 = tpu.memref_squeeze %dma_start3A_510 : memref<1x128x128xf32, #tpu.memory_space<vmem>> -> memref<128x128xf32, #tpu.memory_space<vmem>>
    %dma_start3A_512 = arith.constant 0 : i32
    %dma_start3A_513 = tpu.memref_slice %arg8[%dma_start3A_506, %dma_start3A_512] : memref<13x128xi32, #tpu.memory_space<vmem>> -> memref<1x128xi32, #tpu.memory_space<vmem>>
    %dma_start3A_514 = tpu.memref_squeeze %dma_start3A_513 : memref<1x128xi32, #tpu.memory_space<vmem>> -> memref<128xi32, #tpu.memory_space<vmem>>
    %dma_start3A_515 = arith.constant 0 : i32
    %dma_start3A_516 = arith.constant 0 : i32
    %dma_start3A_517 = tpu.memref_slice %arg3[%dma_start3A_515, %dma_start3A_516] : memref<1300000x128xf32, #tpu.memory_space<hbm>> -> memref<1300000x128xf32, #tpu.memory_space<hbm>>
    tpu.enqueue_indirect_dma source(%dma_start3A_517 : memref<1300000x128xf32, #tpu.memory_space<hbm>>) target(%dma_start3A_511 : memref<128x128xf32, #tpu.memory_space<vmem>>) offsets(%dma_start3A_514 : memref<128xi32, #tpu.memory_space<vmem>>) semaphore(%arg10 : memref<!tpu.dma_semaphore, #tpu.memory_space<semaphore_mem>>)
    %dma_wait3A_518 = arith.constant 3 : i32
    %dma_wait3A_519 = arith.constant 3 : i32
    %dma_wait3A_520 = arith.constant 0 : i32
    %dma_wait3A_521 = arith.constant 0 : i32
    %dma_wait3A_522 = tpu.memref_slice %arg9[%dma_wait3A_519, %dma_wait3A_520, %dma_wait3A_521] : memref<6x128x128xf32, #tpu.memory_space<vmem>> -> memref<1x128x128xf32, #tpu.memory_space<vmem>>
    %dma_wait3A_523 = tpu.memref_squeeze %dma_wait3A_522 : memref<1x128x128xf32, #tpu.memory_space<vmem>> -> memref<128x128xf32, #tpu.memory_space<vmem>>
    %dma_wait3A_524 = arith.constant 0 : i32
    %dma_wait3A_525 = tpu.memref_slice %arg8[%dma_wait3A_518, %dma_wait3A_524] : memref<13x128xi32, #tpu.memory_space<vmem>> -> memref<1x128xi32, #tpu.memory_space<vmem>>
    %dma_wait3A_526 = tpu.memref_squeeze %dma_wait3A_525 : memref<1x128xi32, #tpu.memory_space<vmem>> -> memref<128xi32, #tpu.memory_space<vmem>>
    %dma_wait3A_527 = arith.constant 0 : i32
    %dma_wait3A_528 = arith.constant 0 : i32
    %dma_wait3A_529 = tpu.memref_slice %arg3[%dma_wait3A_527, %dma_wait3A_528] : memref<1300000x128xf32, #tpu.memory_space<hbm>> -> memref<1300000x128xf32, #tpu.memory_space<hbm>>
    tpu.wait_indirect_dma semaphore(%arg10 : memref<!tpu.dma_semaphore, #tpu.memory_space<semaphore_mem>>) src(%dma_wait3A_529 : memref<1300000x128xf32, #tpu.memory_space<hbm>>) dst(%dma_wait3A_523 : memref<128x128xf32, #tpu.memory_space<vmem>>)
    %mul3A_530 = arith.constant 128 : i32
    %mul3A_531 = arith.muli %add3A, %mul3A_530 : i32
    %run_scoped3A_532 = arith.constant 3 : i32
    %run_scoped3A_533 = arith.constant 3 : i32
    "tpu.region"() ({
      %run_scoped3A_726 = tpu.sem_alloc : memref<!tpu.dma_semaphore, #tpu.memory_space<semaphore_mem>>
      %dma_start3A_727 = arith.constant 0 : i32
      %dma_start3A_728 = arith.constant 0 : i32
      %dma_start3A_729 = tpu.memref_slice %arg9[%run_scoped3A_532, %dma_start3A_727, %dma_start3A_728] : memref<6x128x128xf32, #tpu.memory_space<vmem>> -> memref<1x128x128xf32, #tpu.memory_space<vmem>>
      %dma_start3A_730 = tpu.memref_squeeze %dma_start3A_729 : memref<1x128x128xf32, #tpu.memory_space<vmem>> -> memref<128x128xf32, #tpu.memory_space<vmem>>
      %dma_start3A_731 = arith.constant 0 : i32
      %dma_start3A_732 = tpu.memref_slice %arg7[%run_scoped3A_533, %mul3A_531, %dma_start3A_731] : memref<13x4096x128xf32, #tpu.memory_space<hbm>> -> memref<1x128x128xf32, #tpu.memory_space<hbm>>
      %dma_start3A_733 = tpu.memref_squeeze %dma_start3A_732 : memref<1x128x128xf32, #tpu.memory_space<hbm>> -> memref<128x128xf32, #tpu.memory_space<hbm>>
      %dma_start3A_734 = arith.constant 0 : i32
      %dma_start3A_735 = tpu.memref_slice %arg7[%run_scoped3A_533, %mul3A_531, %dma_start3A_734] : memref<13x4096x128xf32, #tpu.memory_space<hbm>> -> memref<1x128x128xf32, #tpu.memory_space<hbm>>
      %dma_start3A_736 = tpu.memref_squeeze %dma_start3A_735 : memref<1x128x128xf32, #tpu.memory_space<hbm>> -> memref<128x128xf32, #tpu.memory_space<hbm>>
      %dma_start3A_737 = arith.constant 0 : i32
      %dma_start3A_738 = arith.constant 0 : i32
      %dma_start3A_739 = tpu.memref_slice %arg9[%run_scoped3A_532, %dma_start3A_737, %dma_start3A_738] : memref<6x128x128xf32, #tpu.memory_space<vmem>> -> memref<1x128x128xf32, #tpu.memory_space<vmem>>
      %dma_start3A_740 = tpu.memref_squeeze %dma_start3A_739 : memref<1x128x128xf32, #tpu.memory_space<vmem>> -> memref<128x128xf32, #tpu.memory_space<vmem>>
      tpu.enqueue_dma source(%dma_start3A_740 : memref<128x128xf32, #tpu.memory_space<vmem>>) target(%dma_start3A_736 : memref<128x128xf32, #tpu.memory_space<hbm>>) target_semaphore(%run_scoped3A_726 : memref<!tpu.dma_semaphore, #tpu.memory_space<semaphore_mem>>)
      %dma_wait3A_741 = arith.constant 0 : i32
      %dma_wait3A_742 = arith.constant 0 : i32
      %dma_wait3A_743 = tpu.memref_slice %arg9[%run_scoped3A_532, %dma_wait3A_741, %dma_wait3A_742] : memref<6x128x128xf32, #tpu.memory_space<vmem>> -> memref<1x128x128xf32, #tpu.memory_space<vmem>>
      %dma_wait3A_744 = tpu.memref_squeeze %dma_wait3A_743 : memref<1x128x128xf32, #tpu.memory_space<vmem>> -> memref<128x128xf32, #tpu.memory_space<vmem>>
      %dma_wait3A_745 = arith.constant 0 : i32
      %dma_wait3A_746 = tpu.memref_slice %arg7[%run_scoped3A_533, %mul3A_531, %dma_wait3A_745] : memref<13x4096x128xf32, #tpu.memory_space<hbm>> -> memref<1x128x128xf32, #tpu.memory_space<hbm>>
      %dma_wait3A_747 = tpu.memref_squeeze %dma_wait3A_746 : memref<1x128x128xf32, #tpu.memory_space<hbm>> -> memref<128x128xf32, #tpu.memory_space<hbm>>
      %dma_wait3A_748 = arith.constant 0 : i32
      %dma_wait3A_749 = tpu.memref_slice %arg7[%run_scoped3A_533, %mul3A_531, %dma_wait3A_748] : memref<13x4096x128xf32, #tpu.memory_space<hbm>> -> memref<1x128x128xf32, #tpu.memory_space<hbm>>
      %dma_wait3A_750 = tpu.memref_squeeze %dma_wait3A_749 : memref<1x128x128xf32, #tpu.memory_space<hbm>> -> memref<128x128xf32, #tpu.memory_space<hbm>>
      %dma_wait3A_751 = arith.constant 0 : i32
      %dma_wait3A_752 = arith.constant 0 : i32
      %dma_wait3A_753 = tpu.memref_slice %arg9[%run_scoped3A_532, %dma_wait3A_751, %dma_wait3A_752] : memref<6x128x128xf32, #tpu.memory_space<vmem>> -> memref<1x128x128xf32, #tpu.memory_space<vmem>>
      %dma_wait3A_754 = tpu.memref_squeeze %dma_wait3A_753 : memref<1x128x128xf32, #tpu.memory_space<vmem>> -> memref<128x128xf32, #tpu.memory_space<vmem>>
      tpu.wait_dma2 semaphore(%run_scoped3A_726 : memref<!tpu.dma_semaphore, #tpu.memory_space<semaphore_mem>>) src(%dma_wait3A_754 : memref<128x128xf32, #tpu.memory_space<vmem>>) dst(%dma_wait3A_750 : memref<128x128xf32, #tpu.memory_space<hbm>>)
      tpu.yield
    }) : () -> ()
    %dma_start3A_534 = arith.constant 9 : i32
    %dma_start3A_535 = arith.constant 3 : i32
    %dma_start3A_536 = arith.constant 0 : i32
    %dma_start3A_537 = arith.constant 0 : i32
    %dma_start3A_538 = tpu.memref_slice %arg9[%dma_start3A_535, %dma_start3A_536, %dma_start3A_537] : memref<6x128x128xf32, #tpu.memory_space<vmem>> -> memref<1x128x128xf32, #tpu.memory_space<vmem>>
    %dma_start3A_539 = tpu.memref_squeeze %dma_start3A_538 : memref<1x128x128xf32, #tpu.memory_space<vmem>> -> memref<128x128xf32, #tpu.memory_space<vmem>>
    %dma_start3A_540 = arith.constant 0 : i32
    %dma_start3A_541 = tpu.memref_slice %arg8[%dma_start3A_534, %dma_start3A_540] : memref<13x128xi32, #tpu.memory_space<vmem>> -> memref<1x128xi32, #tpu.memory_space<vmem>>
    %dma_start3A_542 = tpu.memref_squeeze %dma_start3A_541 : memref<1x128xi32, #tpu.memory_space<vmem>> -> memref<128xi32, #tpu.memory_space<vmem>>
    %dma_start3A_543 = arith.constant 0 : i32
    %dma_start3A_544 = arith.constant 0 : i32
    %dma_start3A_545 = tpu.memref_slice %arg3[%dma_start3A_543, %dma_start3A_544] : memref<1300000x128xf32, #tpu.memory_space<hbm>> -> memref<1300000x128xf32, #tpu.memory_space<hbm>>
    tpu.enqueue_indirect_dma source(%dma_start3A_545 : memref<1300000x128xf32, #tpu.memory_space<hbm>>) target(%dma_start3A_539 : memref<128x128xf32, #tpu.memory_space<vmem>>) offsets(%dma_start3A_542 : memref<128xi32, #tpu.memory_space<vmem>>) semaphore(%arg10 : memref<!tpu.dma_semaphore, #tpu.memory_space<semaphore_mem>>)
    %dma_wait3A_546 = arith.constant 4 : i32
    %dma_wait3A_547 = arith.constant 4 : i32
    %dma_wait3A_548 = arith.constant 0 : i32
    %dma_wait3A_549 = arith.constant 0 : i32
    %dma_wait3A_550 = tpu.memref_slice %arg9[%dma_wait3A_547, %dma_wait3A_548, %dma_wait3A_549] : memref<6x128x128xf32, #tpu.memory_space<vmem>> -> memref<1x128x128xf32, #tpu.memory_space<vmem>>
    %dma_wait3A_551 = tpu.memref_squeeze %dma_wait3A_550 : memref<1x128x128xf32, #tpu.memory_space<vmem>> -> memref<128x128xf32, #tpu.memory_space<vmem>>
    %dma_wait3A_552 = arith.constant 0 : i32
    %dma_wait3A_553 = tpu.memref_slice %arg8[%dma_wait3A_546, %dma_wait3A_552] : memref<13x128xi32, #tpu.memory_space<vmem>> -> memref<1x128xi32, #tpu.memory_space<vmem>>
    %dma_wait3A_554 = tpu.memref_squeeze %dma_wait3A_553 : memref<1x128xi32, #tpu.memory_space<vmem>> -> memref<128xi32, #tpu.memory_space<vmem>>
    %dma_wait3A_555 = arith.constant 0 : i32
    %dma_wait3A_556 = arith.constant 0 : i32
    %dma_wait3A_557 = tpu.memref_slice %arg3[%dma_wait3A_555, %dma_wait3A_556] : memref<1300000x128xf32, #tpu.memory_space<hbm>> -> memref<1300000x128xf32, #tpu.memory_space<hbm>>
    tpu.wait_indirect_dma semaphore(%arg10 : memref<!tpu.dma_semaphore, #tpu.memory_space<semaphore_mem>>) src(%dma_wait3A_557 : memref<1300000x128xf32, #tpu.memory_space<hbm>>) dst(%dma_wait3A_551 : memref<128x128xf32, #tpu.memory_space<vmem>>)
    %mul3A_558 = arith.constant 128 : i32
    %mul3A_559 = arith.muli %add3A, %mul3A_558 : i32
    %run_scoped3A_560 = arith.constant 4 : i32
    %run_scoped3A_561 = arith.constant 4 : i32
    "tpu.region"() ({
      %run_scoped3A_726 = tpu.sem_alloc : memref<!tpu.dma_semaphore, #tpu.memory_space<semaphore_mem>>
      %dma_start3A_727 = arith.constant 0 : i32
      %dma_start3A_728 = arith.constant 0 : i32
      %dma_start3A_729 = tpu.memref_slice %arg9[%run_scoped3A_560, %dma_start3A_727, %dma_start3A_728] : memref<6x128x128xf32, #tpu.memory_space<vmem>> -> memref<1x128x128xf32, #tpu.memory_space<vmem>>
      %dma_start3A_730 = tpu.memref_squeeze %dma_start3A_729 : memref<1x128x128xf32, #tpu.memory_space<vmem>> -> memref<128x128xf32, #tpu.memory_space<vmem>>
      %dma_start3A_731 = arith.constant 0 : i32
      %dma_start3A_732 = tpu.memref_slice %arg7[%run_scoped3A_561, %mul3A_559, %dma_start3A_731] : memref<13x4096x128xf32, #tpu.memory_space<hbm>> -> memref<1x128x128xf32, #tpu.memory_space<hbm>>
      %dma_start3A_733 = tpu.memref_squeeze %dma_start3A_732 : memref<1x128x128xf32, #tpu.memory_space<hbm>> -> memref<128x128xf32, #tpu.memory_space<hbm>>
      %dma_start3A_734 = arith.constant 0 : i32
      %dma_start3A_735 = tpu.memref_slice %arg7[%run_scoped3A_561, %mul3A_559, %dma_start3A_734] : memref<13x4096x128xf32, #tpu.memory_space<hbm>> -> memref<1x128x128xf32, #tpu.memory_space<hbm>>
      %dma_start3A_736 = tpu.memref_squeeze %dma_start3A_735 : memref<1x128x128xf32, #tpu.memory_space<hbm>> -> memref<128x128xf32, #tpu.memory_space<hbm>>
      %dma_start3A_737 = arith.constant 0 : i32
      %dma_start3A_738 = arith.constant 0 : i32
      %dma_start3A_739 = tpu.memref_slice %arg9[%run_scoped3A_560, %dma_start3A_737, %dma_start3A_738] : memref<6x128x128xf32, #tpu.memory_space<vmem>> -> memref<1x128x128xf32, #tpu.memory_space<vmem>>
      %dma_start3A_740 = tpu.memref_squeeze %dma_start3A_739 : memref<1x128x128xf32, #tpu.memory_space<vmem>> -> memref<128x128xf32, #tpu.memory_space<vmem>>
      tpu.enqueue_dma source(%dma_start3A_740 : memref<128x128xf32, #tpu.memory_space<vmem>>) target(%dma_start3A_736 : memref<128x128xf32, #tpu.memory_space<hbm>>) target_semaphore(%run_scoped3A_726 : memref<!tpu.dma_semaphore, #tpu.memory_space<semaphore_mem>>)
      %dma_wait3A_741 = arith.constant 0 : i32
      %dma_wait3A_742 = arith.constant 0 : i32
      %dma_wait3A_743 = tpu.memref_slice %arg9[%run_scoped3A_560, %dma_wait3A_741, %dma_wait3A_742] : memref<6x128x128xf32, #tpu.memory_space<vmem>> -> memref<1x128x128xf32, #tpu.memory_space<vmem>>
      %dma_wait3A_744 = tpu.memref_squeeze %dma_wait3A_743 : memref<1x128x128xf32, #tpu.memory_space<vmem>> -> memref<128x128xf32, #tpu.memory_space<vmem>>
      %dma_wait3A_745 = arith.constant 0 : i32
      %dma_wait3A_746 = tpu.memref_slice %arg7[%run_scoped3A_561, %mul3A_559, %dma_wait3A_745] : memref<13x4096x128xf32, #tpu.memory_space<hbm>> -> memref<1x128x128xf32, #tpu.memory_space<hbm>>
      %dma_wait3A_747 = tpu.memref_squeeze %dma_wait3A_746 : memref<1x128x128xf32, #tpu.memory_space<hbm>> -> memref<128x128xf32, #tpu.memory_space<hbm>>
      %dma_wait3A_748 = arith.constant 0 : i32
      %dma_wait3A_749 = tpu.memref_slice %arg7[%run_scoped3A_561, %mul3A_559, %dma_wait3A_748] : memref<13x4096x128xf32, #tpu.memory_space<hbm>> -> memref<1x128x128xf32, #tpu.memory_space<hbm>>
      %dma_wait3A_750 = tpu.memref_squeeze %dma_wait3A_749 : memref<1x128x128xf32, #tpu.memory_space<hbm>> -> memref<128x128xf32, #tpu.memory_space<hbm>>
      %dma_wait3A_751 = arith.constant 0 : i32
      %dma_wait3A_752 = arith.constant 0 : i32
      %dma_wait3A_753 = tpu.memref_slice %arg9[%run_scoped3A_560, %dma_wait3A_751, %dma_wait3A_752] : memref<6x128x128xf32, #tpu.memory_space<vmem>> -> memref<1x128x128xf32, #tpu.memory_space<vmem>>
      %dma_wait3A_754 = tpu.memref_squeeze %dma_wait3A_753 : memref<1x128x128xf32, #tpu.memory_space<vmem>> -> memref<128x128xf32, #tpu.memory_space<vmem>>
      tpu.wait_dma2 semaphore(%run_scoped3A_726 : memref<!tpu.dma_semaphore, #tpu.memory_space<semaphore_mem>>) src(%dma_wait3A_754 : memref<128x128xf32, #tpu.memory_space<vmem>>) dst(%dma_wait3A_750 : memref<128x128xf32, #tpu.memory_space<hbm>>)
      tpu.yield
    }) : () -> ()
    %dma_start3A_562 = arith.constant 10 : i32
    %dma_start3A_563 = arith.constant 4 : i32
    %dma_start3A_564 = arith.constant 0 : i32
    %dma_start3A_565 = arith.constant 0 : i32
    %dma_start3A_566 = tpu.memref_slice %arg9[%dma_start3A_563, %dma_start3A_564, %dma_start3A_565] : memref<6x128x128xf32, #tpu.memory_space<vmem>> -> memref<1x128x128xf32, #tpu.memory_space<vmem>>
    %dma_start3A_567 = tpu.memref_squeeze %dma_start3A_566 : memref<1x128x128xf32, #tpu.memory_space<vmem>> -> memref<128x128xf32, #tpu.memory_space<vmem>>
    %dma_start3A_568 = arith.constant 0 : i32
    %dma_start3A_569 = tpu.memref_slice %arg8[%dma_start3A_562, %dma_start3A_568] : memref<13x128xi32, #tpu.memory_space<vmem>> -> memref<1x128xi32, #tpu.memory_space<vmem>>
    %dma_start3A_570 = tpu.memref_squeeze %dma_start3A_569 : memref<1x128xi32, #tpu.memory_space<vmem>> -> memref<128xi32, #tpu.memory_space<vmem>>
    %dma_start3A_571 = arith.constant 0 : i32
    %dma_start3A_572 = arith.constant 0 : i32
    %dma_start3A_573 = tpu.memref_slice %arg3[%dma_start3A_571, %dma_start3A_572] : memref<1300000x128xf32, #tpu.memory_space<hbm>> -> memref<1300000x128xf32, #tpu.memory_space<hbm>>
    tpu.enqueue_indirect_dma source(%dma_start3A_573 : memref<1300000x128xf32, #tpu.memory_space<hbm>>) target(%dma_start3A_567 : memref<128x128xf32, #tpu.memory_space<vmem>>) offsets(%dma_start3A_570 : memref<128xi32, #tpu.memory_space<vmem>>) semaphore(%arg10 : memref<!tpu.dma_semaphore, #tpu.memory_space<semaphore_mem>>)
    %dma_wait3A_574 = arith.constant 5 : i32
    %dma_wait3A_575 = arith.constant 5 : i32
    %dma_wait3A_576 = arith.constant 0 : i32
    %dma_wait3A_577 = arith.constant 0 : i32
    %dma_wait3A_578 = tpu.memref_slice %arg9[%dma_wait3A_575, %dma_wait3A_576, %dma_wait3A_577] : memref<6x128x128xf32, #tpu.memory_space<vmem>> -> memref<1x128x128xf32, #tpu.memory_space<vmem>>
    %dma_wait3A_579 = tpu.memref_squeeze %dma_wait3A_578 : memref<1x128x128xf32, #tpu.memory_space<vmem>> -> memref<128x128xf32, #tpu.memory_space<vmem>>
    %dma_wait3A_580 = arith.constant 0 : i32
    %dma_wait3A_581 = tpu.memref_slice %arg8[%dma_wait3A_574, %dma_wait3A_580] : memref<13x128xi32, #tpu.memory_space<vmem>> -> memref<1x128xi32, #tpu.memory_space<vmem>>
    %dma_wait3A_582 = tpu.memref_squeeze %dma_wait3A_581 : memref<1x128xi32, #tpu.memory_space<vmem>> -> memref<128xi32, #tpu.memory_space<vmem>>
    %dma_wait3A_583 = arith.constant 0 : i32
    %dma_wait3A_584 = arith.constant 0 : i32
    %dma_wait3A_585 = tpu.memref_slice %arg3[%dma_wait3A_583, %dma_wait3A_584] : memref<1300000x128xf32, #tpu.memory_space<hbm>> -> memref<1300000x128xf32, #tpu.memory_space<hbm>>
    tpu.wait_indirect_dma semaphore(%arg10 : memref<!tpu.dma_semaphore, #tpu.memory_space<semaphore_mem>>) src(%dma_wait3A_585 : memref<1300000x128xf32, #tpu.memory_space<hbm>>) dst(%dma_wait3A_579 : memref<128x128xf32, #tpu.memory_space<vmem>>)
    %mul3A_586 = arith.constant 128 : i32
    %mul3A_587 = arith.muli %add3A, %mul3A_586 : i32
    %run_scoped3A_588 = arith.constant 5 : i32
    %run_scoped3A_589 = arith.constant 5 : i32
    "tpu.region"() ({
      %run_scoped3A_726 = tpu.sem_alloc : memref<!tpu.dma_semaphore, #tpu.memory_space<semaphore_mem>>
      %dma_start3A_727 = arith.constant 0 : i32
      %dma_start3A_728 = arith.constant 0 : i32
      %dma_start3A_729 = tpu.memref_slice %arg9[%run_scoped3A_588, %dma_start3A_727, %dma_start3A_728] : memref<6x128x128xf32, #tpu.memory_space<vmem>> -> memref<1x128x128xf32, #tpu.memory_space<vmem>>
      %dma_start3A_730 = tpu.memref_squeeze %dma_start3A_729 : memref<1x128x128xf32, #tpu.memory_space<vmem>> -> memref<128x128xf32, #tpu.memory_space<vmem>>
      %dma_start3A_731 = arith.constant 0 : i32
      %dma_start3A_732 = tpu.memref_slice %arg7[%run_scoped3A_589, %mul3A_587, %dma_start3A_731] : memref<13x4096x128xf32, #tpu.memory_space<hbm>> -> memref<1x128x128xf32, #tpu.memory_space<hbm>>
      %dma_start3A_733 = tpu.memref_squeeze %dma_start3A_732 : memref<1x128x128xf32, #tpu.memory_space<hbm>> -> memref<128x128xf32, #tpu.memory_space<hbm>>
      %dma_start3A_734 = arith.constant 0 : i32
      %dma_start3A_735 = tpu.memref_slice %arg7[%run_scoped3A_589, %mul3A_587, %dma_start3A_734] : memref<13x4096x128xf32, #tpu.memory_space<hbm>> -> memref<1x128x128xf32, #tpu.memory_space<hbm>>
      %dma_start3A_736 = tpu.memref_squeeze %dma_start3A_735 : memref<1x128x128xf32, #tpu.memory_space<hbm>> -> memref<128x128xf32, #tpu.memory_space<hbm>>
      %dma_start3A_737 = arith.constant 0 : i32
      %dma_start3A_738 = arith.constant 0 : i32
      %dma_start3A_739 = tpu.memref_slice %arg9[%run_scoped3A_588, %dma_start3A_737, %dma_start3A_738] : memref<6x128x128xf32, #tpu.memory_space<vmem>> -> memref<1x128x128xf32, #tpu.memory_space<vmem>>
      %dma_start3A_740 = tpu.memref_squeeze %dma_start3A_739 : memref<1x128x128xf32, #tpu.memory_space<vmem>> -> memref<128x128xf32, #tpu.memory_space<vmem>>
      tpu.enqueue_dma source(%dma_start3A_740 : memref<128x128xf32, #tpu.memory_space<vmem>>) target(%dma_start3A_736 : memref<128x128xf32, #tpu.memory_space<hbm>>) target_semaphore(%run_scoped3A_726 : memref<!tpu.dma_semaphore, #tpu.memory_space<semaphore_mem>>)
      %dma_wait3A_741 = arith.constant 0 : i32
      %dma_wait3A_742 = arith.constant 0 : i32
      %dma_wait3A_743 = tpu.memref_slice %arg9[%run_scoped3A_588, %dma_wait3A_741, %dma_wait3A_742] : memref<6x128x128xf32, #tpu.memory_space<vmem>> -> memref<1x128x128xf32, #tpu.memory_space<vmem>>
      %dma_wait3A_744 = tpu.memref_squeeze %dma_wait3A_743 : memref<1x128x128xf32, #tpu.memory_space<vmem>> -> memref<128x128xf32, #tpu.memory_space<vmem>>
      %dma_wait3A_745 = arith.constant 0 : i32
      %dma_wait3A_746 = tpu.memref_slice %arg7[%run_scoped3A_589, %mul3A_587, %dma_wait3A_745] : memref<13x4096x128xf32, #tpu.memory_space<hbm>> -> memref<1x128x128xf32, #tpu.memory_space<hbm>>
      %dma_wait3A_747 = tpu.memref_squeeze %dma_wait3A_746 : memref<1x128x128xf32, #tpu.memory_space<hbm>> -> memref<128x128xf32, #tpu.memory_space<hbm>>
      %dma_wait3A_748 = arith.constant 0 : i32
      %dma_wait3A_749 = tpu.memref_slice %arg7[%run_scoped3A_589, %mul3A_587, %dma_wait3A_748] : memref<13x4096x128xf32, #tpu.memory_space<hbm>> -> memref<1x128x128xf32, #tpu.memory_space<hbm>>
      %dma_wait3A_750 = tpu.memref_squeeze %dma_wait3A_749 : memref<1x128x128xf32, #tpu.memory_space<hbm>> -> memref<128x128xf32, #tpu.memory_space<hbm>>
      %dma_wait3A_751 = arith.constant 0 : i32
      %dma_wait3A_752 = arith.constant 0 : i32
      %dma_wait3A_753 = tpu.memref_slice %arg9[%run_scoped3A_588, %dma_wait3A_751, %dma_wait3A_752] : memref<6x128x128xf32, #tpu.memory_space<vmem>> -> memref<1x128x128xf32, #tpu.memory_space<vmem>>
      %dma_wait3A_754 = tpu.memref_squeeze %dma_wait3A_753 : memref<1x128x128xf32, #tpu.memory_space<vmem>> -> memref<128x128xf32, #tpu.memory_space<vmem>>
      tpu.wait_dma2 semaphore(%run_scoped3A_726 : memref<!tpu.dma_semaphore, #tpu.memory_space<semaphore_mem>>) src(%dma_wait3A_754 : memref<128x128xf32, #tpu.memory_space<vmem>>) dst(%dma_wait3A_750 : memref<128x128xf32, #tpu.memory_space<hbm>>)
      tpu.yield
    }) : () -> ()
    %dma_start3A_590 = arith.constant 11 : i32
    %dma_start3A_591 = arith.constant 5 : i32
    %dma_start3A_592 = arith.constant 0 : i32
    %dma_start3A_593 = arith.constant 0 : i32
    %dma_start3A_594 = tpu.memref_slice %arg9[%dma_start3A_591, %dma_start3A_592, %dma_start3A_593] : memref<6x128x128xf32, #tpu.memory_space<vmem>> -> memref<1x128x128xf32, #tpu.memory_space<vmem>>
    %dma_start3A_595 = tpu.memref_squeeze %dma_start3A_594 : memref<1x128x128xf32, #tpu.memory_space<vmem>> -> memref<128x128xf32, #tpu.memory_space<vmem>>
    %dma_start3A_596 = arith.constant 0 : i32
    %dma_start3A_597 = tpu.memref_slice %arg8[%dma_start3A_590, %dma_start3A_596] : memref<13x128xi32, #tpu.memory_space<vmem>> -> memref<1x128xi32, #tpu.memory_space<vmem>>
    %dma_start3A_598 = tpu.memref_squeeze %dma_start3A_597 : memref<1x128xi32, #tpu.memory_space<vmem>> -> memref<128xi32, #tpu.memory_space<vmem>>
    %dma_start3A_599 = arith.constant 0 : i32
    %dma_start3A_600 = arith.constant 0 : i32
    %dma_start3A_601 = tpu.memref_slice %arg3[%dma_start3A_599, %dma_start3A_600] : memref<1300000x128xf32, #tpu.memory_space<hbm>> -> memref<1300000x128xf32, #tpu.memory_space<hbm>>
    tpu.enqueue_indirect_dma source(%dma_start3A_601 : memref<1300000x128xf32, #tpu.memory_space<hbm>>) target(%dma_start3A_595 : memref<128x128xf32, #tpu.memory_space<vmem>>) offsets(%dma_start3A_598 : memref<128xi32, #tpu.memory_space<vmem>>) semaphore(%arg10 : memref<!tpu.dma_semaphore, #tpu.memory_space<semaphore_mem>>)
    %dma_wait3A_602 = arith.constant 6 : i32
    %dma_wait3A_603 = arith.constant 0 : i32
    %dma_wait3A_604 = arith.constant 0 : i32
    %dma_wait3A_605 = arith.constant 0 : i32
    %dma_wait3A_606 = tpu.memref_slice %arg9[%dma_wait3A_603, %dma_wait3A_604, %dma_wait3A_605] : memref<6x128x128xf32, #tpu.memory_space<vmem>> -> memref<1x128x128xf32, #tpu.memory_space<vmem>>
    %dma_wait3A_607 = tpu.memref_squeeze %dma_wait3A_606 : memref<1x128x128xf32, #tpu.memory_space<vmem>> -> memref<128x128xf32, #tpu.memory_space<vmem>>
    %dma_wait3A_608 = arith.constant 0 : i32
    %dma_wait3A_609 = tpu.memref_slice %arg8[%dma_wait3A_602, %dma_wait3A_608] : memref<13x128xi32, #tpu.memory_space<vmem>> -> memref<1x128xi32, #tpu.memory_space<vmem>>
    %dma_wait3A_610 = tpu.memref_squeeze %dma_wait3A_609 : memref<1x128xi32, #tpu.memory_space<vmem>> -> memref<128xi32, #tpu.memory_space<vmem>>
    %dma_wait3A_611 = arith.constant 0 : i32
    %dma_wait3A_612 = arith.constant 0 : i32
    %dma_wait3A_613 = tpu.memref_slice %arg3[%dma_wait3A_611, %dma_wait3A_612] : memref<1300000x128xf32, #tpu.memory_space<hbm>> -> memref<1300000x128xf32, #tpu.memory_space<hbm>>
    tpu.wait_indirect_dma semaphore(%arg10 : memref<!tpu.dma_semaphore, #tpu.memory_space<semaphore_mem>>) src(%dma_wait3A_613 : memref<1300000x128xf32, #tpu.memory_space<hbm>>) dst(%dma_wait3A_607 : memref<128x128xf32, #tpu.memory_space<vmem>>)
    %mul3A_614 = arith.constant 128 : i32
    %mul3A_615 = arith.muli %add3A, %mul3A_614 : i32
    %run_scoped3A_616 = arith.constant 0 : i32
    %run_scoped3A_617 = arith.constant 6 : i32
    "tpu.region"() ({
      %run_scoped3A_726 = tpu.sem_alloc : memref<!tpu.dma_semaphore, #tpu.memory_space<semaphore_mem>>
      %dma_start3A_727 = arith.constant 0 : i32
      %dma_start3A_728 = arith.constant 0 : i32
      %dma_start3A_729 = tpu.memref_slice %arg9[%run_scoped3A_616, %dma_start3A_727, %dma_start3A_728] : memref<6x128x128xf32, #tpu.memory_space<vmem>> -> memref<1x128x128xf32, #tpu.memory_space<vmem>>
      %dma_start3A_730 = tpu.memref_squeeze %dma_start3A_729 : memref<1x128x128xf32, #tpu.memory_space<vmem>> -> memref<128x128xf32, #tpu.memory_space<vmem>>
      %dma_start3A_731 = arith.constant 0 : i32
      %dma_start3A_732 = tpu.memref_slice %arg7[%run_scoped3A_617, %mul3A_615, %dma_start3A_731] : memref<13x4096x128xf32, #tpu.memory_space<hbm>> -> memref<1x128x128xf32, #tpu.memory_space<hbm>>
      %dma_start3A_733 = tpu.memref_squeeze %dma_start3A_732 : memref<1x128x128xf32, #tpu.memory_space<hbm>> -> memref<128x128xf32, #tpu.memory_space<hbm>>
      %dma_start3A_734 = arith.constant 0 : i32
      %dma_start3A_735 = tpu.memref_slice %arg7[%run_scoped3A_617, %mul3A_615, %dma_start3A_734] : memref<13x4096x128xf32, #tpu.memory_space<hbm>> -> memref<1x128x128xf32, #tpu.memory_space<hbm>>
      %dma_start3A_736 = tpu.memref_squeeze %dma_start3A_735 : memref<1x128x128xf32, #tpu.memory_space<hbm>> -> memref<128x128xf32, #tpu.memory_space<hbm>>
      %dma_start3A_737 = arith.constant 0 : i32
      %dma_start3A_738 = arith.constant 0 : i32
      %dma_start3A_739 = tpu.memref_slice %arg9[%run_scoped3A_616, %dma_start3A_737, %dma_start3A_738] : memref<6x128x128xf32, #tpu.memory_space<vmem>> -> memref<1x128x128xf32, #tpu.memory_space<vmem>>
      %dma_start3A_740 = tpu.memref_squeeze %dma_start3A_739 : memref<1x128x128xf32, #tpu.memory_space<vmem>> -> memref<128x128xf32, #tpu.memory_space<vmem>>
      tpu.enqueue_dma source(%dma_start3A_740 : memref<128x128xf32, #tpu.memory_space<vmem>>) target(%dma_start3A_736 : memref<128x128xf32, #tpu.memory_space<hbm>>) target_semaphore(%run_scoped3A_726 : memref<!tpu.dma_semaphore, #tpu.memory_space<semaphore_mem>>)
      %dma_wait3A_741 = arith.constant 0 : i32
      %dma_wait3A_742 = arith.constant 0 : i32
      %dma_wait3A_743 = tpu.memref_slice %arg9[%run_scoped3A_616, %dma_wait3A_741, %dma_wait3A_742] : memref<6x128x128xf32, #tpu.memory_space<vmem>> -> memref<1x128x128xf32, #tpu.memory_space<vmem>>
      %dma_wait3A_744 = tpu.memref_squeeze %dma_wait3A_743 : memref<1x128x128xf32, #tpu.memory_space<vmem>> -> memref<128x128xf32, #tpu.memory_space<vmem>>
      %dma_wait3A_745 = arith.constant 0 : i32
      %dma_wait3A_746 = tpu.memref_slice %arg7[%run_scoped3A_617, %mul3A_615, %dma_wait3A_745] : memref<13x4096x128xf32, #tpu.memory_space<hbm>> -> memref<1x128x128xf32, #tpu.memory_space<hbm>>
      %dma_wait3A_747 = tpu.memref_squeeze %dma_wait3A_746 : memref<1x128x128xf32, #tpu.memory_space<hbm>> -> memref<128x128xf32, #tpu.memory_space<hbm>>
      %dma_wait3A_748 = arith.constant 0 : i32
      %dma_wait3A_749 = tpu.memref_slice %arg7[%run_scoped3A_617, %mul3A_615, %dma_wait3A_748] : memref<13x4096x128xf32, #tpu.memory_space<hbm>> -> memref<1x128x128xf32, #tpu.memory_space<hbm>>
      %dma_wait3A_750 = tpu.memref_squeeze %dma_wait3A_749 : memref<1x128x128xf32, #tpu.memory_space<hbm>> -> memref<128x128xf32, #tpu.memory_space<hbm>>
      %dma_wait3A_751 = arith.constant 0 : i32
      %dma_wait3A_752 = arith.constant 0 : i32
      %dma_wait3A_753 = tpu.memref_slice %arg9[%run_scoped3A_616, %dma_wait3A_751, %dma_wait3A_752] : memref<6x128x128xf32, #tpu.memory_space<vmem>> -> memref<1x128x128xf32, #tpu.memory_space<vmem>>
      %dma_wait3A_754 = tpu.memref_squeeze %dma_wait3A_753 : memref<1x128x128xf32, #tpu.memory_space<vmem>> -> memref<128x128xf32, #tpu.memory_space<vmem>>
      tpu.wait_dma2 semaphore(%run_scoped3A_726 : memref<!tpu.dma_semaphore, #tpu.memory_space<semaphore_mem>>) src(%dma_wait3A_754 : memref<128x128xf32, #tpu.memory_space<vmem>>) dst(%dma_wait3A_750 : memref<128x128xf32, #tpu.memory_space<hbm>>)
      tpu.yield
    }) : () -> ()
    %dma_start3A_618 = arith.constant 12 : i32
    %dma_start3A_619 = arith.constant 0 : i32
    %dma_start3A_620 = arith.constant 0 : i32
    %dma_start3A_621 = arith.constant 0 : i32
    %dma_start3A_622 = tpu.memref_slice %arg9[%dma_start3A_619, %dma_start3A_620, %dma_start3A_621] : memref<6x128x128xf32, #tpu.memory_space<vmem>> -> memref<1x128x128xf32, #tpu.memory_space<vmem>>
    %dma_start3A_623 = tpu.memref_squeeze %dma_start3A_622 : memref<1x128x128xf32, #tpu.memory_space<vmem>> -> memref<128x128xf32, #tpu.memory_space<vmem>>
    %dma_start3A_624 = arith.constant 0 : i32
    %dma_start3A_625 = tpu.memref_slice %arg8[%dma_start3A_618, %dma_start3A_624] : memref<13x128xi32, #tpu.memory_space<vmem>> -> memref<1x128xi32, #tpu.memory_space<vmem>>
    %dma_start3A_626 = tpu.memref_squeeze %dma_start3A_625 : memref<1x128xi32, #tpu.memory_space<vmem>> -> memref<128xi32, #tpu.memory_space<vmem>>
    %dma_start3A_627 = arith.constant 0 : i32
    %dma_start3A_628 = arith.constant 0 : i32
    %dma_start3A_629 = tpu.memref_slice %arg3[%dma_start3A_627, %dma_start3A_628] : memref<1300000x128xf32, #tpu.memory_space<hbm>> -> memref<1300000x128xf32, #tpu.memory_space<hbm>>
    tpu.enqueue_indirect_dma source(%dma_start3A_629 : memref<1300000x128xf32, #tpu.memory_space<hbm>>) target(%dma_start3A_623 : memref<128x128xf32, #tpu.memory_space<vmem>>) offsets(%dma_start3A_626 : memref<128xi32, #tpu.memory_space<vmem>>) semaphore(%arg10 : memref<!tpu.dma_semaphore, #tpu.memory_space<semaphore_mem>>)
    %dma_wait3A_630 = arith.constant 7 : i32
    %dma_wait3A_631 = arith.constant 1 : i32
    %dma_wait3A_632 = arith.constant 0 : i32
    %dma_wait3A_633 = arith.constant 0 : i32
    %dma_wait3A_634 = tpu.memref_slice %arg9[%dma_wait3A_631, %dma_wait3A_632, %dma_wait3A_633] : memref<6x128x128xf32, #tpu.memory_space<vmem>> -> memref<1x128x128xf32, #tpu.memory_space<vmem>>
    %dma_wait3A_635 = tpu.memref_squeeze %dma_wait3A_634 : memref<1x128x128xf32, #tpu.memory_space<vmem>> -> memref<128x128xf32, #tpu.memory_space<vmem>>
    %dma_wait3A_636 = arith.constant 0 : i32
    %dma_wait3A_637 = tpu.memref_slice %arg8[%dma_wait3A_630, %dma_wait3A_636] : memref<13x128xi32, #tpu.memory_space<vmem>> -> memref<1x128xi32, #tpu.memory_space<vmem>>
    %dma_wait3A_638 = tpu.memref_squeeze %dma_wait3A_637 : memref<1x128xi32, #tpu.memory_space<vmem>> -> memref<128xi32, #tpu.memory_space<vmem>>
    %dma_wait3A_639 = arith.constant 0 : i32
    %dma_wait3A_640 = arith.constant 0 : i32
    %dma_wait3A_641 = tpu.memref_slice %arg3[%dma_wait3A_639, %dma_wait3A_640] : memref<1300000x128xf32, #tpu.memory_space<hbm>> -> memref<1300000x128xf32, #tpu.memory_space<hbm>>
    tpu.wait_indirect_dma semaphore(%arg10 : memref<!tpu.dma_semaphore, #tpu.memory_space<semaphore_mem>>) src(%dma_wait3A_641 : memref<1300000x128xf32, #tpu.memory_space<hbm>>) dst(%dma_wait3A_635 : memref<128x128xf32, #tpu.memory_space<vmem>>)
    %mul3A_642 = arith.constant 128 : i32
    %mul3A_643 = arith.muli %add3A, %mul3A_642 : i32
    %run_scoped3A_644 = arith.constant 1 : i32
    %run_scoped3A_645 = arith.constant 7 : i32
    "tpu.region"() ({
      %run_scoped3A_726 = tpu.sem_alloc : memref<!tpu.dma_semaphore, #tpu.memory_space<semaphore_mem>>
      %dma_start3A_727 = arith.constant 0 : i32
      %dma_start3A_728 = arith.constant 0 : i32
      %dma_start3A_729 = tpu.memref_slice %arg9[%run_scoped3A_644, %dma_start3A_727, %dma_start3A_728] : memref<6x128x128xf32, #tpu.memory_space<vmem>> -> memref<1x128x128xf32, #tpu.memory_space<vmem>>
      %dma_start3A_730 = tpu.memref_squeeze %dma_start3A_729 : memref<1x128x128xf32, #tpu.memory_space<vmem>> -> memref<128x128xf32, #tpu.memory_space<vmem>>
      %dma_start3A_731 = arith.constant 0 : i32
      %dma_start3A_732 = tpu.memref_slice %arg7[%run_scoped3A_645, %mul3A_643, %dma_start3A_731] : memref<13x4096x128xf32, #tpu.memory_space<hbm>> -> memref<1x128x128xf32, #tpu.memory_space<hbm>>
      %dma_start3A_733 = tpu.memref_squeeze %dma_start3A_732 : memref<1x128x128xf32, #tpu.memory_space<hbm>> -> memref<128x128xf32, #tpu.memory_space<hbm>>
      %dma_start3A_734 = arith.constant 0 : i32
      %dma_start3A_735 = tpu.memref_slice %arg7[%run_scoped3A_645, %mul3A_643, %dma_start3A_734] : memref<13x4096x128xf32, #tpu.memory_space<hbm>> -> memref<1x128x128xf32, #tpu.memory_space<hbm>>
      %dma_start3A_736 = tpu.memref_squeeze %dma_start3A_735 : memref<1x128x128xf32, #tpu.memory_space<hbm>> -> memref<128x128xf32, #tpu.memory_space<hbm>>
      %dma_start3A_737 = arith.constant 0 : i32
      %dma_start3A_738 = arith.constant 0 : i32
      %dma_start3A_739 = tpu.memref_slice %arg9[%run_scoped3A_644, %dma_start3A_737, %dma_start3A_738] : memref<6x128x128xf32, #tpu.memory_space<vmem>> -> memref<1x128x128xf32, #tpu.memory_space<vmem>>
      %dma_start3A_740 = tpu.memref_squeeze %dma_start3A_739 : memref<1x128x128xf32, #tpu.memory_space<vmem>> -> memref<128x128xf32, #tpu.memory_space<vmem>>
      tpu.enqueue_dma source(%dma_start3A_740 : memref<128x128xf32, #tpu.memory_space<vmem>>) target(%dma_start3A_736 : memref<128x128xf32, #tpu.memory_space<hbm>>) target_semaphore(%run_scoped3A_726 : memref<!tpu.dma_semaphore, #tpu.memory_space<semaphore_mem>>)
      %dma_wait3A_741 = arith.constant 0 : i32
      %dma_wait3A_742 = arith.constant 0 : i32
      %dma_wait3A_743 = tpu.memref_slice %arg9[%run_scoped3A_644, %dma_wait3A_741, %dma_wait3A_742] : memref<6x128x128xf32, #tpu.memory_space<vmem>> -> memref<1x128x128xf32, #tpu.memory_space<vmem>>
      %dma_wait3A_744 = tpu.memref_squeeze %dma_wait3A_743 : memref<1x128x128xf32, #tpu.memory_space<vmem>> -> memref<128x128xf32, #tpu.memory_space<vmem>>
      %dma_wait3A_745 = arith.constant 0 : i32
      %dma_wait3A_746 = tpu.memref_slice %arg7[%run_scoped3A_645, %mul3A_643, %dma_wait3A_745] : memref<13x4096x128xf32, #tpu.memory_space<hbm>> -> memref<1x128x128xf32, #tpu.memory_space<hbm>>
      %dma_wait3A_747 = tpu.memref_squeeze %dma_wait3A_746 : memref<1x128x128xf32, #tpu.memory_space<hbm>> -> memref<128x128xf32, #tpu.memory_space<hbm>>
      %dma_wait3A_748 = arith.constant 0 : i32
      %dma_wait3A_749 = tpu.memref_slice %arg7[%run_scoped3A_645, %mul3A_643, %dma_wait3A_748] : memref<13x4096x128xf32, #tpu.memory_space<hbm>> -> memref<1x128x128xf32, #tpu.memory_space<hbm>>
      %dma_wait3A_750 = tpu.memref_squeeze %dma_wait3A_749 : memref<1x128x128xf32, #tpu.memory_space<hbm>> -> memref<128x128xf32, #tpu.memory_space<hbm>>
      %dma_wait3A_751 = arith.constant 0 : i32
      %dma_wait3A_752 = arith.constant 0 : i32
      %dma_wait3A_753 = tpu.memref_slice %arg9[%run_scoped3A_644, %dma_wait3A_751, %dma_wait3A_752] : memref<6x128x128xf32, #tpu.memory_space<vmem>> -> memref<1x128x128xf32, #tpu.memory_space<vmem>>
      %dma_wait3A_754 = tpu.memref_squeeze %dma_wait3A_753 : memref<1x128x128xf32, #tpu.memory_space<vmem>> -> memref<128x128xf32, #tpu.memory_space<vmem>>
      tpu.wait_dma2 semaphore(%run_scoped3A_726 : memref<!tpu.dma_semaphore, #tpu.memory_space<semaphore_mem>>) src(%dma_wait3A_754 : memref<128x128xf32, #tpu.memory_space<vmem>>) dst(%dma_wait3A_750 : memref<128x128xf32, #tpu.memory_space<hbm>>)
      tpu.yield
    }) : () -> ()
    %dma_wait3A_646 = arith.constant 8 : i32
    %dma_wait3A_647 = arith.constant 2 : i32
    %dma_wait3A_648 = arith.constant 0 : i32
    %dma_wait3A_649 = arith.constant 0 : i32
    %dma_wait3A_650 = tpu.memref_slice %arg9[%dma_wait3A_647, %dma_wait3A_648, %dma_wait3A_649] : memref<6x128x128xf32, #tpu.memory_space<vmem>> -> memref<1x128x128xf32, #tpu.memory_space<vmem>>
    %dma_wait3A_651 = tpu.memref_squeeze %dma_wait3A_650 : memref<1x128x128xf32, #tpu.memory_space<vmem>> -> memref<128x128xf32, #tpu.memory_space<vmem>>
    %dma_wait3A_652 = arith.constant 0 : i32
    %dma_wait3A_653 = tpu.memref_slice %arg8[%dma_wait3A_646, %dma_wait3A_652] : memref<13x128xi32, #tpu.memory_space<vmem>> -> memref<1x128xi32, #tpu.memory_space<vmem>>
    %dma_wait3A_654 = tpu.memref_squeeze %dma_wait3A_653 : memref<1x128xi32, #tpu.memory_space<vmem>> -> memref<128xi32, #tpu.memory_space<vmem>>
    %dma_wait3A_655 = arith.constant 0 : i32
    %dma_wait3A_656 = arith.constant 0 : i32
    %dma_wait3A_657 = tpu.memref_slice %arg3[%dma_wait3A_655, %dma_wait3A_656] : memref<1300000x128xf32, #tpu.memory_space<hbm>> -> memref<1300000x128xf32, #tpu.memory_space<hbm>>
    tpu.wait_indirect_dma semaphore(%arg10 : memref<!tpu.dma_semaphore, #tpu.memory_space<semaphore_mem>>) src(%dma_wait3A_657 : memref<1300000x128xf32, #tpu.memory_space<hbm>>) dst(%dma_wait3A_651 : memref<128x128xf32, #tpu.memory_space<vmem>>)
    %mul3A_658 = arith.constant 128 : i32
    %mul3A_659 = arith.muli %add3A, %mul3A_658 : i32
    %run_scoped3A_660 = arith.constant 2 : i32
    %run_scoped3A_661 = arith.constant 8 : i32
    "tpu.region"() ({
      %run_scoped3A_726 = tpu.sem_alloc : memref<!tpu.dma_semaphore, #tpu.memory_space<semaphore_mem>>
      %dma_start3A_727 = arith.constant 0 : i32
      %dma_start3A_728 = arith.constant 0 : i32
      %dma_start3A_729 = tpu.memref_slice %arg9[%run_scoped3A_660, %dma_start3A_727, %dma_start3A_728] : memref<6x128x128xf32, #tpu.memory_space<vmem>> -> memref<1x128x128xf32, #tpu.memory_space<vmem>>
      %dma_start3A_730 = tpu.memref_squeeze %dma_start3A_729 : memref<1x128x128xf32, #tpu.memory_space<vmem>> -> memref<128x128xf32, #tpu.memory_space<vmem>>
      %dma_start3A_731 = arith.constant 0 : i32
      %dma_start3A_732 = tpu.memref_slice %arg7[%run_scoped3A_661, %mul3A_659, %dma_start3A_731] : memref<13x4096x128xf32, #tpu.memory_space<hbm>> -> memref<1x128x128xf32, #tpu.memory_space<hbm>>
      %dma_start3A_733 = tpu.memref_squeeze %dma_start3A_732 : memref<1x128x128xf32, #tpu.memory_space<hbm>> -> memref<128x128xf32, #tpu.memory_space<hbm>>
      %dma_start3A_734 = arith.constant 0 : i32
      %dma_start3A_735 = tpu.memref_slice %arg7[%run_scoped3A_661, %mul3A_659, %dma_start3A_734] : memref<13x4096x128xf32, #tpu.memory_space<hbm>> -> memref<1x128x128xf32, #tpu.memory_space<hbm>>
      %dma_start3A_736 = tpu.memref_squeeze %dma_start3A_735 : memref<1x128x128xf32, #tpu.memory_space<hbm>> -> memref<128x128xf32, #tpu.memory_space<hbm>>
      %dma_start3A_737 = arith.constant 0 : i32
      %dma_start3A_738 = arith.constant 0 : i32
      %dma_start3A_739 = tpu.memref_slice %arg9[%run_scoped3A_660, %dma_start3A_737, %dma_start3A_738] : memref<6x128x128xf32, #tpu.memory_space<vmem>> -> memref<1x128x128xf32, #tpu.memory_space<vmem>>
      %dma_start3A_740 = tpu.memref_squeeze %dma_start3A_739 : memref<1x128x128xf32, #tpu.memory_space<vmem>> -> memref<128x128xf32, #tpu.memory_space<vmem>>
      tpu.enqueue_dma source(%dma_start3A_740 : memref<128x128xf32, #tpu.memory_space<vmem>>) target(%dma_start3A_736 : memref<128x128xf32, #tpu.memory_space<hbm>>) target_semaphore(%run_scoped3A_726 : memref<!tpu.dma_semaphore, #tpu.memory_space<semaphore_mem>>)
      %dma_wait3A_741 = arith.constant 0 : i32
      %dma_wait3A_742 = arith.constant 0 : i32
      %dma_wait3A_743 = tpu.memref_slice %arg9[%run_scoped3A_660, %dma_wait3A_741, %dma_wait3A_742] : memref<6x128x128xf32, #tpu.memory_space<vmem>> -> memref<1x128x128xf32, #tpu.memory_space<vmem>>
      %dma_wait3A_744 = tpu.memref_squeeze %dma_wait3A_743 : memref<1x128x128xf32, #tpu.memory_space<vmem>> -> memref<128x128xf32, #tpu.memory_space<vmem>>
      %dma_wait3A_745 = arith.constant 0 : i32
      %dma_wait3A_746 = tpu.memref_slice %arg7[%run_scoped3A_661, %mul3A_659, %dma_wait3A_745] : memref<13x4096x128xf32, #tpu.memory_space<hbm>> -> memref<1x128x128xf32, #tpu.memory_space<hbm>>
      %dma_wait3A_747 = tpu.memref_squeeze %dma_wait3A_746 : memref<1x128x128xf32, #tpu.memory_space<hbm>> -> memref<128x128xf32, #tpu.memory_space<hbm>>
      %dma_wait3A_748 = arith.constant 0 : i32
      %dma_wait3A_749 = tpu.memref_slice %arg7[%run_scoped3A_661, %mul3A_659, %dma_wait3A_748] : memref<13x4096x128xf32, #tpu.memory_space<hbm>> -> memref<1x128x128xf32, #tpu.memory_space<hbm>>
      %dma_wait3A_750 = tpu.memref_squeeze %dma_wait3A_749 : memref<1x128x128xf32, #tpu.memory_space<hbm>> -> memref<128x128xf32, #tpu.memory_space<hbm>>
      %dma_wait3A_751 = arith.constant 0 : i32
      %dma_wait3A_752 = arith.constant 0 : i32
      %dma_wait3A_753 = tpu.memref_slice %arg9[%run_scoped3A_660, %dma_wait3A_751, %dma_wait3A_752] : memref<6x128x128xf32, #tpu.memory_space<vmem>> -> memref<1x128x128xf32, #tpu.memory_space<vmem>>
      %dma_wait3A_754 = tpu.memref_squeeze %dma_wait3A_753 : memref<1x128x128xf32, #tpu.memory_space<vmem>> -> memref<128x128xf32, #tpu.memory_space<vmem>>
      tpu.wait_dma2 semaphore(%run_scoped3A_726 : memref<!tpu.dma_semaphore, #tpu.memory_space<semaphore_mem>>) src(%dma_wait3A_754 : memref<128x128xf32, #tpu.memory_space<vmem>>) dst(%dma_wait3A_750 : memref<128x128xf32, #tpu.memory_space<hbm>>)
      tpu.yield
    }) : () -> ()
    %dma_wait3A_662 = arith.constant 9 : i32
    %dma_wait3A_663 = arith.constant 3 : i32
    %dma_wait3A_664 = arith.constant 0 : i32
    %dma_wait3A_665 = arith.constant 0 : i32
    %dma_wait3A_666 = tpu.memref_slice %arg9[%dma_wait3A_663, %dma_wait3A_664, %dma_wait3A_665] : memref<6x128x128xf32, #tpu.memory_space<vmem>> -> memref<1x128x128xf32, #tpu.memory_space<vmem>>
    %dma_wait3A_667 = tpu.memref_squeeze %dma_wait3A_666 : memref<1x128x128xf32, #tpu.memory_space<vmem>> -> memref<128x128xf32, #tpu.memory_space<vmem>>
    %dma_wait3A_668 = arith.constant 0 : i32
    %dma_wait3A_669 = tpu.memref_slice %arg8[%dma_wait3A_662, %dma_wait3A_668] : memref<13x128xi32, #tpu.memory_space<vmem>> -> memref<1x128xi32, #tpu.memory_space<vmem>>
    %dma_wait3A_670 = tpu.memref_squeeze %dma_wait3A_669 : memref<1x128xi32, #tpu.memory_space<vmem>> -> memref<128xi32, #tpu.memory_space<vmem>>
    %dma_wait3A_671 = arith.constant 0 : i32
    %dma_wait3A_672 = arith.constant 0 : i32
    %dma_wait3A_673 = tpu.memref_slice %arg3[%dma_wait3A_671, %dma_wait3A_672] : memref<1300000x128xf32, #tpu.memory_space<hbm>> -> memref<1300000x128xf32, #tpu.memory_space<hbm>>
    tpu.wait_indirect_dma semaphore(%arg10 : memref<!tpu.dma_semaphore, #tpu.memory_space<semaphore_mem>>) src(%dma_wait3A_673 : memref<1300000x128xf32, #tpu.memory_space<hbm>>) dst(%dma_wait3A_667 : memref<128x128xf32, #tpu.memory_space<vmem>>)
    %mul3A_674 = arith.constant 128 : i32
    %mul3A_675 = arith.muli %add3A, %mul3A_674 : i32
    %run_scoped3A_676 = arith.constant 3 : i32
    %run_scoped3A_677 = arith.constant 9 : i32
    "tpu.region"() ({
      %run_scoped3A_726 = tpu.sem_alloc : memref<!tpu.dma_semaphore, #tpu.memory_space<semaphore_mem>>
      %dma_start3A_727 = arith.constant 0 : i32
      %dma_start3A_728 = arith.constant 0 : i32
      %dma_start3A_729 = tpu.memref_slice %arg9[%run_scoped3A_676, %dma_start3A_727, %dma_start3A_728] : memref<6x128x128xf32, #tpu.memory_space<vmem>> -> memref<1x128x128xf32, #tpu.memory_space<vmem>>
      %dma_start3A_730 = tpu.memref_squeeze %dma_start3A_729 : memref<1x128x128xf32, #tpu.memory_space<vmem>> -> memref<128x128xf32, #tpu.memory_space<vmem>>
      %dma_start3A_731 = arith.constant 0 : i32
      %dma_start3A_732 = tpu.memref_slice %arg7[%run_scoped3A_677, %mul3A_675, %dma_start3A_731] : memref<13x4096x128xf32, #tpu.memory_space<hbm>> -> memref<1x128x128xf32, #tpu.memory_space<hbm>>
      %dma_start3A_733 = tpu.memref_squeeze %dma_start3A_732 : memref<1x128x128xf32, #tpu.memory_space<hbm>> -> memref<128x128xf32, #tpu.memory_space<hbm>>
      %dma_start3A_734 = arith.constant 0 : i32
      %dma_start3A_735 = tpu.memref_slice %arg7[%run_scoped3A_677, %mul3A_675, %dma_start3A_734] : memref<13x4096x128xf32, #tpu.memory_space<hbm>> -> memref<1x128x128xf32, #tpu.memory_space<hbm>>
      %dma_start3A_736 = tpu.memref_squeeze %dma_start3A_735 : memref<1x128x128xf32, #tpu.memory_space<hbm>> -> memref<128x128xf32, #tpu.memory_space<hbm>>
      %dma_start3A_737 = arith.constant 0 : i32
      %dma_start3A_738 = arith.constant 0 : i32
      %dma_start3A_739 = tpu.memref_slice %arg9[%run_scoped3A_676, %dma_start3A_737, %dma_start3A_738] : memref<6x128x128xf32, #tpu.memory_space<vmem>> -> memref<1x128x128xf32, #tpu.memory_space<vmem>>
      %dma_start3A_740 = tpu.memref_squeeze %dma_start3A_739 : memref<1x128x128xf32, #tpu.memory_space<vmem>> -> memref<128x128xf32, #tpu.memory_space<vmem>>
      tpu.enqueue_dma source(%dma_start3A_740 : memref<128x128xf32, #tpu.memory_space<vmem>>) target(%dma_start3A_736 : memref<128x128xf32, #tpu.memory_space<hbm>>) target_semaphore(%run_scoped3A_726 : memref<!tpu.dma_semaphore, #tpu.memory_space<semaphore_mem>>)
      %dma_wait3A_741 = arith.constant 0 : i32
      %dma_wait3A_742 = arith.constant 0 : i32
      %dma_wait3A_743 = tpu.memref_slice %arg9[%run_scoped3A_676, %dma_wait3A_741, %dma_wait3A_742] : memref<6x128x128xf32, #tpu.memory_space<vmem>> -> memref<1x128x128xf32, #tpu.memory_space<vmem>>
      %dma_wait3A_744 = tpu.memref_squeeze %dma_wait3A_743 : memref<1x128x128xf32, #tpu.memory_space<vmem>> -> memref<128x128xf32, #tpu.memory_space<vmem>>
      %dma_wait3A_745 = arith.constant 0 : i32
      %dma_wait3A_746 = tpu.memref_slice %arg7[%run_scoped3A_677, %mul3A_675, %dma_wait3A_745] : memref<13x4096x128xf32, #tpu.memory_space<hbm>> -> memref<1x128x128xf32, #tpu.memory_space<hbm>>
      %dma_wait3A_747 = tpu.memref_squeeze %dma_wait3A_746 : memref<1x128x128xf32, #tpu.memory_space<hbm>> -> memref<128x128xf32, #tpu.memory_space<hbm>>
      %dma_wait3A_748 = arith.constant 0 : i32
      %dma_wait3A_749 = tpu.memref_slice %arg7[%run_scoped3A_677, %mul3A_675, %dma_wait3A_748] : memref<13x4096x128xf32, #tpu.memory_space<hbm>> -> memref<1x128x128xf32, #tpu.memory_space<hbm>>
      %dma_wait3A_750 = tpu.memref_squeeze %dma_wait3A_749 : memref<1x128x128xf32, #tpu.memory_space<hbm>> -> memref<128x128xf32, #tpu.memory_space<hbm>>
      %dma_wait3A_751 = arith.constant 0 : i32
      %dma_wait3A_752 = arith.constant 0 : i32
      %dma_wait3A_753 = tpu.memref_slice %arg9[%run_scoped3A_676, %dma_wait3A_751, %dma_wait3A_752] : memref<6x128x128xf32, #tpu.memory_space<vmem>> -> memref<1x128x128xf32, #tpu.memory_space<vmem>>
      %dma_wait3A_754 = tpu.memref_squeeze %dma_wait3A_753 : memref<1x128x128xf32, #tpu.memory_space<vmem>> -> memref<128x128xf32, #tpu.memory_space<vmem>>
      tpu.wait_dma2 semaphore(%run_scoped3A_726 : memref<!tpu.dma_semaphore, #tpu.memory_space<semaphore_mem>>) src(%dma_wait3A_754 : memref<128x128xf32, #tpu.memory_space<vmem>>) dst(%dma_wait3A_750 : memref<128x128xf32, #tpu.memory_space<hbm>>)
      tpu.yield
    }) : () -> ()
    %dma_wait3A_678 = arith.constant 10 : i32
    %dma_wait3A_679 = arith.constant 4 : i32
    %dma_wait3A_680 = arith.constant 0 : i32
    %dma_wait3A_681 = arith.constant 0 : i32
    %dma_wait3A_682 = tpu.memref_slice %arg9[%dma_wait3A_679, %dma_wait3A_680, %dma_wait3A_681] : memref<6x128x128xf32, #tpu.memory_space<vmem>> -> memref<1x128x128xf32, #tpu.memory_space<vmem>>
    %dma_wait3A_683 = tpu.memref_squeeze %dma_wait3A_682 : memref<1x128x128xf32, #tpu.memory_space<vmem>> -> memref<128x128xf32, #tpu.memory_space<vmem>>
    %dma_wait3A_684 = arith.constant 0 : i32
    %dma_wait3A_685 = tpu.memref_slice %arg8[%dma_wait3A_678, %dma_wait3A_684] : memref<13x128xi32, #tpu.memory_space<vmem>> -> memref<1x128xi32, #tpu.memory_space<vmem>>
    %dma_wait3A_686 = tpu.memref_squeeze %dma_wait3A_685 : memref<1x128xi32, #tpu.memory_space<vmem>> -> memref<128xi32, #tpu.memory_space<vmem>>
    %dma_wait3A_687 = arith.constant 0 : i32
    %dma_wait3A_688 = arith.constant 0 : i32
    %dma_wait3A_689 = tpu.memref_slice %arg3[%dma_wait3A_687, %dma_wait3A_688] : memref<1300000x128xf32, #tpu.memory_space<hbm>> -> memref<1300000x128xf32, #tpu.memory_space<hbm>>
    tpu.wait_indirect_dma semaphore(%arg10 : memref<!tpu.dma_semaphore, #tpu.memory_space<semaphore_mem>>) src(%dma_wait3A_689 : memref<1300000x128xf32, #tpu.memory_space<hbm>>) dst(%dma_wait3A_683 : memref<128x128xf32, #tpu.memory_space<vmem>>)
    %mul3A_690 = arith.constant 128 : i32
    %mul3A_691 = arith.muli %add3A, %mul3A_690 : i32
    %run_scoped3A_692 = arith.constant 4 : i32
    %run_scoped3A_693 = arith.constant 10 : i32
    "tpu.region"() ({
      %run_scoped3A_726 = tpu.sem_alloc : memref<!tpu.dma_semaphore, #tpu.memory_space<semaphore_mem>>
      %dma_start3A_727 = arith.constant 0 : i32
      %dma_start3A_728 = arith.constant 0 : i32
      %dma_start3A_729 = tpu.memref_slice %arg9[%run_scoped3A_692, %dma_start3A_727, %dma_start3A_728] : memref<6x128x128xf32, #tpu.memory_space<vmem>> -> memref<1x128x128xf32, #tpu.memory_space<vmem>>
      %dma_start3A_730 = tpu.memref_squeeze %dma_start3A_729 : memref<1x128x128xf32, #tpu.memory_space<vmem>> -> memref<128x128xf32, #tpu.memory_space<vmem>>
      %dma_start3A_731 = arith.constant 0 : i32
      %dma_start3A_732 = tpu.memref_slice %arg7[%run_scoped3A_693, %mul3A_691, %dma_start3A_731] : memref<13x4096x128xf32, #tpu.memory_space<hbm>> -> memref<1x128x128xf32, #tpu.memory_space<hbm>>
      %dma_start3A_733 = tpu.memref_squeeze %dma_start3A_732 : memref<1x128x128xf32, #tpu.memory_space<hbm>> -> memref<128x128xf32, #tpu.memory_space<hbm>>
      %dma_start3A_734 = arith.constant 0 : i32
      %dma_start3A_735 = tpu.memref_slice %arg7[%run_scoped3A_693, %mul3A_691, %dma_start3A_734] : memref<13x4096x128xf32, #tpu.memory_space<hbm>> -> memref<1x128x128xf32, #tpu.memory_space<hbm>>
      %dma_start3A_736 = tpu.memref_squeeze %dma_start3A_735 : memref<1x128x128xf32, #tpu.memory_space<hbm>> -> memref<128x128xf32, #tpu.memory_space<hbm>>
      %dma_start3A_737 = arith.constant 0 : i32
      %dma_start3A_738 = arith.constant 0 : i32
      %dma_start3A_739 = tpu.memref_slice %arg9[%run_scoped3A_692, %dma_start3A_737, %dma_start3A_738] : memref<6x128x128xf32, #tpu.memory_space<vmem>> -> memref<1x128x128xf32, #tpu.memory_space<vmem>>
      %dma_start3A_740 = tpu.memref_squeeze %dma_start3A_739 : memref<1x128x128xf32, #tpu.memory_space<vmem>> -> memref<128x128xf32, #tpu.memory_space<vmem>>
      tpu.enqueue_dma source(%dma_start3A_740 : memref<128x128xf32, #tpu.memory_space<vmem>>) target(%dma_start3A_736 : memref<128x128xf32, #tpu.memory_space<hbm>>) target_semaphore(%run_scoped3A_726 : memref<!tpu.dma_semaphore, #tpu.memory_space<semaphore_mem>>)
      %dma_wait3A_741 = arith.constant 0 : i32
      %dma_wait3A_742 = arith.constant 0 : i32
      %dma_wait3A_743 = tpu.memref_slice %arg9[%run_scoped3A_692, %dma_wait3A_741, %dma_wait3A_742] : memref<6x128x128xf32, #tpu.memory_space<vmem>> -> memref<1x128x128xf32, #tpu.memory_space<vmem>>
      %dma_wait3A_744 = tpu.memref_squeeze %dma_wait3A_743 : memref<1x128x128xf32, #tpu.memory_space<vmem>> -> memref<128x128xf32, #tpu.memory_space<vmem>>
      %dma_wait3A_745 = arith.constant 0 : i32
      %dma_wait3A_746 = tpu.memref_slice %arg7[%run_scoped3A_693, %mul3A_691, %dma_wait3A_745] : memref<13x4096x128xf32, #tpu.memory_space<hbm>> -> memref<1x128x128xf32, #tpu.memory_space<hbm>>
      %dma_wait3A_747 = tpu.memref_squeeze %dma_wait3A_746 : memref<1x128x128xf32, #tpu.memory_space<hbm>> -> memref<128x128xf32, #tpu.memory_space<hbm>>
      %dma_wait3A_748 = arith.constant 0 : i32
      %dma_wait3A_749 = tpu.memref_slice %arg7[%run_scoped3A_693, %mul3A_691, %dma_wait3A_748] : memref<13x4096x128xf32, #tpu.memory_space<hbm>> -> memref<1x128x128xf32, #tpu.memory_space<hbm>>
      %dma_wait3A_750 = tpu.memref_squeeze %dma_wait3A_749 : memref<1x128x128xf32, #tpu.memory_space<hbm>> -> memref<128x128xf32, #tpu.memory_space<hbm>>
      %dma_wait3A_751 = arith.constant 0 : i32
      %dma_wait3A_752 = arith.constant 0 : i32
      %dma_wait3A_753 = tpu.memref_slice %arg9[%run_scoped3A_692, %dma_wait3A_751, %dma_wait3A_752] : memref<6x128x128xf32, #tpu.memory_space<vmem>> -> memref<1x128x128xf32, #tpu.memory_space<vmem>>
      %dma_wait3A_754 = tpu.memref_squeeze %dma_wait3A_753 : memref<1x128x128xf32, #tpu.memory_space<vmem>> -> memref<128x128xf32, #tpu.memory_space<vmem>>
      tpu.wait_dma2 semaphore(%run_scoped3A_726 : memref<!tpu.dma_semaphore, #tpu.memory_space<semaphore_mem>>) src(%dma_wait3A_754 : memref<128x128xf32, #tpu.memory_space<vmem>>) dst(%dma_wait3A_750 : memref<128x128xf32, #tpu.memory_space<hbm>>)
      tpu.yield
    }) : () -> ()
    %dma_wait3A_694 = arith.constant 11 : i32
    %dma_wait3A_695 = arith.constant 5 : i32
    %dma_wait3A_696 = arith.constant 0 : i32
    %dma_wait3A_697 = arith.constant 0 : i32
    %dma_wait3A_698 = tpu.memref_slice %arg9[%dma_wait3A_695, %dma_wait3A_696, %dma_wait3A_697] : memref<6x128x128xf32, #tpu.memory_space<vmem>> -> memref<1x128x128xf32, #tpu.memory_space<vmem>>
    %dma_wait3A_699 = tpu.memref_squeeze %dma_wait3A_698 : memref<1x128x128xf32, #tpu.memory_space<vmem>> -> memref<128x128xf32, #tpu.memory_space<vmem>>
    %dma_wait3A_700 = arith.constant 0 : i32
    %dma_wait3A_701 = tpu.memref_slice %arg8[%dma_wait3A_694, %dma_wait3A_700] : memref<13x128xi32, #tpu.memory_space<vmem>> -> memref<1x128xi32, #tpu.memory_space<vmem>>
    %dma_wait3A_702 = tpu.memref_squeeze %dma_wait3A_701 : memref<1x128xi32, #tpu.memory_space<vmem>> -> memref<128xi32, #tpu.memory_space<vmem>>
    %dma_wait3A_703 = arith.constant 0 : i32
    %dma_wait3A_704 = arith.constant 0 : i32
    %dma_wait3A_705 = tpu.memref_slice %arg3[%dma_wait3A_703, %dma_wait3A_704] : memref<1300000x128xf32, #tpu.memory_space<hbm>> -> memref<1300000x128xf32, #tpu.memory_space<hbm>>
    tpu.wait_indirect_dma semaphore(%arg10 : memref<!tpu.dma_semaphore, #tpu.memory_space<semaphore_mem>>) src(%dma_wait3A_705 : memref<1300000x128xf32, #tpu.memory_space<hbm>>) dst(%dma_wait3A_699 : memref<128x128xf32, #tpu.memory_space<vmem>>)
    %mul3A_706 = arith.constant 128 : i32
    %mul3A_707 = arith.muli %add3A, %mul3A_706 : i32
    %run_scoped3A_708 = arith.constant 5 : i32
    %run_scoped3A_709 = arith.constant 11 : i32
    "tpu.region"() ({
      %run_scoped3A_726 = tpu.sem_alloc : memref<!tpu.dma_semaphore, #tpu.memory_space<semaphore_mem>>
      %dma_start3A_727 = arith.constant 0 : i32
      %dma_start3A_728 = arith.constant 0 : i32
      %dma_start3A_729 = tpu.memref_slice %arg9[%run_scoped3A_708, %dma_start3A_727, %dma_start3A_728] : memref<6x128x128xf32, #tpu.memory_space<vmem>> -> memref<1x128x128xf32, #tpu.memory_space<vmem>>
      %dma_start3A_730 = tpu.memref_squeeze %dma_start3A_729 : memref<1x128x128xf32, #tpu.memory_space<vmem>> -> memref<128x128xf32, #tpu.memory_space<vmem>>
      %dma_start3A_731 = arith.constant 0 : i32
      %dma_start3A_732 = tpu.memref_slice %arg7[%run_scoped3A_709, %mul3A_707, %dma_start3A_731] : memref<13x4096x128xf32, #tpu.memory_space<hbm>> -> memref<1x128x128xf32, #tpu.memory_space<hbm>>
      %dma_start3A_733 = tpu.memref_squeeze %dma_start3A_732 : memref<1x128x128xf32, #tpu.memory_space<hbm>> -> memref<128x128xf32, #tpu.memory_space<hbm>>
      %dma_start3A_734 = arith.constant 0 : i32
      %dma_start3A_735 = tpu.memref_slice %arg7[%run_scoped3A_709, %mul3A_707, %dma_start3A_734] : memref<13x4096x128xf32, #tpu.memory_space<hbm>> -> memref<1x128x128xf32, #tpu.memory_space<hbm>>
      %dma_start3A_736 = tpu.memref_squeeze %dma_start3A_735 : memref<1x128x128xf32, #tpu.memory_space<hbm>> -> memref<128x128xf32, #tpu.memory_space<hbm>>
      %dma_start3A_737 = arith.constant 0 : i32
      %dma_start3A_738 = arith.constant 0 : i32
      %dma_start3A_739 = tpu.memref_slice %arg9[%run_scoped3A_708, %dma_start3A_737, %dma_start3A_738] : memref<6x128x128xf32, #tpu.memory_space<vmem>> -> memref<1x128x128xf32, #tpu.memory_space<vmem>>
      %dma_start3A_740 = tpu.memref_squeeze %dma_start3A_739 : memref<1x128x128xf32, #tpu.memory_space<vmem>> -> memref<128x128xf32, #tpu.memory_space<vmem>>
      tpu.enqueue_dma source(%dma_start3A_740 : memref<128x128xf32, #tpu.memory_space<vmem>>) target(%dma_start3A_736 : memref<128x128xf32, #tpu.memory_space<hbm>>) target_semaphore(%run_scoped3A_726 : memref<!tpu.dma_semaphore, #tpu.memory_space<semaphore_mem>>)
      %dma_wait3A_741 = arith.constant 0 : i32
      %dma_wait3A_742 = arith.constant 0 : i32
      %dma_wait3A_743 = tpu.memref_slice %arg9[%run_scoped3A_708, %dma_wait3A_741, %dma_wait3A_742] : memref<6x128x128xf32, #tpu.memory_space<vmem>> -> memref<1x128x128xf32, #tpu.memory_space<vmem>>
      %dma_wait3A_744 = tpu.memref_squeeze %dma_wait3A_743 : memref<1x128x128xf32, #tpu.memory_space<vmem>> -> memref<128x128xf32, #tpu.memory_space<vmem>>
      %dma_wait3A_745 = arith.constant 0 : i32
      %dma_wait3A_746 = tpu.memref_slice %arg7[%run_scoped3A_709, %mul3A_707, %dma_wait3A_745] : memref<13x4096x128xf32, #tpu.memory_space<hbm>> -> memref<1x128x128xf32, #tpu.memory_space<hbm>>
      %dma_wait3A_747 = tpu.memref_squeeze %dma_wait3A_746 : memref<1x128x128xf32, #tpu.memory_space<hbm>> -> memref<128x128xf32, #tpu.memory_space<hbm>>
      %dma_wait3A_748 = arith.constant 0 : i32
      %dma_wait3A_749 = tpu.memref_slice %arg7[%run_scoped3A_709, %mul3A_707, %dma_wait3A_748] : memref<13x4096x128xf32, #tpu.memory_space<hbm>> -> memref<1x128x128xf32, #tpu.memory_space<hbm>>
      %dma_wait3A_750 = tpu.memref_squeeze %dma_wait3A_749 : memref<1x128x128xf32, #tpu.memory_space<hbm>> -> memref<128x128xf32, #tpu.memory_space<hbm>>
      %dma_wait3A_751 = arith.constant 0 : i32
      %dma_wait3A_752 = arith.constant 0 : i32
      %dma_wait3A_753 = tpu.memref_slice %arg9[%run_scoped3A_708, %dma_wait3A_751, %dma_wait3A_752] : memref<6x128x128xf32, #tpu.memory_space<vmem>> -> memref<1x128x128xf32, #tpu.memory_space<vmem>>
      %dma_wait3A_754 = tpu.memref_squeeze %dma_wait3A_753 : memref<1x128x128xf32, #tpu.memory_space<vmem>> -> memref<128x128xf32, #tpu.memory_space<vmem>>
      tpu.wait_dma2 semaphore(%run_scoped3A_726 : memref<!tpu.dma_semaphore, #tpu.memory_space<semaphore_mem>>) src(%dma_wait3A_754 : memref<128x128xf32, #tpu.memory_space<vmem>>) dst(%dma_wait3A_750 : memref<128x128xf32, #tpu.memory_space<hbm>>)
      tpu.yield
    }) : () -> ()
    %dma_wait3A_710 = arith.constant 12 : i32
    %dma_wait3A_711 = arith.constant 0 : i32
    %dma_wait3A_712 = arith.constant 0 : i32
    %dma_wait3A_713 = arith.constant 0 : i32
    %dma_wait3A_714 = tpu.memref_slice %arg9[%dma_wait3A_711, %dma_wait3A_712, %dma_wait3A_713] : memref<6x128x128xf32, #tpu.memory_space<vmem>> -> memref<1x128x128xf32, #tpu.memory_space<vmem>>
    %dma_wait3A_715 = tpu.memref_squeeze %dma_wait3A_714 : memref<1x128x128xf32, #tpu.memory_space<vmem>> -> memref<128x128xf32, #tpu.memory_space<vmem>>
    %dma_wait3A_716 = arith.constant 0 : i32
    %dma_wait3A_717 = tpu.memref_slice %arg8[%dma_wait3A_710, %dma_wait3A_716] : memref<13x128xi32, #tpu.memory_space<vmem>> -> memref<1x128xi32, #tpu.memory_space<vmem>>
    %dma_wait3A_718 = tpu.memref_squeeze %dma_wait3A_717 : memref<1x128xi32, #tpu.memory_space<vmem>> -> memref<128xi32, #tpu.memory_space<vmem>>
    %dma_wait3A_719 = arith.constant 0 : i32
    %dma_wait3A_720 = arith.constant 0 : i32
    %dma_wait3A_721 = tpu.memref_slice %arg3[%dma_wait3A_719, %dma_wait3A_720] : memref<1300000x128xf32, #tpu.memory_space<hbm>> -> memref<1300000x128xf32, #tpu.memory_space<hbm>>
    tpu.wait_indirect_dma semaphore(%arg10 : memref<!tpu.dma_semaphore, #tpu.memory_space<semaphore_mem>>) src(%dma_wait3A_721 : memref<1300000x128xf32, #tpu.memory_space<hbm>>) dst(%dma_wait3A_715 : memref<128x128xf32, #tpu.memory_space<vmem>>)
    %mul3A_722 = arith.constant 128 : i32
    %mul3A_723 = arith.muli %add3A, %mul3A_722 : i32
    %run_scoped3A_724 = arith.constant 0 : i32
    %run_scoped3A_725 = arith.constant 12 : i32
    "tpu.region"() ({
      %run_scoped3A_726 = tpu.sem_alloc : memref<!tpu.dma_semaphore, #tpu.memory_space<semaphore_mem>>
      %dma_start3A_727 = arith.constant 0 : i32
      %dma_start3A_728 = arith.constant 0 : i32
      %dma_start3A_729 = tpu.memref_slice %arg9[%run_scoped3A_724, %dma_start3A_727, %dma_start3A_728] : memref<6x128x128xf32, #tpu.memory_space<vmem>> -> memref<1x128x128xf32, #tpu.memory_space<vmem>>
      %dma_start3A_730 = tpu.memref_squeeze %dma_start3A_729 : memref<1x128x128xf32, #tpu.memory_space<vmem>> -> memref<128x128xf32, #tpu.memory_space<vmem>>
      %dma_start3A_731 = arith.constant 0 : i32
      %dma_start3A_732 = tpu.memref_slice %arg7[%run_scoped3A_725, %mul3A_723, %dma_start3A_731] : memref<13x4096x128xf32, #tpu.memory_space<hbm>> -> memref<1x128x128xf32, #tpu.memory_space<hbm>>
      %dma_start3A_733 = tpu.memref_squeeze %dma_start3A_732 : memref<1x128x128xf32, #tpu.memory_space<hbm>> -> memref<128x128xf32, #tpu.memory_space<hbm>>
      %dma_start3A_734 = arith.constant 0 : i32
      %dma_start3A_735 = tpu.memref_slice %arg7[%run_scoped3A_725, %mul3A_723, %dma_start3A_734] : memref<13x4096x128xf32, #tpu.memory_space<hbm>> -> memref<1x128x128xf32, #tpu.memory_space<hbm>>
      %dma_start3A_736 = tpu.memref_squeeze %dma_start3A_735 : memref<1x128x128xf32, #tpu.memory_space<hbm>> -> memref<128x128xf32, #tpu.memory_space<hbm>>
      %dma_start3A_737 = arith.constant 0 : i32
      %dma_start3A_738 = arith.constant 0 : i32
      %dma_start3A_739 = tpu.memref_slice %arg9[%run_scoped3A_724, %dma_start3A_737, %dma_start3A_738] : memref<6x128x128xf32, #tpu.memory_space<vmem>> -> memref<1x128x128xf32, #tpu.memory_space<vmem>>
      %dma_start3A_740 = tpu.memref_squeeze %dma_start3A_739 : memref<1x128x128xf32, #tpu.memory_space<vmem>> -> memref<128x128xf32, #tpu.memory_space<vmem>>
      tpu.enqueue_dma source(%dma_start3A_740 : memref<128x128xf32, #tpu.memory_space<vmem>>) target(%dma_start3A_736 : memref<128x128xf32, #tpu.memory_space<hbm>>) target_semaphore(%run_scoped3A_726 : memref<!tpu.dma_semaphore, #tpu.memory_space<semaphore_mem>>)
      %dma_wait3A_741 = arith.constant 0 : i32
      %dma_wait3A_742 = arith.constant 0 : i32
      %dma_wait3A_743 = tpu.memref_slice %arg9[%run_scoped3A_724, %dma_wait3A_741, %dma_wait3A_742] : memref<6x128x128xf32, #tpu.memory_space<vmem>> -> memref<1x128x128xf32, #tpu.memory_space<vmem>>
      %dma_wait3A_744 = tpu.memref_squeeze %dma_wait3A_743 : memref<1x128x128xf32, #tpu.memory_space<vmem>> -> memref<128x128xf32, #tpu.memory_space<vmem>>
      %dma_wait3A_745 = arith.constant 0 : i32
      %dma_wait3A_746 = tpu.memref_slice %arg7[%run_scoped3A_725, %mul3A_723, %dma_wait3A_745] : memref<13x4096x128xf32, #tpu.memory_space<hbm>> -> memref<1x128x128xf32, #tpu.memory_space<hbm>>
      %dma_wait3A_747 = tpu.memref_squeeze %dma_wait3A_746 : memref<1x128x128xf32, #tpu.memory_space<hbm>> -> memref<128x128xf32, #tpu.memory_space<hbm>>
      %dma_wait3A_748 = arith.constant 0 : i32
      %dma_wait3A_749 = tpu.memref_slice %arg7[%run_scoped3A_725, %mul3A_723, %dma_wait3A_748] : memref<13x4096x128xf32, #tpu.memory_space<hbm>> -> memref<1x128x128xf32, #tpu.memory_space<hbm>>
      %dma_wait3A_750 = tpu.memref_squeeze %dma_wait3A_749 : memref<1x128x128xf32, #tpu.memory_space<hbm>> -> memref<128x128xf32, #tpu.memory_space<hbm>>
      %dma_wait3A_751 = arith.constant 0 : i32
      %dma_wait3A_752 = arith.constant 0 : i32
      %dma_wait3A_753 = tpu.memref_slice %arg9[%run_scoped3A_724, %dma_wait3A_751, %dma_wait3A_752] : memref<6x128x128xf32, #tpu.memory_space<vmem>> -> memref<1x128x128xf32, #tpu.memory_space<vmem>>
      %dma_wait3A_754 = tpu.memref_squeeze %dma_wait3A_753 : memref<1x128x128xf32, #tpu.memory_space<vmem>> -> memref<128x128xf32, #tpu.memory_space<vmem>>
      tpu.wait_dma2 semaphore(%run_scoped3A_726 : memref<!tpu.dma_semaphore, #tpu.memory_space<semaphore_mem>>) src(%dma_wait3A_754 : memref<128x128xf32, #tpu.memory_space<vmem>>) dst(%dma_wait3A_750 : memref<128x128xf32, #tpu.memory_space<hbm>>)
      tpu.yield
    }) : () -> ()
    return
  }
}

module attributes {stable_mosaic.version = 14 : i64} {
  func.func @_cv_body(%arg0: i32, %arg1: memref<64x4096xf32, #tpu.memory_space<vmem>>, %arg2: memref<4096xf32, #tpu.memory_space<vmem>>, %arg3: memref<4096x128xf32, #tpu.memory_space<vmem>>) attributes {dimension_semantics = [#tpu.dimension_semantics<arbitrary>], iteration_bounds = array<i64: 318>, scalar_prefetch = 0 : i64, scratch_operands = 0 : i64, tpu.core_type = #tpu.core_type<tc>, window_params = [{transform_indices = @transform_0, window_bounds = array<i64: 64, 4096>}, {transform_indices = @transform_1, window_bounds = array<i64: 4096>}, {transform_indices = @transform_2, window_bounds = array<i64: 4096, 128>}]} {
    %get3A = arith.constant 0 : index
    %get3A_0 = arith.constant 0 : index
    %get3A_1 = vector.load %arg1[%get3A, %get3A_0] : memref<64x4096xf32, #tpu.memory_space<vmem>>, vector<64x4096xf32>
    %transpose3A = tpu.transpose %get3A_1, [1, 0] : vector<64x4096xf32> -> vector<4096x64xf32>
    %get3A_2 = arith.constant 0 : index
    %get3A_3 = vector.load %arg2[%get3A_2] : memref<4096xf32, #tpu.memory_space<vmem>>, vector<4096xf32>
    %reshape3A = vector.shape_cast %get3A_3 : vector<4096xf32> to vector<4096x1xf32>
    %broadcast_in_dim3A = arith.constant 0.000000e+00 : f32
    %broadcast_in_dim3A_4 = vector.broadcast %broadcast_in_dim3A : f32 to vector<4096x63xf32>
    %concatenate3A = tpu.concatenate %transpose3A, %reshape3A, %broadcast_in_dim3A_4 in 1 : vector<4096x64xf32>, vector<4096x1xf32>, vector<4096x63xf32> -> vector<4096x128xf32>
    %swap3A = arith.constant 0 : index
    %swap3A_5 = arith.constant 0 : index
    %swap3A_6 = vector.load %arg3[%swap3A, %swap3A_5] : memref<4096x128xf32, #tpu.memory_space<vmem>>, vector<4096x128xf32>
    tpu.vector_store %arg3[%swap3A, %swap3A_5], %concatenate3A {strides = array<i32>} : memref<4096x128xf32, #tpu.memory_space<vmem>>, vector<4096x128xf32>,
    return
  }
  func.func @transform_0(%arg0: i32) -> (i32, i32) {
    %c0_i32 = arith.constant 0 : i32
    %c0_i32_0 = arith.constant 0 : i32
    return %c0_i32, %arg0 : i32, i32
  }
  func.func @transform_1(%arg0: i32) -> i32 {
    %c0_i32 = arith.constant 0 : i32
    return %arg0 : i32
  }
  func.func @transform_2(%arg0: i32) -> (i32, i32) {
    %c0_i32 = arith.constant 0 : i32
    %c0_i32_0 = arith.constant 0 : i32
    return %arg0, %c0_i32 : i32, i32
  }
}

module attributes {stable_mosaic.version = 14 : i64} {
  func.func @_tc_body(%arg0: i32, %arg1: memref<13x512x128xf32, #tpu.memory_space<vmem>>, %arg2: memref<13x512x128xf32, #tpu.memory_space<vmem>>, %arg3: memref<1664x256xf32, #tpu.memory_space<vmem>>, %arg4: memref<1664x256xf32, #tpu.memory_space<vmem>>, %arg5: memref<1x256xf32, #tpu.memory_space<vmem>>, %arg6: memref<1x256xf32, #tpu.memory_space<vmem>>, %arg7: memref<256x128xf32, #tpu.memory_space<vmem>>, %arg8: memref<1x128xf32, #tpu.memory_space<vmem>>, %arg9: memref<1x128xf32, #tpu.memory_space<vmem>>, %arg10: memref<128x1xf32, #tpu.memory_space<vmem>>, %arg11: memref<1x1xf32, #tpu.memory_space<vmem>>, %arg12: memref<512x1xf32, #tpu.memory_space<vmem>>) attributes {dimension_semantics = [#tpu.dimension_semantics<arbitrary>], iteration_bounds = array<i64: 8>, scalar_prefetch = 0 : i64, scratch_operands = 0 : i64, tpu.core_type = #tpu.core_type<tc>, window_params = [{transform_indices = @transform_0, window_bounds = array<i64: 13, 512, 128>}, {transform_indices = @transform_1, window_bounds = array<i64: 13, 512, 128>}, {pipeline_mode = #tpu.pipeline_mode<synchronous>, transform_indices = @transform_2, window_bounds = array<i64: 1664, 256>}, {pipeline_mode = #tpu.pipeline_mode<synchronous>, transform_indices = @transform_3, window_bounds = array<i64: 1664, 256>}, {pipeline_mode = #tpu.pipeline_mode<synchronous>, transform_indices = @transform_4, window_bounds = array<i64: 1, 256>}, {pipeline_mode = #tpu.pipeline_mode<synchronous>, transform_indices = @transform_5, window_bounds = array<i64: 1, 256>}, {pipeline_mode = #tpu.pipeline_mode<synchronous>, transform_indices = @transform_6, window_bounds = array<i64: 256, 128>}, {pipeline_mode = #tpu.pipeline_mode<synchronous>, transform_indices = @transform_7, window_bounds = array<i64: 1, 128>}, {pipeline_mode = #tpu.pipeline_mode<synchronous>, transform_indices = @transform_8, window_bounds = array<i64: 1, 128>}, {pipeline_mode = #tpu.pipeline_mode<synchronous>, transform_indices = @transform_9, window_bounds = array<i64: 128, 1>}, {pipeline_mode = #tpu.pipeline_mode<synchronous>, transform_indices = @transform_10, window_bounds = array<i64: 1, 1>}, {transform_indices = @transform_11, window_bounds = array<i64: 512, 1>}]} {
    %get3A = arith.constant 0 : index
    %get3A_0 = arith.constant 0 : index
    %get3A_1 = arith.constant 0 : index
    %get3A_2 = vector.load %arg1[%get3A, %get3A_0, %get3A_1] : memref<13x512x128xf32, #tpu.memory_space<vmem>>, vector<1x512x128xf32>
    %get3A_3 = vector.shape_cast %get3A_2 : vector<1x512x128xf32> to vector<512x128xf32>
    %get3A_4 = arith.constant 1 : index
    %get3A_5 = arith.constant 0 : index
    %get3A_6 = arith.constant 0 : index
    %get3A_7 = vector.load %arg1[%get3A_4, %get3A_5, %get3A_6] : memref<13x512x128xf32, #tpu.memory_space<vmem>>, vector<1x512x128xf32>
    %get3A_8 = vector.shape_cast %get3A_7 : vector<1x512x128xf32> to vector<512x128xf32>
    %get3A_9 = arith.constant 2 : index
    %get3A_10 = arith.constant 0 : index
    %get3A_11 = arith.constant 0 : index
    %get3A_12 = vector.load %arg1[%get3A_9, %get3A_10, %get3A_11] : memref<13x512x128xf32, #tpu.memory_space<vmem>>, vector<1x512x128xf32>
    %get3A_13 = vector.shape_cast %get3A_12 : vector<1x512x128xf32> to vector<512x128xf32>
    %get3A_14 = arith.constant 3 : index
    %get3A_15 = arith.constant 0 : index
    %get3A_16 = arith.constant 0 : index
    %get3A_17 = vector.load %arg1[%get3A_14, %get3A_15, %get3A_16] : memref<13x512x128xf32, #tpu.memory_space<vmem>>, vector<1x512x128xf32>
    %get3A_18 = vector.shape_cast %get3A_17 : vector<1x512x128xf32> to vector<512x128xf32>
    %get3A_19 = arith.constant 4 : index
    %get3A_20 = arith.constant 0 : index
    %get3A_21 = arith.constant 0 : index
    %get3A_22 = vector.load %arg1[%get3A_19, %get3A_20, %get3A_21] : memref<13x512x128xf32, #tpu.memory_space<vmem>>, vector<1x512x128xf32>
    %get3A_23 = vector.shape_cast %get3A_22 : vector<1x512x128xf32> to vector<512x128xf32>
    %get3A_24 = arith.constant 5 : index
    %get3A_25 = arith.constant 0 : index
    %get3A_26 = arith.constant 0 : index
    %get3A_27 = vector.load %arg1[%get3A_24, %get3A_25, %get3A_26] : memref<13x512x128xf32, #tpu.memory_space<vmem>>, vector<1x512x128xf32>
    %get3A_28 = vector.shape_cast %get3A_27 : vector<1x512x128xf32> to vector<512x128xf32>
    %get3A_29 = arith.constant 6 : index
    %get3A_30 = arith.constant 0 : index
    %get3A_31 = arith.constant 0 : index
    %get3A_32 = vector.load %arg1[%get3A_29, %get3A_30, %get3A_31] : memref<13x512x128xf32, #tpu.memory_space<vmem>>, vector<1x512x128xf32>
    %get3A_33 = vector.shape_cast %get3A_32 : vector<1x512x128xf32> to vector<512x128xf32>
    %get3A_34 = arith.constant 7 : index
    %get3A_35 = arith.constant 0 : index
    %get3A_36 = arith.constant 0 : index
    %get3A_37 = vector.load %arg1[%get3A_34, %get3A_35, %get3A_36] : memref<13x512x128xf32, #tpu.memory_space<vmem>>, vector<1x512x128xf32>
    %get3A_38 = vector.shape_cast %get3A_37 : vector<1x512x128xf32> to vector<512x128xf32>
    %get3A_39 = arith.constant 8 : index
    %get3A_40 = arith.constant 0 : index
    %get3A_41 = arith.constant 0 : index
    %get3A_42 = vector.load %arg1[%get3A_39, %get3A_40, %get3A_41] : memref<13x512x128xf32, #tpu.memory_space<vmem>>, vector<1x512x128xf32>
    %get3A_43 = vector.shape_cast %get3A_42 : vector<1x512x128xf32> to vector<512x128xf32>
    %get3A_44 = arith.constant 9 : index
    %get3A_45 = arith.constant 0 : index
    %get3A_46 = arith.constant 0 : index
    %get3A_47 = vector.load %arg1[%get3A_44, %get3A_45, %get3A_46] : memref<13x512x128xf32, #tpu.memory_space<vmem>>, vector<1x512x128xf32>
    %get3A_48 = vector.shape_cast %get3A_47 : vector<1x512x128xf32> to vector<512x128xf32>
    %get3A_49 = arith.constant 10 : index
    %get3A_50 = arith.constant 0 : index
    %get3A_51 = arith.constant 0 : index
    %get3A_52 = vector.load %arg1[%get3A_49, %get3A_50, %get3A_51] : memref<13x512x128xf32, #tpu.memory_space<vmem>>, vector<1x512x128xf32>
    %get3A_53 = vector.shape_cast %get3A_52 : vector<1x512x128xf32> to vector<512x128xf32>
    %get3A_54 = arith.constant 11 : index
    %get3A_55 = arith.constant 0 : index
    %get3A_56 = arith.constant 0 : index
    %get3A_57 = vector.load %arg1[%get3A_54, %get3A_55, %get3A_56] : memref<13x512x128xf32, #tpu.memory_space<vmem>>, vector<1x512x128xf32>
    %get3A_58 = vector.shape_cast %get3A_57 : vector<1x512x128xf32> to vector<512x128xf32>
    %get3A_59 = arith.constant 12 : index
    %get3A_60 = arith.constant 0 : index
    %get3A_61 = arith.constant 0 : index
    %get3A_62 = vector.load %arg1[%get3A_59, %get3A_60, %get3A_61] : memref<13x512x128xf32, #tpu.memory_space<vmem>>, vector<1x512x128xf32>
    %get3A_63 = vector.shape_cast %get3A_62 : vector<1x512x128xf32> to vector<512x128xf32>
    %get3A_64 = arith.constant 0 : index
    %get3A_65 = arith.constant 0 : index
    %get3A_66 = arith.constant 0 : index
    %get3A_67 = vector.load %arg2[%get3A_64, %get3A_65, %get3A_66] : memref<13x512x128xf32, #tpu.memory_space<vmem>>, vector<1x512x128xf32>
    %get3A_68 = vector.shape_cast %get3A_67 : vector<1x512x128xf32> to vector<512x128xf32>
    %get3A_69 = arith.constant 1 : index
    %get3A_70 = arith.constant 0 : index
    %get3A_71 = arith.constant 0 : index
    %get3A_72 = vector.load %arg2[%get3A_69, %get3A_70, %get3A_71] : memref<13x512x128xf32, #tpu.memory_space<vmem>>, vector<1x512x128xf32>
    %get3A_73 = vector.shape_cast %get3A_72 : vector<1x512x128xf32> to vector<512x128xf32>
    %get3A_74 = arith.constant 2 : index
    %get3A_75 = arith.constant 0 : index
    %get3A_76 = arith.constant 0 : index
    %get3A_77 = vector.load %arg2[%get3A_74, %get3A_75, %get3A_76] : memref<13x512x128xf32, #tpu.memory_space<vmem>>, vector<1x512x128xf32>
    %get3A_78 = vector.shape_cast %get3A_77 : vector<1x512x128xf32> to vector<512x128xf32>
    %get3A_79 = arith.constant 3 : index
    %get3A_80 = arith.constant 0 : index
    %get3A_81 = arith.constant 0 : index
    %get3A_82 = vector.load %arg2[%get3A_79, %get3A_80, %get3A_81] : memref<13x512x128xf32, #tpu.memory_space<vmem>>, vector<1x512x128xf32>
    %get3A_83 = vector.shape_cast %get3A_82 : vector<1x512x128xf32> to vector<512x128xf32>
    %get3A_84 = arith.constant 4 : index
    %get3A_85 = arith.constant 0 : index
    %get3A_86 = arith.constant 0 : index
    %get3A_87 = vector.load %arg2[%get3A_84, %get3A_85, %get3A_86] : memref<13x512x128xf32, #tpu.memory_space<vmem>>, vector<1x512x128xf32>
    %get3A_88 = vector.shape_cast %get3A_87 : vector<1x512x128xf32> to vector<512x128xf32>
    %get3A_89 = arith.constant 5 : index
    %get3A_90 = arith.constant 0 : index
    %get3A_91 = arith.constant 0 : index
    %get3A_92 = vector.load %arg2[%get3A_89, %get3A_90, %get3A_91] : memref<13x512x128xf32, #tpu.memory_space<vmem>>, vector<1x512x128xf32>
    %get3A_93 = vector.shape_cast %get3A_92 : vector<1x512x128xf32> to vector<512x128xf32>
    %get3A_94 = arith.constant 6 : index
    %get3A_95 = arith.constant 0 : index
    %get3A_96 = arith.constant 0 : index
    %get3A_97 = vector.load %arg2[%get3A_94, %get3A_95, %get3A_96] : memref<13x512x128xf32, #tpu.memory_space<vmem>>, vector<1x512x128xf32>
    %get3A_98 = vector.shape_cast %get3A_97 : vector<1x512x128xf32> to vector<512x128xf32>
    %get3A_99 = arith.constant 7 : index
    %get3A_100 = arith.constant 0 : index
    %get3A_101 = arith.constant 0 : index
    %get3A_102 = vector.load %arg2[%get3A_99, %get3A_100, %get3A_101] : memref<13x512x128xf32, #tpu.memory_space<vmem>>, vector<1x512x128xf32>
    %get3A_103 = vector.shape_cast %get3A_102 : vector<1x512x128xf32> to vector<512x128xf32>
    %get3A_104 = arith.constant 8 : index
    %get3A_105 = arith.constant 0 : index
    %get3A_106 = arith.constant 0 : index
    %get3A_107 = vector.load %arg2[%get3A_104, %get3A_105, %get3A_106] : memref<13x512x128xf32, #tpu.memory_space<vmem>>, vector<1x512x128xf32>
    %get3A_108 = vector.shape_cast %get3A_107 : vector<1x512x128xf32> to vector<512x128xf32>
    %get3A_109 = arith.constant 9 : index
    %get3A_110 = arith.constant 0 : index
    %get3A_111 = arith.constant 0 : index
    %get3A_112 = vector.load %arg2[%get3A_109, %get3A_110, %get3A_111] : memref<13x512x128xf32, #tpu.memory_space<vmem>>, vector<1x512x128xf32>
    %get3A_113 = vector.shape_cast %get3A_112 : vector<1x512x128xf32> to vector<512x128xf32>
    %get3A_114 = arith.constant 10 : index
    %get3A_115 = arith.constant 0 : index
    %get3A_116 = arith.constant 0 : index
    %get3A_117 = vector.load %arg2[%get3A_114, %get3A_115, %get3A_116] : memref<13x512x128xf32, #tpu.memory_space<vmem>>, vector<1x512x128xf32>
    %get3A_118 = vector.shape_cast %get3A_117 : vector<1x512x128xf32> to vector<512x128xf32>
    %get3A_119 = arith.constant 11 : index
    %get3A_120 = arith.constant 0 : index
    %get3A_121 = arith.constant 0 : index
    %get3A_122 = vector.load %arg2[%get3A_119, %get3A_120, %get3A_121] : memref<13x512x128xf32, #tpu.memory_space<vmem>>, vector<1x512x128xf32>
    %get3A_123 = vector.shape_cast %get3A_122 : vector<1x512x128xf32> to vector<512x128xf32>
    %get3A_124 = arith.constant 12 : index
    %get3A_125 = arith.constant 0 : index
    %get3A_126 = arith.constant 0 : index
    %get3A_127 = vector.load %arg2[%get3A_124, %get3A_125, %get3A_126] : memref<13x512x128xf32, #tpu.memory_space<vmem>>, vector<1x512x128xf32>
    %get3A_128 = vector.shape_cast %get3A_127 : vector<1x512x128xf32> to vector<512x128xf32>
    %concatenate3A = tpu.concatenate %get3A_3, %get3A_8, %get3A_13, %get3A_18, %get3A_23, %get3A_28, %get3A_33, %get3A_38, %get3A_43, %get3A_48, %get3A_53, %get3A_58, %get3A_63 in 1 : vector<512x128xf32>, vector<512x128xf32>, vector<512x128xf32>, vector<512x128xf32>, vector<512x128xf32>, vector<512x128xf32>, vector<512x128xf32>, vector<512x128xf32>, vector<512x128xf32>, vector<512x128xf32>, vector<512x128xf32>, vector<512x128xf32>, vector<512x128xf32> -> vector<512x1664xf32>
    %concatenate3A_129 = tpu.concatenate %get3A_68, %get3A_73, %get3A_78, %get3A_83, %get3A_88, %get3A_93, %get3A_98, %get3A_103, %get3A_108, %get3A_113, %get3A_118, %get3A_123, %get3A_128 in 1 : vector<512x128xf32>, vector<512x128xf32>, vector<512x128xf32>, vector<512x128xf32>, vector<512x128xf32>, vector<512x128xf32>, vector<512x128xf32>, vector<512x128xf32>, vector<512x128xf32>, vector<512x128xf32>, vector<512x128xf32>, vector<512x128xf32>, vector<512x128xf32> -> vector<512x1664xf32>
    %iota3A = tpu.iota {dimensions = array<i32: 1>} : vector<512x1664xi32>
    %and3A = arith.constant 127 : i32
    %and3A_130 = vector.broadcast %and3A : i32 to vector<512x1664xi32>
    %and3A_131 = arith.andi %iota3A, %and3A_130 : vector<512x1664xi32>
    %lt3A = arith.constant 64 : i32
    %lt3A_132 = vector.broadcast %lt3A : i32 to vector<512x1664xi32>
    %lt3A_133 = arith.cmpi slt, %and3A_131, %lt3A_132 : vector<512x1664xi32>
    %jit3A = arith.constant 0.000000e+00 : f32
    %broadcast_in_dim3A = vector.broadcast %jit3A : f32 to vector<512x1664xf32>
    %select_n3A = arith.select %lt3A_133, %concatenate3A, %broadcast_in_dim3A : vector<512x1664xi1>, vector<512x1664xf32>
    %jit3A_134 = arith.constant 0.000000e+00 : f32
    %broadcast_in_dim3A_135 = vector.broadcast %jit3A_134 : f32 to vector<512x1664xf32>
    %select_n3A_136 = arith.select %lt3A_133, %concatenate3A_129, %broadcast_in_dim3A_135 : vector<512x1664xi1>, vector<512x1664xf32>
    %get3A_137 = arith.constant 0 : index
    %get3A_138 = arith.constant 0 : index
    %get3A_139 = vector.load %arg3[%get3A_137, %get3A_138] : memref<1664x256xf32, #tpu.memory_space<vmem>>, vector<1664x256xf32>
    %dot_general3A = arith.constant dense<0.000000e+00> : vector<512x256xf32>
    %dot_general3A_140 = tpu.matmul %select_n3A, %get3A_139, %dot_general3A {dimension_numbers = #tpu.dot_dimension_numbers<[1], [0], [0], [1], [0, 0, 1, 1], [], []>, transpose_lhs_hint = false} : vector<512x1664xf32>, vector<1664x256xf32>, vector<512x256xf32> -> vector<512x256xf32>
    %get3A_141 = arith.constant 0 : index
    %get3A_142 = arith.constant 0 : index
    %get3A_143 = vector.load %arg4[%get3A_141, %get3A_142] : memref<1664x256xf32, #tpu.memory_space<vmem>>, vector<1664x256xf32>
    %dot_general3A_144 = arith.constant dense<0.000000e+00> : vector<512x256xf32>
    %dot_general3A_145 = tpu.matmul %select_n3A_136, %get3A_143, %dot_general3A_144 {dimension_numbers = #tpu.dot_dimension_numbers<[1], [0], [0], [1], [0, 0, 1, 1], [], []>, transpose_lhs_hint = false} : vector<512x1664xf32>, vector<1664x256xf32>, vector<512x256xf32> -> vector<512x256xf32>
    %add3A = arith.addf %dot_general3A_140, %dot_general3A_145 : vector<512x256xf32>
    %get3A_146 = arith.constant 0 : index
    %get3A_147 = arith.constant 0 : index
    %get3A_148 = vector.load %arg5[%get3A_146, %get3A_147] : memref<1x256xf32, #tpu.memory_space<vmem>>, vector<1x256xf32>
    %mul3A = vector.broadcast %get3A_148 : vector<1x256xf32> to vector<512x256xf32>
    %mul3A_149 = arith.mulf %add3A, %mul3A : vector<512x256xf32>
    %get3A_150 = arith.constant 0 : index
    %get3A_151 = arith.constant 0 : index
    %get3A_152 = vector.load %arg6[%get3A_150, %get3A_151] : memref<1x256xf32, #tpu.memory_space<vmem>>, vector<1x256xf32>
    %add3A_153 = vector.broadcast %get3A_152 : vector<1x256xf32> to vector<512x256xf32>
    %add3A_154 = arith.addf %mul3A_149, %add3A_153 : vector<512x256xf32>
    %max3A = arith.constant 0.000000e+00 : f32
    %max3A_155 = vector.broadcast %max3A : f32 to vector<512x256xf32>
    %max3A_156 = arith.maximumf %add3A_154, %max3A_155 : vector<512x256xf32>
    %get3A_157 = arith.constant 0 : index
    %get3A_158 = arith.constant 0 : index
    %get3A_159 = vector.load %arg7[%get3A_157, %get3A_158] : memref<256x128xf32, #tpu.memory_space<vmem>>, vector<256x128xf32>
    %dot_general3A_160 = arith.constant dense<0.000000e+00> : vector<512x128xf32>
    %dot_general3A_161 = tpu.matmul %max3A_156, %get3A_159, %dot_general3A_160 {dimension_numbers = #tpu.dot_dimension_numbers<[1], [0], [0], [1], [0, 0, 1, 1], [], []>, transpose_lhs_hint = false} : vector<512x256xf32>, vector<256x128xf32>, vector<512x128xf32> -> vector<512x128xf32>
    %get3A_162 = arith.constant 0 : index
    %get3A_163 = arith.constant 0 : index
    %get3A_164 = vector.load %arg8[%get3A_162, %get3A_163] : memref<1x128xf32, #tpu.memory_space<vmem>>, vector<1x128xf32>
    %mul3A_165 = vector.broadcast %get3A_164 : vector<1x128xf32> to vector<512x128xf32>
    %mul3A_166 = arith.mulf %dot_general3A_161, %mul3A_165 : vector<512x128xf32>
    %get3A_167 = arith.constant 0 : index
    %get3A_168 = arith.constant 0 : index
    %get3A_169 = vector.load %arg9[%get3A_167, %get3A_168] : memref<1x128xf32, #tpu.memory_space<vmem>>, vector<1x128xf32>
    %add3A_170 = vector.broadcast %get3A_169 : vector<1x128xf32> to vector<512x128xf32>
    %add3A_171 = arith.addf %mul3A_166, %add3A_170 : vector<512x128xf32>
    %max3A_172 = arith.constant 0.000000e+00 : f32
    %max3A_173 = vector.broadcast %max3A_172 : f32 to vector<512x128xf32>
    %max3A_174 = arith.maximumf %add3A_171, %max3A_173 : vector<512x128xf32>
    %get3A_175 = arith.constant 0 : index
    %get3A_176 = arith.constant 0 : index
    %get3A_177 = vector.load %arg10[%get3A_175, %get3A_176] : memref<128x1xf32, #tpu.memory_space<vmem>>, vector<128x1xf32>
    %dot_general3A_178 = arith.constant dense<0.000000e+00> : vector<512x1xf32>
    %dot_general3A_179 = tpu.matmul %max3A_174, %get3A_177, %dot_general3A_178 {dimension_numbers = #tpu.dot_dimension_numbers<[1], [0], [0], [1], [0, 0, 1, 1], [], []>, transpose_lhs_hint = false} : vector<512x128xf32>, vector<128x1xf32>, vector<512x1xf32> -> vector<512x1xf32>
    %add3A_180 = arith.addf %get3A_3, %get3A_8 : vector<512x128xf32>
    %add3A_181 = arith.addf %add3A_180, %get3A_13 : vector<512x128xf32>
    %add3A_182 = arith.addf %add3A_181, %get3A_18 : vector<512x128xf32>
    %add3A_183 = arith.addf %add3A_182, %get3A_23 : vector<512x128xf32>
    %add3A_184 = arith.addf %add3A_183, %get3A_28 : vector<512x128xf32>
    %add3A_185 = arith.addf %add3A_184, %get3A_33 : vector<512x128xf32>
    %add3A_186 = arith.addf %add3A_185, %get3A_38 : vector<512x128xf32>
    %add3A_187 = arith.addf %add3A_186, %get3A_43 : vector<512x128xf32>
    %add3A_188 = arith.addf %add3A_187, %get3A_48 : vector<512x128xf32>
    %add3A_189 = arith.addf %add3A_188, %get3A_53 : vector<512x128xf32>
    %add3A_190 = arith.addf %add3A_189, %get3A_58 : vector<512x128xf32>
    %add3A_191 = arith.addf %add3A_190, %get3A_63 : vector<512x128xf32>
    %add3A_192 = arith.addf %add3A_191, %get3A_68 : vector<512x128xf32>
    %add3A_193 = arith.addf %add3A_192, %get3A_73 : vector<512x128xf32>
    %add3A_194 = arith.addf %add3A_193, %get3A_78 : vector<512x128xf32>
    %add3A_195 = arith.addf %add3A_194, %get3A_83 : vector<512x128xf32>
    %add3A_196 = arith.addf %add3A_195, %get3A_88 : vector<512x128xf32>
    %add3A_197 = arith.addf %add3A_196, %get3A_93 : vector<512x128xf32>
    %add3A_198 = arith.addf %add3A_197, %get3A_98 : vector<512x128xf32>
    %add3A_199 = arith.addf %add3A_198, %get3A_103 : vector<512x128xf32>
    %add3A_200 = arith.addf %add3A_199, %get3A_108 : vector<512x128xf32>
    %add3A_201 = arith.addf %add3A_200, %get3A_113 : vector<512x128xf32>
    %add3A_202 = arith.addf %add3A_201, %get3A_118 : vector<512x128xf32>
    %add3A_203 = arith.addf %add3A_202, %get3A_123 : vector<512x128xf32>
    %add3A_204 = arith.addf %add3A_203, %get3A_128 : vector<512x128xf32>
    %slice3A = vector.extract_strided_slice %add3A_204 {offsets = [0, 0], sizes = [512, 64], strides = [1, 1]} : vector<512x128xf32> to vector<512x64xf32>
    %slice3A_205 = vector.extract_strided_slice %add3A_204 {offsets = [0, 64], sizes = [512, 1], strides = [1, 1]} : vector<512x128xf32> to vector<512x1xf32>
    %mul3A_206 = arith.mulf %slice3A, %slice3A : vector<512x64xf32>
    %reduce_sum3A = arith.constant dense<0.000000e+00> : vector<512xf32>
    %reduce_sum3A_207 = vector.multi_reduction <add>, %mul3A_206, %reduce_sum3A [1] : vector<512x64xf32> to vector<512xf32>
    %broadcast_in_dim3A_208 = vector.shape_cast %reduce_sum3A_207 : vector<512xf32> to vector<512x1xf32>
    %mul3A_209 = arith.mulf %select_n3A, %select_n3A : vector<512x1664xf32>
    %reduce_sum3A_210 = arith.constant dense<0.000000e+00> : vector<512xf32>
    %reduce_sum3A_211 = vector.multi_reduction <add>, %mul3A_209, %reduce_sum3A_210 [1] : vector<512x1664xf32> to vector<512xf32>
    %broadcast_in_dim3A_212 = vector.shape_cast %reduce_sum3A_211 : vector<512xf32> to vector<512x1xf32>
    %sub3A = arith.subf %broadcast_in_dim3A_208, %broadcast_in_dim3A_212 : vector<512x1xf32>
    %mul3A_213 = arith.mulf %select_n3A_136, %select_n3A_136 : vector<512x1664xf32>
    %reduce_sum3A_214 = arith.constant dense<0.000000e+00> : vector<512xf32>
    %reduce_sum3A_215 = vector.multi_reduction <add>, %mul3A_213, %reduce_sum3A_214 [1] : vector<512x1664xf32> to vector<512xf32>
    %broadcast_in_dim3A_216 = vector.shape_cast %reduce_sum3A_215 : vector<512xf32> to vector<512x1xf32>
    %sub3A_217 = arith.subf %sub3A, %broadcast_in_dim3A_216 : vector<512x1xf32>
    %mul3A_218 = arith.constant 5.000000e-01 : f32
    %mul3A_219 = vector.broadcast %mul3A_218 : f32 to vector<512x1xf32>
    %mul3A_220 = arith.mulf %mul3A_219, %sub3A_217 : vector<512x1xf32>
    %add3A_221 = arith.addf %slice3A_205, %mul3A_220 : vector<512x1xf32>
    %add3A_222 = arith.addf %add3A_221, %dot_general3A_179 : vector<512x1xf32>
    %get3A_223 = arith.constant 0 : index
    %get3A_224 = arith.constant 0 : index
    %get3A_225 = vector.load %arg11[%get3A_223, %get3A_224] : memref<1x1xf32, #tpu.memory_space<vmem>>, vector<1x1xf32>
    %add3A_226 = vector.broadcast %get3A_225 : vector<1x1xf32> to vector<512x1xf32>
    %add3A_227 = arith.addf %add3A_222, %add3A_226 : vector<512x1xf32>
    %logistic3A = arith.negf %add3A_227 : vector<512x1xf32>
    %logistic3A_228 = math.exp %logistic3A : vector<512x1xf32>
    %logistic3A_229 = arith.constant 1.000000e+00 : f32
    %logistic3A_230 = vector.broadcast %logistic3A_229 : f32 to vector<512x1xf32>
    %logistic3A_231 = arith.addf %logistic3A_230, %logistic3A_228 : vector<512x1xf32>
    %logistic3A_232 = arith.divf %logistic3A_230, %logistic3A_231 : vector<512x1xf32>
    %swap3A = arith.constant 0 : index
    %swap3A_233 = arith.constant 0 : index
    %swap3A_234 = vector.load %arg12[%swap3A, %swap3A_233] : memref<512x1xf32, #tpu.memory_space<vmem>>, vector<512x1xf32>
    tpu.vector_store %arg12[%swap3A, %swap3A_233], %logistic3A_232 {strides = array<i32>} : memref<512x1xf32, #tpu.memory_space<vmem>>, vector<512x1xf32>,
    return
  }
  func.func @transform_0(%arg0: i32) -> (i32, i32, i32) {
    %c0_i32 = arith.constant 0 : i32
    %c0_i32_0 = arith.constant 0 : i32
    %c0_i32_1 = arith.constant 0 : i32
    return %c0_i32, %arg0, %c0_i32_0 : i32, i32, i32
  }
  func.func @transform_1(%arg0: i32) -> (i32, i32, i32) {
    %c0_i32 = arith.constant 0 : i32
    %c0_i32_0 = arith.constant 0 : i32
    %c0_i32_1 = arith.constant 0 : i32
    return %c0_i32, %arg0, %c0_i32_0 : i32, i32, i32
  }
  func.func @transform_2(%arg0: i32) -> (i32, i32) {
    %c0_i32 = arith.constant 0 : i32
    %c0_i32_0 = arith.constant 0 : i32
    %c0_i32_1 = arith.constant 0 : i32
    return %c0_i32, %c0_i32_0 : i32, i32
  }
  func.func @transform_3(%arg0: i32) -> (i32, i32) {
    %c0_i32 = arith.constant 0 : i32
    %c0_i32_0 = arith.constant 0 : i32
    %c0_i32_1 = arith.constant 0 : i32
    return %c0_i32, %c0_i32_0 : i32, i32
  }
  func.func @transform_4(%arg0: i32) -> (i32, i32) {
    %c0_i32 = arith.constant 0 : i32
    %c0_i32_0 = arith.constant 0 : i32
    %c0_i32_1 = arith.constant 0 : i32
    return %c0_i32, %c0_i32_0 : i32, i32
  }
  func.func @transform_5(%arg0: i32) -> (i32, i32) {
    %c0_i32 = arith.constant 0 : i32
    %c0_i32_0 = arith.constant 0 : i32
    %c0_i32_1 = arith.constant 0 : i32
    return %c0_i32, %c0_i32_0 : i32, i32
  }
  func.func @transform_6(%arg0: i32) -> (i32, i32) {
    %c0_i32 = arith.constant 0 : i32
    %c0_i32_0 = arith.constant 0 : i32
    %c0_i32_1 = arith.constant 0 : i32
    return %c0_i32, %c0_i32_0 : i32, i32
  }
  func.func @transform_7(%arg0: i32) -> (i32, i32) {
    %c0_i32 = arith.constant 0 : i32
    %c0_i32_0 = arith.constant 0 : i32
    %c0_i32_1 = arith.constant 0 : i32
    return %c0_i32, %c0_i32_0 : i32, i32
  }
  func.func @transform_8(%arg0: i32) -> (i32, i32) {
    %c0_i32 = arith.constant 0 : i32
    %c0_i32_0 = arith.constant 0 : i32
    %c0_i32_1 = arith.constant 0 : i32
    return %c0_i32, %c0_i32_0 : i32, i32
  }
  func.func @transform_9(%arg0: i32) -> (i32, i32) {
    %c0_i32 = arith.constant 0 : i32
    %c0_i32_0 = arith.constant 0 : i32
    %c0_i32_1 = arith.constant 0 : i32
    return %c0_i32, %c0_i32_0 : i32, i32
  }
  func.func @transform_10(%arg0: i32) -> (i32, i32) {
    %c0_i32 = arith.constant 0 : i32
    %c0_i32_0 = arith.constant 0 : i32
    %c0_i32_1 = arith.constant 0 : i32
    return %c0_i32, %c0_i32_0 : i32, i32
  }
  func.func @transform_11(%arg0: i32) -> (i32, i32) {
    %c0_i32 = arith.constant 0 : i32
    %c0_i32_0 = arith.constant 0 : i32
    return %arg0, %c0_i32 : i32, i32
  }
}

</mosaic_0001>

<sc_bundles>
// kernel: kernel.6.cloned.1.call-start
scs
__scs_entry_jumppad:
0x0: {  	(pc) =	sbr.rel $0x88, $3  }
0x1: {  	(tag) =	ssettag $0x0;
	lr =	simm.s32 $0x1  }
0x2: {  	[smem:$0x3F91] =	sst lr;
	_ =	strace $0xD0000000  }
0x3: {  	_ = 	snop  }
0x4: {  	_ = 	snop  }
0x5: {  	_ = 	snop  }
0x6: {  	_ = 	snop  }
0x7: {  	_ = 	snop  }
__scs_overlays_trampoline_lowered:
0x8: {  	[smem:$0x3FA0] =	sst s0  }
0x9: {  	[smem:$0x3FA1] =	sst s1  }
0xa: {  	[smem:$0x3FA2] =	sst s2  }
0xb: {  	[smem:$0x3FA3] =	sst s3  }
0xc: {  	[smem:$0x3FA4] =	sst s4  }
0xd: {  	[smem:$0x3FA5] =	sst s5  }
0xe: {  	[smem:$0x3FA6] =	sst s6  }
0xf: {  	[smem:$0x3FA7] =	sst s7  }
0x10: {  	[smem:$0x3FA8] =	sst s8  }
0x11: {  	[smem:$0x3FA9] =	sst s9;
	s0 =	simm.s32 @!p0 $0x0  }
0x12: {  	s1 =	sld [smem:$0x3F8F];
	s0 =	simm.s32 @p0 $0x1  }
0x13: {  	[smem:$0x3FAA] =	sst s0;
	s0 =	simm.s32 @!p1 $0x0  }
0x14: {  	s2 =	sld [smem:$0x3F8E];
	s0 =	simm.s32 @p1 $0x1  }
0x15: {  	[smem:$0x3FAB] =	sst s0;
	s0 =	simm.s32 @!p2 $0x0  }
0x16: {  	s3 =	sld [smem:$0x3FDB];
	s0 =	simm.s32 @p2 $0x1  }
0x17: {  	s4 =	simm.s32 $0x1BF5;
	[smem:$0x3FAD] =	sst s0  }
0x18: {  	s0 =	sld [smem:$0x3F90];
	_ =	swait.ge [sflag:s4], $0x0  }
0x19: {  	s7 =	sld [smem:$0x3F91]  }
0x1a: {  	s8 =	sadd.s32 $0xFFFFE003, lr  }
0x1b: {  	s9 =	sadd.s32 $0xFFFFFEF7, lr;
	s5 =	simm.s32 $0xFFFFFFFF;
	p2 =	slt.u32 s8, $0xFFFFF086  }
0x1c: {  	p1 =	slt.u32 s9, $0xF7A;
	s5 =	simm.s32 @!p2 $0x0  }
0x1d: {  	s5 =	simm.s32 @p1 $0x1;
	p0 =	seq.s32 s7, s2  }
0x1e: {  	s7 =	smul.u32 @!p0 $0xF7A, s2;
	p2 =	seq.s32 @!p0 s5, $0x0  }
0x1f: {  	s9 =	smul.u32 $0xF7A, s1;
	s8 =	simm.s32 @!p0 $0x1BF5;
	p2 =	por !p2, p0  }
0x20: {  	[sflag:s8] =	ssyncset.s32 @!p0 $0xFFFFF086;
	s6 =	sadd.s32 @!p0 s3, s7;
	s7 =	simm.s32 @!p0 $0x108  }
0x21: {  	s3 =	sadd.s32 s3, s9;
	s6 =	sadd.s32 @!p0 $0x88, s6;
	s7 =	simm.s32 @p2 $0x1082  }
0x22: {  	[simem:s7], [sflag:s8] =	dma.local @!p0 [hbm:s6], $0xF7A  }
0x23: {  	s9 =	sor.u32 $0xD0000000, s2;
	s6 =	simm.s32 $0x108;
	_ =	swait.ge @!p0 [sflag:s8], $0x0  }
0x24: {  	s3 =	sadd.s32 $0x88, s3;
	s6 =	simm.s32 @!p1 $0x1082;
	[sflag:s4] =	ssyncset.s32 $0xFFFFF086  }
0x25: {  	[simem:s6], [sflag:s4] =	dma.local [hbm:s3], $0xF7A  }
0x26: {  	[smem:$0x3F91] =	sst s1;
	(tag) =	ssettag s2;
	_ =	strace s9  }
0x27: {  	s1 =	sld [smem:$0x3FA1]  }
0x28: {  	s2 =	sld [smem:$0x3FA2]  }
0x29: {  	s4 =	sld [smem:$0x3FA4]  }
0x2a: {  	p0 =	seq.s32 s5, $0x0;
	s5 =	sld [smem:$0x3FA5]  }
0x2b: {  	s6 =	sld [smem:$0x3FA6]  }
0x2c: {  	s7 =	sld [smem:$0x3FA7]  }
0x2d: {  	s3 =	simm.s32 $0x108;
	s8 =	sld [smem:$0x3FA8]  }
0x2e: {  	s3 =	simm.s32 @!p0 $0x1082;
	s9 =	sld [smem:$0x3FA9]  }
0x2f: {  	lr =	sadd.s32 s0, s3;
	s0 =	sld [smem:$0x3FA0]  }
0x30: {  	s3 =	sld [smem:$0x3FA3]  }
0x31: {  	[smem:$0x3FAC] =	sst s10  }
0x32: {  	s10 =	sld [smem:$0x3FAA];
	_ =	sdelay $0x3  }
0x33: {  	p0 =	seq.s32 s10, $0x1;
	s10 =	sld [smem:$0x3FAC];
	_ =	sdelay $0x3  }
0x34: {  	[smem:$0x3FAC] =	sst s10  }
0x35: {  	s10 =	sld [smem:$0x3FAB];
	_ =	sdelay $0x3  }
0x36: {  	p1 =	seq.s32 s10, $0x1;
	s10 =	sld [smem:$0x3FAC];
	_ =	sdelay $0x3  }
0x37: {  	[smem:$0x3FAC] =	sst s10  }
0x38: {  	s10 =	sld [smem:$0x3FAD]  }
0x39: {  	_ = 	snop;
	(pc) =	sbr.ind lr, $3  }
0x3a: {  	_ = 	snop  }
0x3b: {  	_ = 	snop  }
0x3c: {  	p2 =	seq.s32 s10, $0x1;
	s10 =	sld [smem:$0x3FAC]  }
0x3d: {  	_ =	shalt  }
0x3e: {  	_ =	shalt  }
0x3f: {  	_ =	shalt  }
0x40: {  	_ =	shalt  }
0x41: {  	_ =	shalt  }
0x42: {  	_ =	shalt  }
0x43: {  	_ =	shalt  }
0x44: {  	_ =	shalt  }
0x45: {  	_ =	shalt  }
0x46: {  	_ =	shalt  }
0x47: {  	_ =	shalt  }
0x48: {  	_ =	shalt  }
0x49: {  	_ =	shalt  }
0x4a: {  	_ =	shalt  }
0x4b: {  	_ =	shalt  }
0x4c: {  	_ =	shalt  }
0x4d: {  	_ =	shalt  }
0x4e: {  	_ =	shalt  }
0x4f: {  	_ =	shalt  }
0x50: {  	_ =	shalt  }
0x51: {  	_ =	shalt  }
0x52: {  	_ =	shalt  }
0x53: {  	_ =	shalt  }
0x54: {  	_ =	shalt  }
0x55: {  	_ =	shalt  }
0x56: {  	_ =	shalt  }
0x57: {  	_ =	shalt  }
0x58: {  	_ =	shalt  }
0x59: {  	_ =	shalt  }
0x5a: {  	_ =	shalt  }
0x5b: {  	_ =	shalt  }
0x5c: {  	_ =	shalt  }
0x5d: {  	_ =	shalt  }
0x5e: {  	_ =	shalt  }
0x5f: {  	_ =	shalt  }
0x60: {  	_ =	shalt  }
0x61: {  	_ =	shalt  }
0x62: {  	_ =	shalt  }
0x63: {  	_ =	shalt  }
0x64: {  	_ =	shalt  }
0x65: {  	_ =	shalt  }
0x66: {  	_ =	shalt  }
0x67: {  	_ =	shalt  }
0x68: {  	_ =	shalt  }
0x69: {  	_ =	shalt  }
0x6a: {  	_ =	shalt  }
0x6b: {  	_ =	shalt  }
0x6c: {  	_ =	shalt  }
0x6d: {  	_ =	shalt  }
0x6e: {  	_ =	shalt  }
0x6f: {  	_ =	shalt  }
0x70: {  	_ =	shalt  }
0x71: {  	_ =	shalt  }
0x72: {  	_ =	shalt  }
0x73: {  	_ =	shalt  }
0x74: {  	_ =	shalt  }
0x75: {  	_ =	shalt  }
0x76: {  	_ =	shalt  }
0x77: {  	_ =	shalt  }
0x78: {  	_ =	shalt  }
0x79: {  	_ =	shalt  }
0x7a: {  	_ =	shalt  }
0x7b: {  	_ =	shalt  }
0x7c: {  	_ =	shalt  }
0x7d: {  	_ =	shalt  }
0x7e: {  	_ =	shalt  }
0x7f: {  	_ =	shalt  }
0x80: {  	_ =	shalt  }
0x81: {  	_ =	shalt  }
0x82: {  	_ =	shalt  }
0x83: {  	_ =	shalt  }
0x84: {  	_ =	shalt  }
0x85: {  	_ =	shalt  }
0x86: {  	_ =	shalt  }
0x87: {  	_ =	shalt  }
.Lfunc_end0:
.L_simem_size_0:
called_computation_lowered:
.L_overlay_start_0:
0x88: {  	s2 =	sld [smem:$0x3FD9]  }
0x89: {  	s3 =	sld [smem:$0x3FFE];
	_ =	sdelay $0x1  }
0x8a: {  	s1 =	srdreg.scid  }
0x8b: {  	s0 =	sand.u32 $0x1, s1  }
0x8c: {  	s16 =	sshll.u32 s0, $0xA;
	s2 =	sadd.s32 s3, s2  }
0x8d: {  	s2 =	sadd.s32 s2, s16  }
0x8e: {  	[smem:$0x3FB8] =	sst s2  }
0x8f: {  	_ = 	snop  }
0x90: {  	(tm) =	ssettm $0x1  }
0x91: {  	s17 =	sld [smem:$0x3FFB];
	_ =	sdelay $0x3  }
0x92: {  	_ =	strace s17  }
0x93: {  	s2 =	sld [smem:$0x3FFC];
	_ =	sdelay $0x3  }
0x94: {  	_ =	strace s2  }
0x95: {  	s2 =	sld [smem:$0x3FFD];
	_ =	sdelay $0x3  }
0x96: {  	_ =	strace s2  }
0x97: {  	_ =	strace $0x8FFFFFFF  }
0x98: {  	s18 =	sld [smem:$0x3FDB];
	_ =	sdelay $0x1  }
0x99: {  	s19 =	simm.s32 $_scs_section_size  }
0x9a: {  	s4 =	simm.s32 $_size__tile_overlayer_lowered;
	s5 =	simm.s32 $_tile_overlayer_lowered  }
0x9b: {  	s22 =	simm.s32 $0x1BFF;
	s21 =	sshll.u32 s5, $0x1;
	s2 =	sadd.s32 s19, s18  }
0x9c: {  	s6 =	simm.s32 $0x0;
	s20 =	sshll.u32 s4, $0x1;
	s4 =	sadd.s32 s21, s2  }
0x9d: {  	[timem:s6], [sflag:s22] =	dma.local [hbm:s4], s20  }
0x9e: {  	_ =	swait.ge [sflag:s22], s20  }
0x9f: {  	s3 =	ssub.s32 $0x0, s20;
	[sflag:s22] =	ssyncset.done $0x0  }
0xa0: {  	[sflag:s22] =	ssyncadd.s32 s3;
	_ =	sdelay $0x1  }
0xa1: {  	s23 =	simm.s32 $0x1B8B  }
0xa2: {  	_ =	swait.ge [sflag:s23], $0x1  }
0xa3: {  	[sflag:s23] =	ssyncset.done $0x0  }
0xa4: {  	s25 =	simm.s32 $0x1B8E;
	s24 =	sld [smem:$0x3FFE];
	[sflag:s23] =	ssyncadd.s32 $0xFFFFFFFF  }
0xa5: {  	s26 =	simm.s32 $execute0_lowered;
	[smem:$0x3FD2] =	sst s25  }
0xa6: {  	s4 =	sshll.u32 s26, $0x1;
	_ =	strace $0x80000046;
	[dreg:$0x1] =	wrdreg $0xFFFFFFFF  }
0xa7: {  	s28 =	simm.s32 $_size_execute0_lowered;
	s2 =	sadd.s32 s2, s4;
	[dreg:$0x0] =	wrdreg $0x0  }
0xa8: {  	s4 =	sshll.u32 s28, $0x1;
	[dreg:$0x2] =	wrdreg s2  }
0xa9: {  	[dreg:$0x3] =	wrdreg s4  }
0xaa: {  	[dreg:$0x4] =	wrdreg $0xC0  }
0xab: {  	_ =	task [dreg:s6], $0x5FFFF  }
0xac: {  	[dreg:$0x1] =	wrdreg $0xFFFFFFFF  }
0xad: {  	[dreg:$0x0] =	wrdreg $0x60  }
0xae: {  	[dreg:$0x2] =	wrdreg s24  }
0xaf: {  	[dreg:$0x3] =	wrdreg $0x9  }
0xb0: {  	_ =	task.clear_ibuf [dreg:s6], $0x4FFFF;
	_ =	strace $0x90000046  }
0xb1: {  	s29 =	simm.s32 $0x9;
	_ =	strace $0x80000048  }
0xb2: {  	_ =	swait.ge [sflag:s29], $0x1  }
0xb3: {  	[sflag:s29] =	ssyncadd.s32 $0xFFFFFFFF  }
0xb4: {  	_ =	strace $0x90000048  }
0xb5: {  	_ =	sfence  }
0xb6: {  	s30 =	sld [smem:$0x0];
	_ =	sdelay $0x2  }
0xb7: {  	s31 =	sshll.u32 s1, $0xD;
	s1 =	sshrl.u32 s1, $0x2  }
0xb8: {  	s3 =	sand.u32 $0x4000, s31;
	s1 =	sadd.s32 s1, s30  }
0xb9: {  	s0 =	sor.u32 s3, s0;
	s1 =	sshll.u32 s1, $0x11  }
0xba: {  	s0 =	sor.u32 s1, s0  }
0xbb: {  	s0 =	sadd.s32 $0x8F2B, s0  }
0xbc: {  	[sflag:s0] =	ssyncadd.remote.s32 $0x1  }
0xbd: {  	_ =	sfence.sel $0xFFFF  }
0xbe: {  	[dreg:$0x0] =	wrdreg $0xFFFFFFFF;
	(pc) =	sbr.abs _section_cstart, $3  }
0xbf: {  	[dreg:$0x1] =	wrdreg $0xFFFFFFFF  }
0xc0: {  	_ =	task.clear_ibuf [dreg:s6], $0x2FFFF;
	_ =	strace $0x9FFFFFFF  }
0xc1: {  	(tm) =	ssettm $0x7FFFFFFF  }
tec
execute0_lowered:
.L_overlay_start_1:
0x0: {  	(tag) =	ssettag $0x1  }
0x1: {  	s0 =	srdreg.scid;
	s2 =	stileid.u32  }
0x2: {  	s3 =	rddreg [dreg:$0x0];
	s28 =	simm.s32 $0x180;
	s29 =	simm.s32 $0x200  }
0x3: {  	s30 =	simm.s32 $0x280;
	p0 =	por $0x0, $0x0;
	s1 =	sand.u32 $0x1, s0  }
0x4: {  	s14 =	sshll.u32 s2, $0x1;
	s2 =	simm.s32 $0x0;
	s5 =	sadd.s32 $0x27D9800, s3  }
0x5: {  	s31 =	sadd.s32 $0x2D400, s3;
	s11 =	sadd.s32 $0x1403600, s3;
	s0 =	sor.u32 s1, s14  }
0x6: {  	[smem:$0x7FF] =	sst s2;
	s4 =	sshll.u32 s0, $0x8;
	s0 =	sshll.u32 s0, $0xB  }
0x7: {  	_ =	strace $0x80000047;
	s4 =	sadd.s32 s4, s3;
	s15 =	sadd.s32 s5, s0  }
0x8: {  	s7 =	sor.u32 $0x10000, s0;
	s6 =	sadd.s32 $0x2B400, s4;
	[dreg:$0x3] =	wrdreg s15  }
0x9: {  	s8 =	sor.u32 $0x20000, s0;
	s16 =	sadd.s32 s5, s7;
	[dreg:$0x2] =	wrdreg s6  }
0xa: {  	s9 =	sor.u32 $0x30000, s0;
	s17 =	sadd.s32 s5, s8;
	[dreg:$0x4] =	wrdreg s16  }
0xb: {  	s10 =	sor.u32 $0x40000, s0;
	s18 =	sadd.s32 s5, s9;
	[dreg:$0x5] =	wrdreg s17  }
0xc: {  	s12 =	sor.u32 $0x50000, s0;
	s19 =	sadd.s32 s5, s10;
	[dreg:$0x6] =	wrdreg s18  }
0xd: {  	s13 =	sor.u32 $0x60000, s0;
	s20 =	sadd.s32 s5, s12;
	[dreg:$0x7] =	wrdreg s19  }
0xe: {  	s14 =	sor.u32 $0x70000, s0;
	s21 =	sadd.s32 s5, s13;
	[dreg:$0x8] =	wrdreg s20  }
0xf: {  	s1 =	ssub.s32 $0x2, s1;
	s22 =	sadd.s32 s5, s14;
	[dreg:$0x9] =	wrdreg s21  }
0x10: {  	s15 =	sor.u32 $0x80000, s0;
	s4 =	sadd.s32 $0x29400, s4;
	[dreg:$0xa] =	wrdreg s22  }
0x11: {  	s23 =	sadd.s32 s5, s15;
	s16 =	sor.u32 $0x90000, s0;
	s17 =	sor.u32 $0xA0000, s0  }
0x12: {  	s18 =	sor.u32 $0xB0000, s0;
	s19 =	sor.u32 $0xC0000, s0;
	s20 =	sadd.s32 $0x28A9800, s3  }
0x13: {  	[dreg:$0x10] =	wrdreg s4;
	s22 =	sshrl.u32 s1, $0x1;
	s3 =	simm.s32 $0x2  }
0x14: {  	[dreg:$0xb] =	wrdreg s23;
	s24 =	sadd.s32 s5, s16;
	s25 =	sadd.s32 s5, s17  }
0x15: {  	s26 =	sadd.s32 s5, s18;
	s5 =	sadd.s32 s5, s19;
	[dreg:$0xc] =	wrdreg s24  }
0x16: {  	s0 =	sadd.s32 s20, s0;
	s7 =	sadd.s32 s20, s7;
	[dreg:$0xd] =	wrdreg s25  }
0x17: {  	s8 =	sadd.s32 s20, s8;
	s9 =	sadd.s32 s20, s9;
	[dreg:$0xe] =	wrdreg s26  }
0x18: {  	s10 =	sadd.s32 s20, s10;
	s21 =	sadd.s32 s20, s12;
	[dreg:$0xf] =	wrdreg s5  }
0x19: {  	s23 =	sadd.s32 s20, s13;
	s1 =	ssub.s32 s1, s22;
	[dreg:$0x11] =	wrdreg s0  }
0x1a: {  	s14 =	sadd.s32 s20, s14;
	s12 =	sadd.s32 s20, s15;
	[dreg:$0x12] =	wrdreg s7  }
0x1b: {  	s6 =	sadd.s32 s20, s18;
	s4 =	sadd.s32 s20, s19;
	[dreg:$0x13] =	wrdreg s8  }
0x1c: {  	s18 =	simm.s32 $0x80;
	s15 =	simm.s32 $0xC800;
	[dreg:$0x14] =	wrdreg s9  }
0x1d: {  	s13 =	simm.s32 $0x10800;
	s22 =	simm.s32 $0x480;
	[dreg:$0x15] =	wrdreg s10  }
0x1e: {  	s19 =	simm.s32 $0x600;
	[dreg:$0x16] =	wrdreg s21;
	s24 =	smax.u32 s1, $0x1  }
0x1f: {  	[dreg:$0x17] =	wrdreg s23;
	s9 =	sadd.s32 s20, s16;
	p1 =	sne.s32 s24, $0x1  }
.Ltmp0:
0x20: {  	s7 =	sadd.s32 s20, s17;
	s5 =	simm.s32 $0x800;
	(pc) =	sbr.rel @!p1 .LBB2_3-.Ltmp0, $4  }
0x21: {  	s17 =	simm.s32 $0x4800;
	s26 =	simm.s32 $0x100;
	s16 =	simm.s32 $0x8800  }
0x22: {  	s10 =	simm.s32 $0x14800;
	s8 =	simm.s32 $0x1;
	s25 =	simm.s32 $0x300  }
0x23: {  	s23 =	simm.s32 $0x400;
	s21 =	simm.s32 $0x500;
	s20 =	simm.s32 $0x580  }
0x24: {  	s0 =	rddreg [dreg:$0x2];
	s1 =	sadd.s32 $0xFFFFFFFF, s24;
	s24 =	simm.s32 $0x380  }
0x25: {  	[tilespmem:s2], [sflag:$0x2] =	stream.linear.gather [hbm4b:s0+s2], $0x680, $0x38;
	[tilespmem:$0x18800] =	vst v63  }
0x26: {  	_ =	swait.ge [sflag:s3], $0x680  }
0x27: {  	[sflag:s3] =	ssyncset.done $0x0  }
0x28: {  	[sflag:s3] =	ssyncadd.s32 $0xFFFFF980  }
0x29: {  	[tilespmem:s5], [sflag:$0x1] =	stream.indirect.gather [hbm4b:s31+s18], $0x80, s2, s18, $0xb8;
	[tilespmem:$0x18800] =	vst v63  }
0x2a: {  	_ = 	snop  }
0x2b: {  	[tilespmem:s17], [sflag:$0x1] =	stream.indirect.gather [hbm4b:s31+s18], $0x80, s18, s18, $0xb8;
	[tilespmem:$0x18800] =	vst v63  }
0x2c: {  	_ = 	snop  }
0x2d: {  	[tilespmem:s16], [sflag:$0x1] =	stream.indirect.gather [hbm4b:s31+s18], $0x80, s26, s18, $0xb8;
	[tilespmem:$0x18800] =	vst v63  }
0x2e: {  	_ = 	snop  }
0x2f: {  	[tilespmem:s15], [sflag:$0x1] =	stream.indirect.gather [hbm4b:s31+s18], $0x80, s28, s18, $0xb8;
	[tilespmem:$0x18800] =	vst v63  }
0x30: {  	_ = 	snop  }
0x31: {  	[tilespmem:s13], [sflag:$0x1] =	stream.indirect.gather [hbm4b:s31+s18], $0x80, s29, s18, $0xb8;
	[tilespmem:$0x18800] =	vst v63  }
0x32: {  	_ = 	snop  }
0x33: {  	[tilespmem:s10], [sflag:$0x1] =	stream.indirect.gather [hbm4b:s31+s18], $0x80, s30, s18, $0xb8;
	[tilespmem:$0x18800] =	vst v63  }
0x34: {  	_ =	swait.ge [sflag:s8], $0x4000  }
0x35: {  	[sflag:s8] =	ssyncset.done $0x0  }
0x36: {  	s0 =	rddreg [dreg:$0x3];
	[sflag:s8] =	ssyncadd.s32 $0xFFFFC000  }
0x37: {  	[hbm4b:s0+s2] =	stream.linear.scatter [tilespmem:s5], [sflag:$0x2], $0x4000, $0x38;
	[tilespmem:$0x18800] =	vst v63  }
0x38: {  	_ =	swait.ge [sflag:s3], $0x4000  }
0x39: {  	[sflag:s3] =	ssyncset.done $0x0  }
0x3a: {  	[sflag:s3] =	ssyncadd.s32 $0xFFFFC000  }
0x3b: {  	[tilespmem:s5], [sflag:$0x1] =	stream.indirect.gather [hbm4b:s31+s18], $0x80, s25, s18, $0xb8;
	[tilespmem:$0x18800] =	vst v63  }
0x3c: {  	_ =	swait.ge [sflag:s8], $0x4000  }
0x3d: {  	[sflag:s8] =	ssyncset.done $0x0  }
0x3e: {  	s0 =	rddreg [dreg:$0x4];
	[sflag:s8] =	ssyncadd.s32 $0xFFFFC000  }
0x3f: {  	[hbm4b:s0+s2] =	stream.linear.scatter [tilespmem:s17], [sflag:$0x2], $0x4000, $0x38;
	[tilespmem:$0x18800] =	vst v63  }
0x40: {  	_ =	swait.ge [sflag:s3], $0x4000  }
0x41: {  	[sflag:s3] =	ssyncset.done $0x0  }
0x42: {  	[sflag:s3] =	ssyncadd.s32 $0xFFFFC000  }
0x43: {  	[tilespmem:s17], [sflag:$0x1] =	stream.indirect.gather [hbm4b:s31+s18], $0x80, s24, s18, $0xb8;
	[tilespmem:$0x18800] =	vst v63  }
0x44: {  	_ =	swait.ge [sflag:s8], $0x4000  }
0x45: {  	[sflag:s8] =	ssyncset.done $0x0  }
0x46: {  	s0 =	rddreg [dreg:$0x5];
	[sflag:s8] =	ssyncadd.s32 $0xFFFFC000  }
0x47: {  	[hbm4b:s0+s2] =	stream.linear.scatter [tilespmem:s16], [sflag:$0x2], $0x4000, $0x38;
	[tilespmem:$0x18800] =	vst v63  }
0x48: {  	_ =	swait.ge [sflag:s3], $0x4000  }
0x49: {  	[sflag:s3] =	ssyncset.done $0x0  }
0x4a: {  	[sflag:s3] =	ssyncadd.s32 $0xFFFFC000  }
0x4b: {  	[tilespmem:s16], [sflag:$0x1] =	stream.indirect.gather [hbm4b:s31+s18], $0x80, s23, s18, $0xb8;
	[tilespmem:$0x18800] =	vst v63  }
0x4c: {  	_ =	swait.ge [sflag:s8], $0x4000  }
0x4d: {  	[sflag:s8] =	ssyncset.done $0x0  }
0x4e: {  	s0 =	rddreg [dreg:$0x6];
	[sflag:s8] =	ssyncadd.s32 $0xFFFFC000  }
0x4f: {  	[hbm4b:s0+s2] =	stream.linear.scatter [tilespmem:s15], [sflag:$0x2], $0x4000, $0x38;
	[tilespmem:$0x18800] =	vst v63  }
0x50: {  	_ =	swait.ge [sflag:s3], $0x4000  }
0x51: {  	[sflag:s3] =	ssyncset.done $0x0  }
0x52: {  	[sflag:s3] =	ssyncadd.s32 $0xFFFFC000  }
0x53: {  	[tilespmem:s15], [sflag:$0x1] =	stream.indirect.gather [hbm4b:s31+s18], $0x80, s22, s18, $0xb8;
	[tilespmem:$0x18800] =	vst v63  }
0x54: {  	_ =	swait.ge [sflag:s8], $0x4000  }
0x55: {  	[sflag:s8] =	ssyncset.done $0x0  }
0x56: {  	s0 =	rddreg [dreg:$0x7];
	[sflag:s8] =	ssyncadd.s32 $0xFFFFC000  }
0x57: {  	[hbm4b:s0+s2] =	stream.linear.scatter [tilespmem:s13], [sflag:$0x2], $0x4000, $0x38;
	[tilespmem:$0x18800] =	vst v63  }
0x58: {  	_ =	swait.ge [sflag:s3], $0x4000  }
0x59: {  	[sflag:s3] =	ssyncset.done $0x0  }
0x5a: {  	[sflag:s3] =	ssyncadd.s32 $0xFFFFC000  }
0x5b: {  	[tilespmem:s13], [sflag:$0x1] =	stream.indirect.gather [hbm4b:s31+s18], $0x80, s21, s18, $0xb8;
	[tilespmem:$0x18800] =	vst v63  }
0x5c: {  	_ =	swait.ge [sflag:s8], $0x4000  }
0x5d: {  	[sflag:s8] =	ssyncset.done $0x0  }
0x5e: {  	s0 =	rddreg [dreg:$0x8];
	[sflag:s8] =	ssyncadd.s32 $0xFFFFC000  }
0x5f: {  	[hbm4b:s0+s2] =	stream.linear.scatter [tilespmem:s10], [sflag:$0x2], $0x4000, $0x38;
	[tilespmem:$0x18800] =	vst v63  }
0x60: {  	_ =	swait.ge [sflag:s3], $0x4000  }
0x61: {  	[sflag:s3] =	ssyncset.done $0x0  }
0x62: {  	[sflag:s3] =	ssyncadd.s32 $0xFFFFC000  }
0x63: {  	[tilespmem:s10], [sflag:$0x1] =	stream.indirect.gather [hbm4b:s31+s18], $0x80, s20, s18, $0xb8;
	[tilespmem:$0x18800] =	vst v63  }
0x64: {  	_ =	swait.ge [sflag:s8], $0x4000  }
0x65: {  	[sflag:s8] =	ssyncset.done $0x0  }
0x66: {  	s0 =	rddreg [dreg:$0x9];
	[sflag:s8] =	ssyncadd.s32 $0xFFFFC000  }
0x67: {  	[hbm4b:s0+s2] =	stream.linear.scatter [tilespmem:s5], [sflag:$0x2], $0x4000, $0x38;
	[tilespmem:$0x18800] =	vst v63  }
0x68: {  	_ =	swait.ge [sflag:s3], $0x4000  }
0x69: {  	[sflag:s3] =	ssyncset.done $0x0  }
0x6a: {  	[sflag:s3] =	ssyncadd.s32 $0xFFFFC000  }
0x6b: {  	[tilespmem:s5], [sflag:$0x1] =	stream.indirect.gather [hbm4b:s31+s18], $0x80, s19, s18, $0xb8;
	[tilespmem:$0x18800] =	vst v63  }
0x6c: {  	_ =	swait.ge [sflag:s8], $0x4000  }
0x6d: {  	[sflag:s8] =	ssyncset.done $0x0  }
0x6e: {  	s0 =	rddreg [dreg:$0xa];
	[sflag:s8] =	ssyncadd.s32 $0xFFFFC000  }
0x6f: {  	[hbm4b:s0+s2] =	stream.linear.scatter [tilespmem:s17], [sflag:$0x2], $0x4000, $0x38;
	[tilespmem:$0x18800] =	vst v63  }
0x70: {  	_ =	swait.ge [sflag:s3], $0x4000  }
0x71: {  	[sflag:s3] =	ssyncset.done $0x0  }
0x72: {  	[sflag:s3] =	ssyncadd.s32 $0xFFFFC000  }
0x73: {  	_ =	swait.ge [sflag:s8], $0x4000  }
0x74: {  	[sflag:s8] =	ssyncset.done $0x0  }
0x75: {  	s0 =	rddreg [dreg:$0xb];
	[sflag:s8] =	ssyncadd.s32 $0xFFFFC000  }
0x76: {  	[hbm4b:s0+s2] =	stream.linear.scatter [tilespmem:s16], [sflag:$0x2], $0x4000, $0x38;
	[tilespmem:$0x18800] =	vst v63  }
0x77: {  	_ =	swait.ge [sflag:s3], $0x4000  }
0x78: {  	[sflag:s3] =	ssyncset.done $0x0  }
0x79: {  	[sflag:s3] =	ssyncadd.s32 $0xFFFFC000  }
0x7a: {  	_ =	swait.ge [sflag:s8], $0x4000  }
0x7b: {  	[sflag:s8] =	ssyncset.done $0x0  }
0x7c: {  	s0 =	rddreg [dreg:$0xc];
	[sflag:s8] =	ssyncadd.s32 $0xFFFFC000  }
0x7d: {  	[hbm4b:s0+s2] =	stream.linear.scatter [tilespmem:s15], [sflag:$0x2], $0x4000, $0x38;
	[tilespmem:$0x18800] =	vst v63  }
0x7e: {  	_ =	swait.ge [sflag:s3], $0x4000  }
0x7f: {  	[sflag:s3] =	ssyncset.done $0x0  }
0x80: {  	[sflag:s3] =	ssyncadd.s32 $0xFFFFC000  }
0x81: {  	_ =	swait.ge [sflag:s8], $0x4000  }
0x82: {  	[sflag:s8] =	ssyncset.done $0x0  }
0x83: {  	s0 =	rddreg [dreg:$0xd];
	[sflag:s8] =	ssyncadd.s32 $0xFFFFC000  }
0x84: {  	[hbm4b:s0+s2] =	stream.linear.scatter [tilespmem:s13], [sflag:$0x2], $0x4000, $0x38;
	[tilespmem:$0x18800] =	vst v63  }
0x85: {  	_ =	swait.ge [sflag:s3], $0x4000  }
0x86: {  	[sflag:s3] =	ssyncset.done $0x0  }
0x87: {  	[sflag:s3] =	ssyncadd.s32 $0xFFFFC000  }
0x88: {  	_ =	swait.ge [sflag:s8], $0x4000  }
0x89: {  	[sflag:s8] =	ssyncset.done $0x0  }
0x8a: {  	s0 =	rddreg [dreg:$0xe];
	[sflag:s8] =	ssyncadd.s32 $0xFFFFC000  }
0x8b: {  	[hbm4b:s0+s2] =	stream.linear.scatter [tilespmem:s10], [sflag:$0x2], $0x4000, $0x38;
	[tilespmem:$0x18800] =	vst v63  }
0x8c: {  	_ =	swait.ge [sflag:s3], $0x4000  }
0x8d: {  	[sflag:s3] =	ssyncset.done $0x0  }
0x8e: {  	[sflag:s3] =	ssyncadd.s32 $0xFFFFC000  }
0x8f: {  	_ =	swait.ge [sflag:s8], $0x4000  }
0x90: {  	[sflag:s8] =	ssyncset.done $0x0  }
0x91: {  	s0 =	rddreg [dreg:$0xf];
	[sflag:s8] =	ssyncadd.s32 $0xFFFFC000  }
0x92: {  	[hbm4b:s0+s2] =	stream.linear.scatter [tilespmem:s5], [sflag:$0x2], $0x4000, $0x38;
	[tilespmem:$0x18800] =	vst v63  }
0x93: {  	_ =	swait.ge [sflag:s3], $0x4000  }
0x94: {  	[sflag:s3] =	ssyncset.done $0x0  }
0x95: {  	s0 =	rddreg [dreg:$0x10];
	[sflag:s3] =	ssyncadd.s32 $0xFFFFC000  }
0x96: {  	[tilespmem:s2], [sflag:$0x2] =	stream.linear.gather [hbm4b:s0+s2], $0x680, $0x38;
	[tilespmem:$0x18800] =	vst v63  }
0x97: {  	_ =	swait.ge [sflag:s3], $0x680  }
0x98: {  	[sflag:s3] =	ssyncset.done $0x0  }
0x99: {  	[sflag:s3] =	ssyncadd.s32 $0xFFFFF980  }
0x9a: {  	[tilespmem:s5], [sflag:$0x1] =	stream.indirect.gather [hbm4b:s11+s18], $0x80, s2, s18, $0xb8;
	[tilespmem:$0x18800] =	vst v63  }
0x9b: {  	_ = 	snop  }
0x9c: {  	[tilespmem:s17], [sflag:$0x1] =	stream.indirect.gather [hbm4b:s11+s18], $0x80, s18, s18, $0xb8;
	[tilespmem:$0x18800] =	vst v63  }
0x9d: {  	_ = 	snop  }
0x9e: {  	[tilespmem:s16], [sflag:$0x1] =	stream.indirect.gather [hbm4b:s11+s18], $0x80, s26, s18, $0xb8;
	[tilespmem:$0x18800] =	vst v63  }
0x9f: {  	_ = 	snop  }
0xa0: {  	[tilespmem:s15], [sflag:$0x1] =	stream.indirect.gather [hbm4b:s11+s18], $0x80, s28, s18, $0xb8;
	[tilespmem:$0x18800] =	vst v63  }
0xa1: {  	_ = 	snop  }
0xa2: {  	[tilespmem:s13], [sflag:$0x1] =	stream.indirect.gather [hbm4b:s11+s18], $0x80, s29, s18, $0xb8;
	[tilespmem:$0x18800] =	vst v63  }
0xa3: {  	_ = 	snop  }
0xa4: {  	[tilespmem:s10], [sflag:$0x1] =	stream.indirect.gather [hbm4b:s11+s18], $0x80, s30, s18, $0xb8;
	[tilespmem:$0x18800] =	vst v63  }
0xa5: {  	_ =	swait.ge [sflag:s8], $0x4000  }
0xa6: {  	[sflag:s8] =	ssyncset.done $0x0  }
0xa7: {  	s0 =	rddreg [dreg:$0x11];
	[sflag:s8] =	ssyncadd.s32 $0xFFFFC000  }
0xa8: {  	[hbm4b:s0+s2] =	stream.linear.scatter [tilespmem:s5], [sflag:$0x2], $0x4000, $0x38;
	[tilespmem:$0x18800] =	vst v63  }
0xa9: {  	_ =	swait.ge [sflag:s3], $0x4000  }
0xaa: {  	[sflag:s3] =	ssyncset.done $0x0  }
0xab: {  	[sflag:s3] =	ssyncadd.s32 $0xFFFFC000  }
0xac: {  	[tilespmem:s5], [sflag:$0x1] =	stream.indirect.gather [hbm4b:s11+s18], $0x80, s25, s18, $0xb8;
	[tilespmem:$0x18800] =	vst v63  }
0xad: {  	_ =	swait.ge [sflag:s8], $0x4000  }
0xae: {  	[sflag:s8] =	ssyncset.done $0x0  }
0xaf: {  	s0 =	rddreg [dreg:$0x12];
	[sflag:s8] =	ssyncadd.s32 $0xFFFFC000  }
0xb0: {  	[hbm4b:s0+s2] =	stream.linear.scatter [tilespmem:s17], [sflag:$0x2], $0x4000, $0x38;
	[tilespmem:$0x18800] =	vst v63  }
0xb1: {  	_ =	swait.ge [sflag:s3], $0x4000  }
0xb2: {  	[sflag:s3] =	ssyncset.done $0x0  }
0xb3: {  	[sflag:s3] =	ssyncadd.s32 $0xFFFFC000  }
0xb4: {  	[tilespmem:s17], [sflag:$0x1] =	stream.indirect.gather [hbm4b:s11+s18], $0x80, s24, s18, $0xb8;
	[tilespmem:$0x18800] =	vst v63  }
0xb5: {  	_ =	swait.ge [sflag:s8], $0x4000  }
0xb6: {  	[sflag:s8] =	ssyncset.done $0x0  }
0xb7: {  	s0 =	rddreg [dreg:$0x13];
	[sflag:s8] =	ssyncadd.s32 $0xFFFFC000  }
0xb8: {  	[hbm4b:s0+s2] =	stream.linear.scatter [tilespmem:s16], [sflag:$0x2], $0x4000, $0x38;
	[tilespmem:$0x18800] =	vst v63  }
0xb9: {  	_ =	swait.ge [sflag:s3], $0x4000  }
0xba: {  	[sflag:s3] =	ssyncset.done $0x0  }
0xbb: {  	[sflag:s3] =	ssyncadd.s32 $0xFFFFC000  }
0xbc: {  	[tilespmem:s16], [sflag:$0x1] =	stream.indirect.gather [hbm4b:s11+s18], $0x80, s23, s18, $0xb8;
	[tilespmem:$0x18800] =	vst v63  }
0xbd: {  	_ =	swait.ge [sflag:s8], $0x4000  }
0xbe: {  	[sflag:s8] =	ssyncset.done $0x0  }
0xbf: {  	s0 =	rddreg [dreg:$0x14];
	[sflag:s8] =	ssyncadd.s32 $0xFFFFC000  }
0xc0: {  	[hbm4b:s0+s2] =	stream.linear.scatter [tilespmem:s15], [sflag:$0x2], $0x4000, $0x38;
	[tilespmem:$0x18800] =	vst v63  }
0xc1: {  	_ =	swait.ge [sflag:s3], $0x4000  }
0xc2: {  	[sflag:s3] =	ssyncset.done $0x0  }
0xc3: {  	[sflag:s3] =	ssyncadd.s32 $0xFFFFC000  }
0xc4: {  	[tilespmem:s15], [sflag:$0x1] =	stream.indirect.gather [hbm4b:s11+s18], $0x80, s22, s18, $0xb8;
	[tilespmem:$0x18800] =	vst v63  }
0xc5: {  	_ =	swait.ge [sflag:s8], $0x4000  }
0xc6: {  	[sflag:s8] =	ssyncset.done $0x0  }
0xc7: {  	s0 =	rddreg [dreg:$0x15];
	[sflag:s8] =	ssyncadd.s32 $0xFFFFC000  }
0xc8: {  	[hbm4b:s0+s2] =	stream.linear.scatter [tilespmem:s13], [sflag:$0x2], $0x4000, $0x38;
	[tilespmem:$0x18800] =	vst v63  }
0xc9: {  	_ =	swait.ge [sflag:s3], $0x4000  }
0xca: {  	[sflag:s3] =	ssyncset.done $0x0  }
0xcb: {  	[sflag:s3] =	ssyncadd.s32 $0xFFFFC000  }
0xcc: {  	[tilespmem:s13], [sflag:$0x1] =	stream.indirect.gather [hbm4b:s11+s18], $0x80, s21, s18, $0xb8;
	[tilespmem:$0x18800] =	vst v63  }
0xcd: {  	_ =	swait.ge [sflag:s8], $0x4000  }
0xce: {  	[sflag:s8] =	ssyncset.done $0x0  }
0xcf: {  	s0 =	rddreg [dreg:$0x16];
	[sflag:s8] =	ssyncadd.s32 $0xFFFFC000  }
0xd0: {  	[hbm4b:s0+s2] =	stream.linear.scatter [tilespmem:s10], [sflag:$0x2], $0x4000, $0x38;
	[tilespmem:$0x18800] =	vst v63  }
0xd1: {  	_ =	swait.ge [sflag:s3], $0x4000  }
0xd2: {  	[sflag:s3] =	ssyncset.done $0x0  }
0xd3: {  	[sflag:s3] =	ssyncadd.s32 $0xFFFFC000  }
0xd4: {  	[tilespmem:s10], [sflag:$0x1] =	stream.indirect.gather [hbm4b:s11+s18], $0x80, s20, s18, $0xb8;
	[tilespmem:$0x18800] =	vst v63  }
0xd5: {  	_ =	swait.ge [sflag:s8], $0x4000  }
0xd6: {  	[sflag:s8] =	ssyncset.done $0x0  }
0xd7: {  	s0 =	rddreg [dreg:$0x17];
	[sflag:s8] =	ssyncadd.s32 $0xFFFFC000  }
0xd8: {  	[hbm4b:s0+s2] =	stream.linear.scatter [tilespmem:s5], [sflag:$0x2], $0x4000, $0x38;
	[tilespmem:$0x18800] =	vst v63  }
0xd9: {  	_ =	swait.ge [sflag:s3], $0x4000  }
0xda: {  	[sflag:s3] =	ssyncset.done $0x0  }
0xdb: {  	[sflag:s3] =	ssyncadd.s32 $0xFFFFC000  }
0xdc: {  	[tilespmem:s5], [sflag:$0x1] =	stream.indirect.gather [hbm4b:s11+s18], $0x80, s19, s18, $0xb8;
	[tilespmem:$0x18800] =	vst v63  }
0xdd: {  	_ =	swait.ge [sflag:s8], $0x4000  }
0xde: {  	[sflag:s8] =	ssyncset.done $0x0  }
0xdf: {  	[sflag:s8] =	ssyncadd.s32 $0xFFFFC000  }
0xe0: {  	[hbm4b:s14+s2] =	stream.linear.scatter [tilespmem:s17], [sflag:$0x2], $0x4000, $0x38;
	[tilespmem:$0x18800] =	vst v63  }
0xe1: {  	_ =	swait.ge [sflag:s3], $0x4000  }
0xe2: {  	[sflag:s3] =	ssyncset.done $0x0  }
0xe3: {  	[sflag:s3] =	ssyncadd.s32 $0xFFFFC000  }
0xe4: {  	_ =	swait.ge [sflag:s8], $0x4000  }
0xe5: {  	[sflag:s8] =	ssyncset.done $0x0  }
0xe6: {  	[sflag:s8] =	ssyncadd.s32 $0xFFFFC000  }
0xe7: {  	[hbm4b:s12+s2] =	stream.linear.scatter [tilespmem:s16], [sflag:$0x2], $0x4000, $0x38;
	[tilespmem:$0x18800] =	vst v63  }
0xe8: {  	_ =	swait.ge [sflag:s3], $0x4000  }
0xe9: {  	[sflag:s3] =	ssyncset.done $0x0  }
0xea: {  	[sflag:s3] =	ssyncadd.s32 $0xFFFFC000  }
0xeb: {  	_ =	swait.ge [sflag:s8], $0x4000  }
0xec: {  	[sflag:s8] =	ssyncset.done $0x0  }
0xed: {  	[sflag:s8] =	ssyncadd.s32 $0xFFFFC000  }
0xee: {  	[hbm4b:s9+s2] =	stream.linear.scatter [tilespmem:s15], [sflag:$0x2], $0x4000, $0x38;
	[tilespmem:$0x18800] =	vst v63  }
0xef: {  	_ =	swait.ge [sflag:s3], $0x4000  }
0xf0: {  	[sflag:s3] =	ssyncset.done $0x0  }
0xf1: {  	[sflag:s3] =	ssyncadd.s32 $0xFFFFC000  }
0xf2: {  	_ =	swait.ge [sflag:s8], $0x4000  }
0xf3: {  	[sflag:s8] =	ssyncset.done $0x0  }
0xf4: {  	[sflag:s8] =	ssyncadd.s32 $0xFFFFC000  }
0xf5: {  	[hbm4b:s7+s2] =	stream.linear.scatter [tilespmem:s13], [sflag:$0x2], $0x4000, $0x38;
	[tilespmem:$0x18800] =	vst v63  }
0xf6: {  	_ =	swait.ge [sflag:s3], $0x4000  }
0xf7: {  	[sflag:s3] =	ssyncset.done $0x0  }
0xf8: {  	[sflag:s3] =	ssyncadd.s32 $0xFFFFC000  }
0xf9: {  	_ =	swait.ge [sflag:s8], $0x4000  }
0xfa: {  	[sflag:s8] =	ssyncset.done $0x0  }
0xfb: {  	[sflag:s8] =	ssyncadd.s32 $0xFFFFC000  }
0xfc: {  	[hbm4b:s6+s2] =	stream.linear.scatter [tilespmem:s10], [sflag:$0x2], $0x4000, $0x38;
	[tilespmem:$0x18800] =	vst v63  }
0xfd: {  	_ =	swait.ge [sflag:s3], $0x4000  }
0xfe: {  	[sflag:s3] =	ssyncset.done $0x0  }
0xff: {  	[sflag:s3] =	ssyncadd.s32 $0xFFFFC000  }
0x100: {  	p1 =	sne.s32 s1, $0x1;
	_ =	swait.ge [sflag:s8], $0x4000  }
.Ltmp1:
0x101: {  	[sflag:s8] =	ssyncset.done $0x0;
	(pc) =	sbr.rel @!p1 .LBB2_3-.Ltmp1, $4  }
0x102: {  	[sflag:s8] =	ssyncadd.s32 $0xFFFFC000  }
0x103: {  	[hbm4b:s4+s2] =	stream.linear.scatter [tilespmem:s5], [sflag:$0x2], $0x4000, $0x38;
	[tilespmem:$0x18800] =	vst v63  }
0x104: {  	s1 =	sadd.s32 $0xFFFFFFFF, s1;
	_ =	swait.ge [sflag:s3], $0x4000  }
0x105: {  	p0 =	por $0x1, $0x1;
	s0 =	rddreg [dreg:$0x2];
	[sflag:s3] =	ssyncset.done $0x0  }
.LBB2_2:
0x106: {  	[sflag:s3] =	ssyncadd.s32 $0xFFFFC000  }
0x107: {  	[tilespmem:s2], [sflag:$0x2] =	stream.linear.gather [hbm4b:s0+s2], $0x680, $0x38;
	[tilespmem:$0x18800] =	vst v63  }
0x108: {  	_ =	swait.ge [sflag:s3], $0x680  }
0x109: {  	[sflag:s3] =	ssyncset.done $0x0  }
0x10a: {  	[sflag:s3] =	ssyncadd.s32 $0xFFFFF980  }
0x10b: {  	[tilespmem:s5], [sflag:$0x1] =	stream.indirect.gather [hbm4b:s31+s18], $0x80, s2, s18, $0xb8;
	[tilespmem:$0x18800] =	vst v63  }
0x10c: {  	_ = 	snop  }
0x10d: {  	[tilespmem:s17], [sflag:$0x1] =	stream.indirect.gather [hbm4b:s31+s18], $0x80, s18, s18, $0xb8;
	[tilespmem:$0x18800] =	vst v63  }
0x10e: {  	_ = 	snop  }
0x10f: {  	[tilespmem:s16], [sflag:$0x1] =	stream.indirect.gather [hbm4b:s31+s18], $0x80, s26, s18, $0xb8;
	[tilespmem:$0x18800] =	vst v63  }
0x110: {  	_ = 	snop  }
0x111: {  	[tilespmem:s15], [sflag:$0x1] =	stream.indirect.gather [hbm4b:s31+s18], $0x80, s28, s18, $0xb8;
	[tilespmem:$0x18800] =	vst v63  }
0x112: {  	_ = 	snop  }
0x113: {  	[tilespmem:s13], [sflag:$0x1] =	stream.indirect.gather [hbm4b:s31+s18], $0x80, s29, s18, $0xb8;
	[tilespmem:$0x18800] =	vst v63  }
0x114: {  	_ = 	snop  }
0x115: {  	[tilespmem:s10], [sflag:$0x1] =	stream.indirect.gather [hbm4b:s31+s18], $0x80, s30, s18, $0xb8;
	[tilespmem:$0x18800] =	vst v63  }
0x116: {  	_ =	swait.ge [sflag:s8], $0x4000  }
0x117: {  	[sflag:s8] =	ssyncset.done $0x0  }
0x118: {  	s0 =	rddreg [dreg:$0x3];
	[sflag:s8] =	ssyncadd.s32 $0xFFFFC000  }
0x119: {  	[hbm4b:s0+s2] =	stream.linear.scatter [tilespmem:s5], [sflag:$0x2], $0x4000, $0x38;
	[tilespmem:$0x18800] =	vst v63  }
0x11a: {  	_ =	swait.ge [sflag:s3], $0x4000  }
0x11b: {  	[sflag:s3] =	ssyncset.done $0x0  }
0x11c: {  	[sflag:s3] =	ssyncadd.s32 $0xFFFFC000  }
0x11d: {  	[tilespmem:s5], [sflag:$0x1] =	stream.indirect.gather [hbm4b:s31+s18], $0x80, s25, s18, $0xb8;
	[tilespmem:$0x18800] =	vst v63  }
0x11e: {  	_ =	swait.ge [sflag:s8], $0x4000  }
0x11f: {  	[sflag:s8] =	ssyncset.done $0x0  }
0x120: {  	s0 =	rddreg [dreg:$0x4];
	[sflag:s8] =	ssyncadd.s32 $0xFFFFC000  }
0x121: {  	[hbm4b:s0+s2] =	stream.linear.scatter [tilespmem:s17], [sflag:$0x2], $0x4000, $0x38;
	[tilespmem:$0x18800] =	vst v63  }
0x122: {  	_ =	swait.ge [sflag:s3], $0x4000  }
0x123: {  	[sflag:s3] =	ssyncset.done $0x0  }
0x124: {  	[sflag:s3] =	ssyncadd.s32 $0xFFFFC000  }
0x125: {  	[tilespmem:s17], [sflag:$0x1] =	stream.indirect.gather [hbm4b:s31+s18], $0x80, s24, s18, $0xb8;
	[tilespmem:$0x18800] =	vst v63  }
0x126: {  	_ =	swait.ge [sflag:s8], $0x4000  }
0x127: {  	[sflag:s8] =	ssyncset.done $0x0  }
0x128: {  	s0 =	rddreg [dreg:$0x5];
	[sflag:s8] =	ssyncadd.s32 $0xFFFFC000  }
0x129: {  	[hbm4b:s0+s2] =	stream.linear.scatter [tilespmem:s16], [sflag:$0x2], $0x4000, $0x38;
	[tilespmem:$0x18800] =	vst v63  }
0x12a: {  	_ =	swait.ge [sflag:s3], $0x4000  }
0x12b: {  	[sflag:s3] =	ssyncset.done $0x0  }
0x12c: {  	[sflag:s3] =	ssyncadd.s32 $0xFFFFC000  }
0x12d: {  	[tilespmem:s16], [sflag:$0x1] =	stream.indirect.gather [hbm4b:s31+s18], $0x80, s23, s18, $0xb8;
	[tilespmem:$0x18800] =	vst v63  }
0x12e: {  	_ =	swait.ge [sflag:s8], $0x4000  }
0x12f: {  	[sflag:s8] =	ssyncset.done $0x0  }
0x130: {  	s0 =	rddreg [dreg:$0x6];
	[sflag:s8] =	ssyncadd.s32 $0xFFFFC000  }
0x131: {  	[hbm4b:s0+s2] =	stream.linear.scatter [tilespmem:s15], [sflag:$0x2], $0x4000, $0x38;
	[tilespmem:$0x18800] =	vst v63  }
0x132: {  	_ =	swait.ge [sflag:s3], $0x4000  }
0x133: {  	[sflag:s3] =	ssyncset.done $0x0  }
0x134: {  	[sflag:s3] =	ssyncadd.s32 $0xFFFFC000  }
0x135: {  	[tilespmem:s15], [sflag:$0x1] =	stream.indirect.gather [hbm4b:s31+s18], $0x80, s22, s18, $0xb8;
	[tilespmem:$0x18800] =	vst v63  }
0x136: {  	_ =	swait.ge [sflag:s8], $0x4000  }
0x137: {  	[sflag:s8] =	ssyncset.done $0x0  }
0x138: {  	s0 =	rddreg [dreg:$0x7];
	[sflag:s8] =	ssyncadd.s32 $0xFFFFC000  }
0x139: {  	[hbm4b:s0+s2] =	stream.linear.scatter [tilespmem:s13], [sflag:$0x2], $0x4000, $0x38;
	[tilespmem:$0x18800] =	vst v63  }
0x13a: {  	_ =	swait.ge [sflag:s3], $0x4000  }
0x13b: {  	[sflag:s3] =	ssyncset.done $0x0  }
0x13c: {  	[sflag:s3] =	ssyncadd.s32 $0xFFFFC000  }
0x13d: {  	[tilespmem:s13], [sflag:$0x1] =	stream.indirect.gather [hbm4b:s31+s18], $0x80, s21, s18, $0xb8;
	[tilespmem:$0x18800] =	vst v63  }
0x13e: {  	_ =	swait.ge [sflag:s8], $0x4000  }
0x13f: {  	[sflag:s8] =	ssyncset.done $0x0  }
0x140: {  	s0 =	rddreg [dreg:$0x8];
	[sflag:s8] =	ssyncadd.s32 $0xFFFFC000  }
0x141: {  	[hbm4b:s0+s2] =	stream.linear.scatter [tilespmem:s10], [sflag:$0x2], $0x4000, $0x38;
	[tilespmem:$0x18800] =	vst v63  }
0x142: {  	_ =	swait.ge [sflag:s3], $0x4000  }
0x143: {  	[sflag:s3] =	ssyncset.done $0x0  }
0x144: {  	[sflag:s3] =	ssyncadd.s32 $0xFFFFC000  }
0x145: {  	[tilespmem:s10], [sflag:$0x1] =	stream.indirect.gather [hbm4b:s31+s18], $0x80, s20, s18, $0xb8;
	[tilespmem:$0x18800] =	vst v63  }
0x146: {  	_ =	swait.ge [sflag:s8], $0x4000  }
0x147: {  	[sflag:s8] =	ssyncset.done $0x0  }
0x148: {  	s0 =	rddreg [dreg:$0x9];
	[sflag:s8] =	ssyncadd.s32 $0xFFFFC000  }
0x149: {  	[hbm4b:s0+s2] =	stream.linear.scatter [tilespmem:s5], [sflag:$0x2], $0x4000, $0x38;
	[tilespmem:$0x18800] =	vst v63  }
0x14a: {  	_ =	swait.ge [sflag:s3], $0x4000  }
0x14b: {  	[sflag:s3] =	ssyncset.done $0x0  }
0x14c: {  	[sflag:s3] =	ssyncadd.s32 $0xFFFFC000  }
0x14d: {  	[tilespmem:s5], [sflag:$0x1] =	stream.indirect.gather [hbm4b:s31+s18], $0x80, s19, s18, $0xb8;
	[tilespmem:$0x18800] =	vst v63  }
0x14e: {  	_ =	swait.ge [sflag:s8], $0x4000  }
0x14f: {  	[sflag:s8] =	ssyncset.done $0x0  }
0x150: {  	s0 =	rddreg [dreg:$0xa];
	[sflag:s8] =	ssyncadd.s32 $0xFFFFC000  }
0x151: {  	[hbm4b:s0+s2] =	stream.linear.scatter [tilespmem:s17], [sflag:$0x2], $0x4000, $0x38;
	[tilespmem:$0x18800] =	vst v63  }
0x152: {  	_ =	swait.ge [sflag:s3], $0x4000  }
0x153: {  	[sflag:s3] =	ssyncset.done $0x0  }
0x154: {  	[sflag:s3] =	ssyncadd.s32 $0xFFFFC000  }
0x155: {  	_ =	swait.ge [sflag:s8], $0x4000  }
0x156: {  	[sflag:s8] =	ssyncset.done $0x0  }
0x157: {  	s0 =	rddreg [dreg:$0xb];
	[sflag:s8] =	ssyncadd.s32 $0xFFFFC000  }
0x158: {  	[hbm4b:s0+s2] =	stream.linear.scatter [tilespmem:s16], [sflag:$0x2], $0x4000, $0x38;
	[tilespmem:$0x18800] =	vst v63  }
0x159: {  	_ =	swait.ge [sflag:s3], $0x4000  }
0x15a: {  	[sflag:s3] =	ssyncset.done $0x0  }
0x15b: {  	[sflag:s3] =	ssyncadd.s32 $0xFFFFC000  }
0x15c: {  	_ =	swait.ge [sflag:s8], $0x4000  }
0x15d: {  	[sflag:s8] =	ssyncset.done $0x0  }
0x15e: {  	s0 =	rddreg [dreg:$0xc];
	[sflag:s8] =	ssyncadd.s32 $0xFFFFC000  }
0x15f: {  	[hbm4b:s0+s2] =	stream.linear.scatter [tilespmem:s15], [sflag:$0x2], $0x4000, $0x38;
	[tilespmem:$0x18800] =	vst v63  }
0x160: {  	_ =	swait.ge [sflag:s3], $0x4000  }
0x161: {  	[sflag:s3] =	ssyncset.done $0x0  }
0x162: {  	[sflag:s3] =	ssyncadd.s32 $0xFFFFC000  }
0x163: {  	_ =	swait.ge [sflag:s8], $0x4000  }
0x164: {  	[sflag:s8] =	ssyncset.done $0x0  }
0x165: {  	s0 =	rddreg [dreg:$0xd];
	[sflag:s8] =	ssyncadd.s32 $0xFFFFC000  }
0x166: {  	[hbm4b:s0+s2] =	stream.linear.scatter [tilespmem:s13], [sflag:$0x2], $0x4000, $0x38;
	[tilespmem:$0x18800] =	vst v63  }
0x167: {  	_ =	swait.ge [sflag:s3], $0x4000  }
0x168: {  	[sflag:s3] =	ssyncset.done $0x0  }
0x169: {  	[sflag:s3] =	ssyncadd.s32 $0xFFFFC000  }
0x16a: {  	_ =	swait.ge [sflag:s8], $0x4000  }
0x16b: {  	[sflag:s8] =	ssyncset.done $0x0  }
0x16c: {  	s0 =	rddreg [dreg:$0xe];
	[sflag:s8] =	ssyncadd.s32 $0xFFFFC000  }
0x16d: {  	[hbm4b:s0+s2] =	stream.linear.scatter [tilespmem:s10], [sflag:$0x2], $0x4000, $0x38;
	[tilespmem:$0x18800] =	vst v63  }
0x16e: {  	_ =	swait.ge [sflag:s3], $0x4000  }
0x16f: {  	[sflag:s3] =	ssyncset.done $0x0  }
0x170: {  	[sflag:s3] =	ssyncadd.s32 $0xFFFFC000  }
0x171: {  	_ =	swait.ge [sflag:s8], $0x4000  }
0x172: {  	[sflag:s8] =	ssyncset.done $0x0  }
0x173: {  	s0 =	rddreg [dreg:$0xf];
	[sflag:s8] =	ssyncadd.s32 $0xFFFFC000  }
0x174: {  	[hbm4b:s0+s2] =	stream.linear.scatter [tilespmem:s5], [sflag:$0x2], $0x4000, $0x38;
	[tilespmem:$0x18800] =	vst v63  }
0x175: {  	_ =	swait.ge [sflag:s3], $0x4000  }
0x176: {  	[sflag:s3] =	ssyncset.done $0x0  }
0x177: {  	s0 =	rddreg [dreg:$0x10];
	[sflag:s3] =	ssyncadd.s32 $0xFFFFC000  }
0x178: {  	[tilespmem:s2], [sflag:$0x2] =	stream.linear.gather [hbm4b:s0+s2], $0x680, $0x38;
	[tilespmem:$0x18800] =	vst v63  }
0x179: {  	_ =	swait.ge [sflag:s3], $0x680  }
0x17a: {  	[sflag:s3] =	ssyncset.done $0x0  }
0x17b: {  	[sflag:s3] =	ssyncadd.s32 $0xFFFFF980  }
0x17c: {  	[tilespmem:s5], [sflag:$0x1] =	stream.indirect.gather [hbm4b:s11+s18], $0x80, s2, s18, $0xb8;
	[tilespmem:$0x18800] =	vst v63  }
0x17d: {  	_ = 	snop  }
0x17e: {  	[tilespmem:s17], [sflag:$0x1] =	stream.indirect.gather [hbm4b:s11+s18], $0x80, s18, s18, $0xb8;
	[tilespmem:$0x18800] =	vst v63  }
0x17f: {  	_ = 	snop  }
0x180: {  	[tilespmem:s16], [sflag:$0x1] =	stream.indirect.gather [hbm4b:s11+s18], $0x80, s26, s18, $0xb8;
	[tilespmem:$0x18800] =	vst v63  }
0x181: {  	_ = 	snop  }
0x182: {  	[tilespmem:s15], [sflag:$0x1] =	stream.indirect.gather [hbm4b:s11+s18], $0x80, s28, s18, $0xb8;
	[tilespmem:$0x18800] =	vst v63  }
0x183: {  	_ = 	snop  }
0x184: {  	[tilespmem:s13], [sflag:$0x1] =	stream.indirect.gather [hbm4b:s11+s18], $0x80, s29, s18, $0xb8;
	[tilespmem:$0x18800] =	vst v63  }
0x185: {  	_ = 	snop  }
0x186: {  	[tilespmem:s10], [sflag:$0x1] =	stream.indirect.gather [hbm4b:s11+s18], $0x80, s30, s18, $0xb8;
	[tilespmem:$0x18800] =	vst v63  }
0x187: {  	_ =	swait.ge [sflag:s8], $0x4000  }
0x188: {  	[sflag:s8] =	ssyncset.done $0x0  }
0x189: {  	s0 =	rddreg [dreg:$0x11];
	[sflag:s8] =	ssyncadd.s32 $0xFFFFC000  }
0x18a: {  	[hbm4b:s0+s2] =	stream.linear.scatter [tilespmem:s5], [sflag:$0x2], $0x4000, $0x38;
	[tilespmem:$0x18800] =	vst v63  }
0x18b: {  	_ =	swait.ge [sflag:s3], $0x4000  }
0x18c: {  	[sflag:s3] =	ssyncset.done $0x0  }
0x18d: {  	[sflag:s3] =	ssyncadd.s32 $0xFFFFC000  }
0x18e: {  	[tilespmem:s5], [sflag:$0x1] =	stream.indirect.gather [hbm4b:s11+s18], $0x80, s25, s18, $0xb8;
	[tilespmem:$0x18800] =	vst v63  }
0x18f: {  	_ =	swait.ge [sflag:s8], $0x4000  }
0x190: {  	[sflag:s8] =	ssyncset.done $0x0  }
0x191: {  	s0 =	rddreg [dreg:$0x12];
	[sflag:s8] =	ssyncadd.s32 $0xFFFFC000  }
0x192: {  	[hbm4b:s0+s2] =	stream.linear.scatter [tilespmem:s17], [sflag:$0x2], $0x4000, $0x38;
	[tilespmem:$0x18800] =	vst v63  }
0x193: {  	_ =	swait.ge [sflag:s3], $0x4000  }
0x194: {  	[sflag:s3] =	ssyncset.done $0x0  }
0x195: {  	[sflag:s3] =	ssyncadd.s32 $0xFFFFC000  }
0x196: {  	[tilespmem:s17], [sflag:$0x1] =	stream.indirect.gather [hbm4b:s11+s18], $0x80, s24, s18, $0xb8;
	[tilespmem:$0x18800] =	vst v63  }
0x197: {  	_ =	swait.ge [sflag:s8], $0x4000  }
0x198: {  	[sflag:s8] =	ssyncset.done $0x0  }
0x199: {  	s0 =	rddreg [dreg:$0x13];
	[sflag:s8] =	ssyncadd.s32 $0xFFFFC000  }
0x19a: {  	[hbm4b:s0+s2] =	stream.linear.scatter [tilespmem:s16], [sflag:$0x2], $0x4000, $0x38;
	[tilespmem:$0x18800] =	vst v63  }
0x19b: {  	_ =	swait.ge [sflag:s3], $0x4000  }
0x19c: {  	[sflag:s3] =	ssyncset.done $0x0  }
0x19d: {  	[sflag:s3] =	ssyncadd.s32 $0xFFFFC000  }
0x19e: {  	[tilespmem:s16], [sflag:$0x1] =	stream.indirect.gather [hbm4b:s11+s18], $0x80, s23, s18, $0xb8;
	[tilespmem:$0x18800] =	vst v63  }
0x19f: {  	_ =	swait.ge [sflag:s8], $0x4000  }
0x1a0: {  	[sflag:s8] =	ssyncset.done $0x0  }
0x1a1: {  	s0 =	rddreg [dreg:$0x14];
	[sflag:s8] =	ssyncadd.s32 $0xFFFFC000  }
0x1a2: {  	[hbm4b:s0+s2] =	stream.linear.scatter [tilespmem:s15], [sflag:$0x2], $0x4000, $0x38;
	[tilespmem:$0x18800] =	vst v63  }
0x1a3: {  	_ =	swait.ge [sflag:s3], $0x4000  }
0x1a4: {  	[sflag:s3] =	ssyncset.done $0x0  }
0x1a5: {  	[sflag:s3] =	ssyncadd.s32 $0xFFFFC000  }
0x1a6: {  	[tilespmem:s15], [sflag:$0x1] =	stream.indirect.gather [hbm4b:s11+s18], $0x80, s22, s18, $0xb8;
	[tilespmem:$0x18800] =	vst v63  }
0x1a7: {  	_ =	swait.ge [sflag:s8], $0x4000  }
0x1a8: {  	[sflag:s8] =	ssyncset.done $0x0  }
0x1a9: {  	s0 =	rddreg [dreg:$0x15];
	[sflag:s8] =	ssyncadd.s32 $0xFFFFC000  }
0x1aa: {  	[hbm4b:s0+s2] =	stream.linear.scatter [tilespmem:s13], [sflag:$0x2], $0x4000, $0x38;
	[tilespmem:$0x18800] =	vst v63  }
0x1ab: {  	_ =	swait.ge [sflag:s3], $0x4000  }
0x1ac: {  	[sflag:s3] =	ssyncset.done $0x0  }
0x1ad: {  	[sflag:s3] =	ssyncadd.s32 $0xFFFFC000  }
0x1ae: {  	[tilespmem:s13], [sflag:$0x1] =	stream.indirect.gather [hbm4b:s11+s18], $0x80, s21, s18, $0xb8;
	[tilespmem:$0x18800] =	vst v63  }
0x1af: {  	_ =	swait.ge [sflag:s8], $0x4000  }
0x1b0: {  	[sflag:s8] =	ssyncset.done $0x0  }
0x1b1: {  	s0 =	rddreg [dreg:$0x16];
	[sflag:s8] =	ssyncadd.s32 $0xFFFFC000  }
0x1b2: {  	[hbm4b:s0+s2] =	stream.linear.scatter [tilespmem:s10], [sflag:$0x2], $0x4000, $0x38;
	[tilespmem:$0x18800] =	vst v63  }
0x1b3: {  	_ =	swait.ge [sflag:s3], $0x4000  }
0x1b4: {  	[sflag:s3] =	ssyncset.done $0x0  }
0x1b5: {  	[sflag:s3] =	ssyncadd.s32 $0xFFFFC000  }
0x1b6: {  	[tilespmem:s10], [sflag:$0x1] =	stream.indirect.gather [hbm4b:s11+s18], $0x80, s20, s18, $0xb8;
	[tilespmem:$0x18800] =	vst v63  }
0x1b7: {  	_ =	swait.ge [sflag:s8], $0x4000  }
0x1b8: {  	[sflag:s8] =	ssyncset.done $0x0  }
0x1b9: {  	s0 =	rddreg [dreg:$0x17];
	[sflag:s8] =	ssyncadd.s32 $0xFFFFC000  }
0x1ba: {  	[hbm4b:s0+s2] =	stream.linear.scatter [tilespmem:s5], [sflag:$0x2], $0x4000, $0x38;
	[tilespmem:$0x18800] =	vst v63  }
0x1bb: {  	_ =	swait.ge [sflag:s3], $0x4000  }
0x1bc: {  	[sflag:s3] =	ssyncset.done $0x0  }
0x1bd: {  	[sflag:s3] =	ssyncadd.s32 $0xFFFFC000  }
0x1be: {  	[tilespmem:s5], [sflag:$0x1] =	stream.indirect.gather [hbm4b:s11+s18], $0x80, s19, s18, $0xb8;
	[tilespmem:$0x18800] =	vst v63  }
0x1bf: {  	_ =	swait.ge [sflag:s8], $0x4000  }
0x1c0: {  	[sflag:s8] =	ssyncset.done $0x0  }
0x1c1: {  	[sflag:s8] =	ssyncadd.s32 $0xFFFFC000  }
0x1c2: {  	[hbm4b:s14+s2] =	stream.linear.scatter [tilespmem:s17], [sflag:$0x2], $0x4000, $0x38;
	[tilespmem:$0x18800] =	vst v63  }
0x1c3: {  	_ =	swait.ge [sflag:s3], $0x4000  }
0x1c4: {  	[sflag:s3] =	ssyncset.done $0x0  }
0x1c5: {  	[sflag:s3] =	ssyncadd.s32 $0xFFFFC000  }
0x1c6: {  	_ =	swait.ge [sflag:s8], $0x4000  }
0x1c7: {  	[sflag:s8] =	ssyncset.done $0x0  }
0x1c8: {  	[sflag:s8] =	ssyncadd.s32 $0xFFFFC000  }
0x1c9: {  	[hbm4b:s12+s2] =	stream.linear.scatter [tilespmem:s16], [sflag:$0x2], $0x4000, $0x38;
	[tilespmem:$0x18800] =	vst v63  }
0x1ca: {  	_ =	swait.ge [sflag:s3], $0x4000  }
0x1cb: {  	[sflag:s3] =	ssyncset.done $0x0  }
0x1cc: {  	[sflag:s3] =	ssyncadd.s32 $0xFFFFC000  }
0x1cd: {  	_ =	swait.ge [sflag:s8], $0x4000  }
0x1ce: {  	[sflag:s8] =	ssyncset.done $0x0  }
0x1cf: {  	[sflag:s8] =	ssyncadd.s32 $0xFFFFC000  }
0x1d0: {  	[hbm4b:s9+s2] =	stream.linear.scatter [tilespmem:s15], [sflag:$0x2], $0x4000, $0x38;
	[tilespmem:$0x18800] =	vst v63  }
0x1d1: {  	_ =	swait.ge [sflag:s3], $0x4000  }
0x1d2: {  	[sflag:s3] =	ssyncset.done $0x0  }
0x1d3: {  	[sflag:s3] =	ssyncadd.s32 $0xFFFFC000  }
0x1d4: {  	_ =	swait.ge [sflag:s8], $0x4000  }
0x1d5: {  	[sflag:s8] =	ssyncset.done $0x0  }
0x1d6: {  	[sflag:s8] =	ssyncadd.s32 $0xFFFFC000  }
0x1d7: {  	[hbm4b:s7+s2] =	stream.linear.scatter [tilespmem:s13], [sflag:$0x2], $0x4000, $0x38;
	[tilespmem:$0x18800] =	vst v63  }
0x1d8: {  	_ =	swait.ge [sflag:s3], $0x4000  }
0x1d9: {  	[sflag:s3] =	ssyncset.done $0x0  }
0x1da: {  	[sflag:s3] =	ssyncadd.s32 $0xFFFFC000  }
0x1db: {  	_ =	swait.ge [sflag:s8], $0x4000  }
0x1dc: {  	[sflag:s8] =	ssyncset.done $0x0  }
0x1dd: {  	[sflag:s8] =	ssyncadd.s32 $0xFFFFC000  }
0x1de: {  	[hbm4b:s6+s2] =	stream.linear.scatter [tilespmem:s10], [sflag:$0x2], $0x4000, $0x38;
	[tilespmem:$0x18800] =	vst v63  }
0x1df: {  	_ =	swait.ge [sflag:s3], $0x4000  }
0x1e0: {  	[sflag:s3] =	ssyncset.done $0x0  }
0x1e1: {  	[sflag:s3] =	ssyncadd.s32 $0xFFFFC000  }
0x1e2: {  	p1 =	sne.s32 s1, $0x1;
	_ =	swait.ge [sflag:s8], $0x4000  }
.Ltmp2:
0x1e3: {  	[sflag:s8] =	ssyncset.done $0x0;
	(pc) =	sbr.rel @p1 .LBB2_2-.Ltmp2, $4  }
0x1e4: {  	[sflag:s8] =	ssyncadd.s32 $0xFFFFC000  }
0x1e5: {  	[hbm4b:s4+s2] =	stream.linear.scatter [tilespmem:s5], [sflag:$0x2], $0x4000, $0x38;
	[tilespmem:$0x18800] =	vst v63  }
0x1e6: {  	_ =	swait.ge [sflag:s3], $0x4000  }
0x1e7: {  	s1 =	sadd.s32 $0xFFFFFFFF, s1;
	s0 =	rddreg [dreg:$0x2];
	[sflag:s3] =	ssyncset.done $0x0  }
.LBB2_3:
0x1e8: {  	[sflag:s3] =	ssyncadd.s32 @p0 $0xFFFFC000  }
0x1e9: {  	[tilespmem:s2], [sflag:$0x2] =	stream.linear.gather [hbm4b:s0+s2], $0x680, $0x38;
	[tilespmem:$0x18800] =	vst v63  }
0x1ea: {  	_ =	swait.ge [sflag:s3], $0x680  }
0x1eb: {  	[sflag:s3] =	ssyncset.done $0x0  }
0x1ec: {  	[sflag:s3] =	ssyncadd.s32 $0xFFFFF980  }
0x1ed: {  	[tilespmem:s5], [sflag:$0x1] =	stream.indirect.gather [hbm4b:s31+s18], $0x80, s2, s18, $0xb8;
	[tilespmem:$0x18800] =	vst v63  }
0x1ee: {  	_ = 	snop  }
0x1ef: {  	[tilespmem:s17], [sflag:$0x1] =	stream.indirect.gather [hbm4b:s31+s18], $0x80, s18, s18, $0xb8;
	[tilespmem:$0x18800] =	vst v63  }
0x1f0: {  	_ = 	snop  }
0x1f1: {  	[tilespmem:s16], [sflag:$0x1] =	stream.indirect.gather [hbm4b:s31+s18], $0x80, s26, s18, $0xb8;
	[tilespmem:$0x18800] =	vst v63  }
0x1f2: {  	_ = 	snop  }
0x1f3: {  	[tilespmem:s15], [sflag:$0x1] =	stream.indirect.gather [hbm4b:s31+s18], $0x80, s28, s18, $0xb8;
	[tilespmem:$0x18800] =	vst v63  }
0x1f4: {  	_ = 	snop  }
0x1f5: {  	[tilespmem:s13], [sflag:$0x1] =	stream.indirect.gather [hbm4b:s31+s18], $0x80, s29, s18, $0xb8;
	[tilespmem:$0x18800] =	vst v63  }
0x1f6: {  	_ = 	snop  }
0x1f7: {  	[tilespmem:s10], [sflag:$0x1] =	stream.indirect.gather [hbm4b:s31+s18], $0x80, s30, s18, $0xb8;
	[tilespmem:$0x18800] =	vst v63  }
0x1f8: {  	_ =	swait.ge [sflag:s8], $0x4000  }
0x1f9: {  	[sflag:s8] =	ssyncset.done $0x0  }
0x1fa: {  	s1 =	rddreg [dreg:$0x3];
	[sflag:s8] =	ssyncadd.s32 $0xFFFFC000  }
0x1fb: {  	[hbm4b:s1+s2] =	stream.linear.scatter [tilespmem:s5], [sflag:$0x2], $0x4000, $0x38;
	[tilespmem:$0x18800] =	vst v63  }
0x1fc: {  	_ =	swait.ge [sflag:s3], $0x4000  }
0x1fd: {  	[sflag:s3] =	ssyncset.done $0x0  }
0x1fe: {  	[sflag:s3] =	ssyncadd.s32 $0xFFFFC000  }
0x1ff: {  	[tilespmem:s5], [sflag:$0x1] =	stream.indirect.gather [hbm4b:s31+s18], $0x80, s25, s18, $0xb8;
	[tilespmem:$0x18800] =	vst v63  }
0x200: {  	_ =	swait.ge [sflag:s8], $0x4000  }
0x201: {  	[sflag:s8] =	ssyncset.done $0x0  }
0x202: {  	s1 =	rddreg [dreg:$0x4];
	[sflag:s8] =	ssyncadd.s32 $0xFFFFC000  }
0x203: {  	[hbm4b:s1+s2] =	stream.linear.scatter [tilespmem:s17], [sflag:$0x2], $0x4000, $0x38;
	[tilespmem:$0x18800] =	vst v63  }
0x204: {  	_ =	swait.ge [sflag:s3], $0x4000  }
0x205: {  	[sflag:s3] =	ssyncset.done $0x0  }
0x206: {  	[sflag:s3] =	ssyncadd.s32 $0xFFFFC000  }
0x207: {  	[tilespmem:s17], [sflag:$0x1] =	stream.indirect.gather [hbm4b:s31+s18], $0x80, s24, s18, $0xb8;
	[tilespmem:$0x18800] =	vst v63  }
0x208: {  	_ =	swait.ge [sflag:s8], $0x4000  }
0x209: {  	[sflag:s8] =	ssyncset.done $0x0  }
0x20a: {  	s1 =	rddreg [dreg:$0x5];
	[sflag:s8] =	ssyncadd.s32 $0xFFFFC000  }
0x20b: {  	[hbm4b:s1+s2] =	stream.linear.scatter [tilespmem:s16], [sflag:$0x2], $0x4000, $0x38;
	[tilespmem:$0x18800] =	vst v63  }
0x20c: {  	_ =	swait.ge [sflag:s3], $0x4000  }
0x20d: {  	[sflag:s3] =	ssyncset.done $0x0  }
0x20e: {  	[sflag:s3] =	ssyncadd.s32 $0xFFFFC000  }
0x20f: {  	[tilespmem:s16], [sflag:$0x1] =	stream.indirect.gather [hbm4b:s31+s18], $0x80, s23, s18, $0xb8;
	[tilespmem:$0x18800] =	vst v63  }
0x210: {  	_ =	swait.ge [sflag:s8], $0x4000  }
0x211: {  	[sflag:s8] =	ssyncset.done $0x0  }
0x212: {  	s1 =	rddreg [dreg:$0x6];
	[sflag:s8] =	ssyncadd.s32 $0xFFFFC000  }
0x213: {  	[hbm4b:s1+s2] =	stream.linear.scatter [tilespmem:s15], [sflag:$0x2], $0x4000, $0x38;
	[tilespmem:$0x18800] =	vst v63  }
0x214: {  	_ =	swait.ge [sflag:s3], $0x4000  }
0x215: {  	[sflag:s3] =	ssyncset.done $0x0  }
0x216: {  	[sflag:s3] =	ssyncadd.s32 $0xFFFFC000  }
0x217: {  	[tilespmem:s15], [sflag:$0x1] =	stream.indirect.gather [hbm4b:s31+s18], $0x80, s22, s18, $0xb8;
	[tilespmem:$0x18800] =	vst v63  }
0x218: {  	_ =	swait.ge [sflag:s8], $0x4000  }
0x219: {  	[sflag:s8] =	ssyncset.done $0x0  }
0x21a: {  	s1 =	rddreg [dreg:$0x7];
	[sflag:s8] =	ssyncadd.s32 $0xFFFFC000  }
0x21b: {  	[hbm4b:s1+s2] =	stream.linear.scatter [tilespmem:s13], [sflag:$0x2], $0x4000, $0x38;
	[tilespmem:$0x18800] =	vst v63  }
0x21c: {  	_ =	swait.ge [sflag:s3], $0x4000  }
0x21d: {  	[sflag:s3] =	ssyncset.done $0x0  }
0x21e: {  	[sflag:s3] =	ssyncadd.s32 $0xFFFFC000  }
0x21f: {  	[tilespmem:s13], [sflag:$0x1] =	stream.indirect.gather [hbm4b:s31+s18], $0x80, s21, s18, $0xb8;
	[tilespmem:$0x18800] =	vst v63  }
0x220: {  	_ =	swait.ge [sflag:s8], $0x4000  }
0x221: {  	[sflag:s8] =	ssyncset.done $0x0  }
0x222: {  	s1 =	rddreg [dreg:$0x8];
	[sflag:s8] =	ssyncadd.s32 $0xFFFFC000  }
0x223: {  	[hbm4b:s1+s2] =	stream.linear.scatter [tilespmem:s10], [sflag:$0x2], $0x4000, $0x38;
	[tilespmem:$0x18800] =	vst v63  }
0x224: {  	_ =	swait.ge [sflag:s3], $0x4000  }
0x225: {  	[sflag:s3] =	ssyncset.done $0x0  }
0x226: {  	[sflag:s3] =	ssyncadd.s32 $0xFFFFC000  }
0x227: {  	[tilespmem:s10], [sflag:$0x1] =	stream.indirect.gather [hbm4b:s31+s18], $0x80, s20, s18, $0xb8;
	[tilespmem:$0x18800] =	vst v63  }
0x228: {  	_ =	swait.ge [sflag:s8], $0x4000  }
0x229: {  	[sflag:s8] =	ssyncset.done $0x0  }
0x22a: {  	s1 =	rddreg [dreg:$0x9];
	[sflag:s8] =	ssyncadd.s32 $0xFFFFC000  }
0x22b: {  	[hbm4b:s1+s2] =	stream.linear.scatter [tilespmem:s5], [sflag:$0x2], $0x4000, $0x38;
	[tilespmem:$0x18800] =	vst v63  }
0x22c: {  	_ =	swait.ge [sflag:s3], $0x4000  }
0x22d: {  	[sflag:s3] =	ssyncset.done $0x0  }
0x22e: {  	[sflag:s3] =	ssyncadd.s32 $0xFFFFC000  }
0x22f: {  	[tilespmem:s5], [sflag:$0x1] =	stream.indirect.gather [hbm4b:s31+s18], $0x80, s19, s18, $0xb8;
	[tilespmem:$0x18800] =	vst v63  }
0x230: {  	_ =	swait.ge [sflag:s8], $0x4000  }
0x231: {  	[sflag:s8] =	ssyncset.done $0x0  }
0x232: {  	s1 =	rddreg [dreg:$0xa];
	[sflag:s8] =	ssyncadd.s32 $0xFFFFC000  }
0x233: {  	[hbm4b:s1+s2] =	stream.linear.scatter [tilespmem:s17], [sflag:$0x2], $0x4000, $0x38;
	[tilespmem:$0x18800] =	vst v63  }
0x234: {  	_ =	swait.ge [sflag:s3], $0x4000  }
0x235: {  	[sflag:s3] =	ssyncset.done $0x0  }
0x236: {  	[sflag:s3] =	ssyncadd.s32 $0xFFFFC000  }
0x237: {  	_ =	swait.ge [sflag:s8], $0x4000  }
0x238: {  	[sflag:s8] =	ssyncset.done $0x0  }
0x239: {  	s31 =	rddreg [dreg:$0xb];
	[sflag:s8] =	ssyncadd.s32 $0xFFFFC000  }
0x23a: {  	[hbm4b:s31+s2] =	stream.linear.scatter [tilespmem:s16], [sflag:$0x2], $0x4000, $0x38;
	[tilespmem:$0x18800] =	vst v63  }
0x23b: {  	_ =	swait.ge [sflag:s3], $0x4000  }
0x23c: {  	[sflag:s3] =	ssyncset.done $0x0  }
0x23d: {  	[sflag:s3] =	ssyncadd.s32 $0xFFFFC000  }
0x23e: {  	_ =	swait.ge [sflag:s8], $0x4000  }
0x23f: {  	[sflag:s8] =	ssyncset.done $0x0  }
0x240: {  	s1 =	rddreg [dreg:$0xc];
	[sflag:s8] =	ssyncadd.s32 $0xFFFFC000  }
0x241: {  	[hbm4b:s1+s2] =	stream.linear.scatter [tilespmem:s15], [sflag:$0x2], $0x4000, $0x38;
	[tilespmem:$0x18800] =	vst v63  }
0x242: {  	_ =	swait.ge [sflag:s3], $0x4000  }
0x243: {  	[sflag:s3] =	ssyncset.done $0x0  }
0x244: {  	[sflag:s3] =	ssyncadd.s32 $0xFFFFC000  }
0x245: {  	_ =	swait.ge [sflag:s8], $0x4000  }
0x246: {  	[sflag:s8] =	ssyncset.done $0x0  }
0x247: {  	s31 =	rddreg [dreg:$0xd];
	[sflag:s8] =	ssyncadd.s32 $0xFFFFC000  }
0x248: {  	[hbm4b:s31+s2] =	stream.linear.scatter [tilespmem:s13], [sflag:$0x2], $0x4000, $0x38;
	[tilespmem:$0x18800] =	vst v63  }
0x249: {  	_ =	swait.ge [sflag:s3], $0x4000  }
0x24a: {  	[sflag:s3] =	ssyncset.done $0x0  }
0x24b: {  	[sflag:s3] =	ssyncadd.s32 $0xFFFFC000  }
0x24c: {  	_ =	swait.ge [sflag:s8], $0x4000  }
0x24d: {  	[sflag:s8] =	ssyncset.done $0x0  }
0x24e: {  	s1 =	rddreg [dreg:$0xe];
	[sflag:s8] =	ssyncadd.s32 $0xFFFFC000  }
0x24f: {  	[hbm4b:s1+s2] =	stream.linear.scatter [tilespmem:s10], [sflag:$0x2], $0x4000, $0x38;
	[tilespmem:$0x18800] =	vst v63  }
0x250: {  	_ =	swait.ge [sflag:s3], $0x4000  }
0x251: {  	[sflag:s3] =	ssyncset.done $0x0  }
0x252: {  	[sflag:s3] =	ssyncadd.s32 $0xFFFFC000  }
0x253: {  	_ =	swait.ge [sflag:s8], $0x4000  }
0x254: {  	[sflag:s8] =	ssyncset.done $0x0  }
0x255: {  	s31 =	rddreg [dreg:$0xf];
	[sflag:s8] =	ssyncadd.s32 $0xFFFFC000  }
0x256: {  	[hbm4b:s31+s2] =	stream.linear.scatter [tilespmem:s5], [sflag:$0x2], $0x4000, $0x38;
	[tilespmem:$0x18800] =	vst v63  }
0x257: {  	_ =	swait.ge [sflag:s3], $0x4000  }
0x258: {  	[sflag:s3] =	ssyncset.done $0x0  }
0x259: {  	s1 =	rddreg [dreg:$0x10];
	[sflag:s3] =	ssyncadd.s32 $0xFFFFC000  }
0x25a: {  	[tilespmem:s2], [sflag:$0x2] =	stream.linear.gather [hbm4b:s1+s2], $0x680, $0x38;
	[tilespmem:$0x18800] =	vst v63  }
0x25b: {  	_ =	swait.ge [sflag:s3], $0x680  }
0x25c: {  	[sflag:s3] =	ssyncset.done $0x0  }
0x25d: {  	[sflag:s3] =	ssyncadd.s32 $0xFFFFF980  }
0x25e: {  	[tilespmem:s5], [sflag:$0x1] =	stream.indirect.gather [hbm4b:s11+s18], $0x80, s2, s18, $0xb8;
	[tilespmem:$0x18800] =	vst v63  }
0x25f: {  	_ = 	snop  }
0x260: {  	[tilespmem:s17], [sflag:$0x1] =	stream.indirect.gather [hbm4b:s11+s18], $0x80, s18, s18, $0xb8;
	[tilespmem:$0x18800] =	vst v63  }
0x261: {  	_ = 	snop  }
0x262: {  	[tilespmem:s16], [sflag:$0x1] =	stream.indirect.gather [hbm4b:s11+s18], $0x80, s26, s18, $0xb8;
	[tilespmem:$0x18800] =	vst v63  }
0x263: {  	_ = 	snop  }
0x264: {  	[tilespmem:s15], [sflag:$0x1] =	stream.indirect.gather [hbm4b:s11+s18], $0x80, s28, s18, $0xb8;
	[tilespmem:$0x18800] =	vst v63  }
0x265: {  	_ = 	snop  }
0x266: {  	[tilespmem:s13], [sflag:$0x1] =	stream.indirect.gather [hbm4b:s11+s18], $0x80, s29, s18, $0xb8;
	[tilespmem:$0x18800] =	vst v63  }
0x267: {  	_ = 	snop  }
0x268: {  	[tilespmem:s10], [sflag:$0x1] =	stream.indirect.gather [hbm4b:s11+s18], $0x80, s30, s18, $0xb8;
	[tilespmem:$0x18800] =	vst v63  }
0x269: {  	_ =	swait.ge [sflag:s8], $0x4000  }
0x26a: {  	[sflag:s8] =	ssyncset.done $0x0  }
0x26b: {  	s31 =	rddreg [dreg:$0x11];
	[sflag:s8] =	ssyncadd.s32 $0xFFFFC000  }
0x26c: {  	[hbm4b:s31+s2] =	stream.linear.scatter [tilespmem:s5], [sflag:$0x2], $0x4000, $0x38;
	[tilespmem:$0x18800] =	vst v63  }
0x26d: {  	_ =	swait.ge [sflag:s3], $0x4000  }
0x26e: {  	[sflag:s3] =	ssyncset.done $0x0  }
0x26f: {  	[sflag:s3] =	ssyncadd.s32 $0xFFFFC000  }
0x270: {  	[tilespmem:s5], [sflag:$0x1] =	stream.indirect.gather [hbm4b:s11+s18], $0x80, s25, s18, $0xb8;
	[tilespmem:$0x18800] =	vst v63  }
0x271: {  	_ =	swait.ge [sflag:s8], $0x4000  }
0x272: {  	[sflag:s8] =	ssyncset.done $0x0  }
0x273: {  	s1 =	rddreg [dreg:$0x12];
	[sflag:s8] =	ssyncadd.s32 $0xFFFFC000  }
0x274: {  	[hbm4b:s1+s2] =	stream.linear.scatter [tilespmem:s17], [sflag:$0x2], $0x4000, $0x38;
	[tilespmem:$0x18800] =	vst v63  }
0x275: {  	_ =	swait.ge [sflag:s3], $0x4000  }
0x276: {  	[sflag:s3] =	ssyncset.done $0x0  }
0x277: {  	[sflag:s3] =	ssyncadd.s32 $0xFFFFC000  }
0x278: {  	[tilespmem:s17], [sflag:$0x1] =	stream.indirect.gather [hbm4b:s11+s18], $0x80, s24, s18, $0xb8;
	[tilespmem:$0x18800] =	vst v63  }
0x279: {  	_ =	swait.ge [sflag:s8], $0x4000  }
0x27a: {  	[sflag:s8] =	ssyncset.done $0x0  }
0x27b: {  	s25 =	rddreg [dreg:$0x13];
	[sflag:s8] =	ssyncadd.s32 $0xFFFFC000  }
0x27c: {  	[hbm4b:s25+s2] =	stream.linear.scatter [tilespmem:s16], [sflag:$0x2], $0x4000, $0x38;
	[tilespmem:$0x18800] =	vst v63  }
0x27d: {  	_ =	swait.ge [sflag:s3], $0x4000  }
0x27e: {  	[sflag:s3] =	ssyncset.done $0x0  }
0x27f: {  	[sflag:s3] =	ssyncadd.s32 $0xFFFFC000  }
0x280: {  	[tilespmem:s16], [sflag:$0x1] =	stream.indirect.gather [hbm4b:s11+s18], $0x80, s23, s18, $0xb8;
	[tilespmem:$0x18800] =	vst v63  }
0x281: {  	_ =	swait.ge [sflag:s8], $0x4000  }
0x282: {  	[sflag:s8] =	ssyncset.done $0x0  }
0x283: {  	s26 =	rddreg [dreg:$0x14];
	[sflag:s8] =	ssyncadd.s32 $0xFFFFC000  }
0x284: {  	[hbm4b:s26+s2] =	stream.linear.scatter [tilespmem:s15], [sflag:$0x2], $0x4000, $0x38;
	[tilespmem:$0x18800] =	vst v63  }
0x285: {  	_ =	swait.ge [sflag:s3], $0x4000  }
0x286: {  	[sflag:s3] =	ssyncset.done $0x0  }
0x287: {  	[sflag:s3] =	ssyncadd.s32 $0xFFFFC000  }
0x288: {  	[tilespmem:s15], [sflag:$0x1] =	stream.indirect.gather [hbm4b:s11+s18], $0x80, s22, s18, $0xb8;
	[tilespmem:$0x18800] =	vst v63  }
0x289: {  	_ =	swait.ge [sflag:s8], $0x4000  }
0x28a: {  	[sflag:s8] =	ssyncset.done $0x0  }
0x28b: {  	s28 =	rddreg [dreg:$0x15];
	[sflag:s8] =	ssyncadd.s32 $0xFFFFC000  }
0x28c: {  	[hbm4b:s28+s2] =	stream.linear.scatter [tilespmem:s13], [sflag:$0x2], $0x4000, $0x38;
	[tilespmem:$0x18800] =	vst v63  }
0x28d: {  	_ =	swait.ge [sflag:s3], $0x4000  }
0x28e: {  	[sflag:s3] =	ssyncset.done $0x0  }
0x28f: {  	[sflag:s3] =	ssyncadd.s32 $0xFFFFC000  }
0x290: {  	[tilespmem:s13], [sflag:$0x1] =	stream.indirect.gather [hbm4b:s11+s18], $0x80, s21, s18, $0xb8;
	[tilespmem:$0x18800] =	vst v63  }
0x291: {  	_ =	swait.ge [sflag:s8], $0x4000  }
0x292: {  	[sflag:s8] =	ssyncset.done $0x0  }
0x293: {  	s29 =	rddreg [dreg:$0x16];
	[sflag:s8] =	ssyncadd.s32 $0xFFFFC000  }
0x294: {  	[hbm4b:s29+s2] =	stream.linear.scatter [tilespmem:s10], [sflag:$0x2], $0x4000, $0x38;
	[tilespmem:$0x18800] =	vst v63  }
0x295: {  	_ =	swait.ge [sflag:s3], $0x4000  }
0x296: {  	[sflag:s3] =	ssyncset.done $0x0  }
0x297: {  	[sflag:s3] =	ssyncadd.s32 $0xFFFFC000  }
0x298: {  	[tilespmem:s10], [sflag:$0x1] =	stream.indirect.gather [hbm4b:s11+s18], $0x80, s20, s18, $0xb8;
	[tilespmem:$0x18800] =	vst v63  }
0x299: {  	_ =	swait.ge [sflag:s8], $0x4000  }
0x29a: {  	[sflag:s8] =	ssyncset.done $0x0  }
0x29b: {  	s30 =	rddreg [dreg:$0x17];
	[sflag:s8] =	ssyncadd.s32 $0xFFFFC000  }
0x29c: {  	[hbm4b:s30+s2] =	stream.linear.scatter [tilespmem:s5], [sflag:$0x2], $0x4000, $0x38;
	[tilespmem:$0x18800] =	vst v63  }
0x29d: {  	_ =	swait.ge [sflag:s3], $0x4000  }
0x29e: {  	[sflag:s3] =	ssyncset.done $0x0  }
0x29f: {  	[sflag:s3] =	ssyncadd.s32 $0xFFFFC000  }
0x2a0: {  	[tilespmem:s5], [sflag:$0x1] =	stream.indirect.gather [hbm4b:s11+s18], $0x80, s19, s18, $0xb8;
	[tilespmem:$0x18800] =	vst v63  }
0x2a1: {  	_ =	swait.ge [sflag:s8], $0x4000  }
0x2a2: {  	[sflag:s8] =	ssyncset.done $0x0  }
0x2a3: {  	[sflag:s8] =	ssyncadd.s32 $0xFFFFC000  }
0x2a4: {  	[hbm4b:s14+s2] =	stream.linear.scatter [tilespmem:s17], [sflag:$0x2], $0x4000, $0x38;
	[tilespmem:$0x18800] =	vst v63  }
0x2a5: {  	_ =	swait.ge [sflag:s3], $0x4000  }
0x2a6: {  	[sflag:s3] =	ssyncset.done $0x0  }
0x2a7: {  	[sflag:s3] =	ssyncadd.s32 $0xFFFFC000  }
0x2a8: {  	_ =	swait.ge [sflag:s8], $0x4000  }
0x2a9: {  	[sflag:s8] =	ssyncset.done $0x0  }
0x2aa: {  	[sflag:s8] =	ssyncadd.s32 $0xFFFFC000  }
0x2ab: {  	[hbm4b:s12+s2] =	stream.linear.scatter [tilespmem:s16], [sflag:$0x2], $0x4000, $0x38;
	[tilespmem:$0x18800] =	vst v63  }
0x2ac: {  	_ =	swait.ge [sflag:s3], $0x4000  }
0x2ad: {  	[sflag:s3] =	ssyncset.done $0x0  }
0x2ae: {  	[sflag:s3] =	ssyncadd.s32 $0xFFFFC000  }
0x2af: {  	_ =	swait.ge [sflag:s8], $0x4000  }
0x2b0: {  	[sflag:s8] =	ssyncset.done $0x0  }
0x2b1: {  	[sflag:s8] =	ssyncadd.s32 $0xFFFFC000  }
0x2b2: {  	[hbm4b:s9+s2] =	stream.linear.scatter [tilespmem:s15], [sflag:$0x2], $0x4000, $0x38;
	[tilespmem:$0x18800] =	vst v63  }
0x2b3: {  	_ =	swait.ge [sflag:s3], $0x4000  }
0x2b4: {  	[sflag:s3] =	ssyncset.done $0x0  }
0x2b5: {  	[sflag:s3] =	ssyncadd.s32 $0xFFFFC000  }
0x2b6: {  	_ =	swait.ge [sflag:s8], $0x4000  }
0x2b7: {  	[sflag:s8] =	ssyncset.done $0x0  }
0x2b8: {  	[sflag:s8] =	ssyncadd.s32 $0xFFFFC000  }
0x2b9: {  	[hbm4b:s7+s2] =	stream.linear.scatter [tilespmem:s13], [sflag:$0x2], $0x4000, $0x38;
	[tilespmem:$0x18800] =	vst v63  }
0x2ba: {  	_ =	swait.ge [sflag:s3], $0x4000  }
0x2bb: {  	[sflag:s3] =	ssyncset.done $0x0  }
0x2bc: {  	[sflag:s3] =	ssyncadd.s32 $0xFFFFC000  }
0x2bd: {  	_ =	swait.ge [sflag:s8], $0x4000  }
0x2be: {  	[sflag:s8] =	ssyncset.done $0x0  }
0x2bf: {  	[sflag:s8] =	ssyncadd.s32 $0xFFFFC000  }
0x2c0: {  	[hbm4b:s6+s2] =	stream.linear.scatter [tilespmem:s10], [sflag:$0x2], $0x4000, $0x38;
	[tilespmem:$0x18800] =	vst v63  }
0x2c1: {  	_ =	swait.ge [sflag:s3], $0x4000  }
0x2c2: {  	[sflag:s3] =	ssyncset.done $0x0  }
0x2c3: {  	[sflag:s3] =	ssyncadd.s32 $0xFFFFC000  }
0x2c4: {  	_ =	swait.ge [sflag:s8], $0x4000  }
0x2c5: {  	[sflag:s8] =	ssyncset.done $0x0  }
0x2c6: {  	[sflag:s8] =	ssyncadd.s32 $0xFFFFC000  }
0x2c7: {  	[hbm4b:s4+s2] =	stream.linear.scatter [tilespmem:s5], [sflag:$0x2], $0x4000, $0x38;
	[tilespmem:$0x18800] =	vst v63  }
0x2c8: {  	_ =	swait.ge [sflag:s3], $0x4000  }
0x2c9: {  	[sflag:s3] =	ssyncset.done $0x0  }
0x2ca: {  	[sflag:s3] =	ssyncadd.s32 $0xFFFFC000  }
0x2cb: {  	_ =	sfence.sel $0x180000  }
0x2cc: {  	[bflag:$0x0] =	sbarrier.arrive $0xFFFF  }
0x2cd: {  	_ =	strace $0x90000047  }
0x2ce: {  	s31 =	stileid.u32;
	[bflag:$0x2] =	sbarrier.arrive $0xFFFF  }
0x2cf: {  	p0 =	sne.s32 s31, $0x0;
	s0 =	rddreg [dreg:$0x1]  }
0x2d0: {  	s0 =	sadd.s32 @!p0 $0x100000, s0  }
0x2d1: {  	[sflag:s0] =	ssyncadd.tile.s32 @!p0 $0x1;
	_ =	shalt  }
.Lfunc_end2:
_tile_overlayer_lowered:
.L_overlay_start_2:
0x2d2: {  	(tag) =	ssettag $0x2  }
0x2d3: {  	s0 =	rddreg [dreg:$0x0];
	s2 =	stileid.u32  }
0x2d4: {  	s1 =	rddreg [dreg:$0x1];
	p0 =	sne.s32 s2, $0x0  }
0x2d5: {  	s3 =	rddreg [dreg:$0x2];
	[bflag:$0x3] =	sbarrier.arrive $0xFFFF;
	s2 =	simm.s32 @!p0 $0x1C02  }
0x2d6: {  	[timem:s3], [sflag:s2] =	dma.local @!p0 [hbm:s0], s1  }
0x2d7: {  	s0 =	simm.s32 @!p0 $0x2  }
0x2d8: {  	_ =	swait.ge @!p0 [sflag:s0], s1  }
0x2d9: {  	s1 =	ssub.s32 @!p0 $0x0, s1;
	[sflag:s0] =	ssyncset.done @!p0 $0x0  }
0x2da: {  	[sflag:s0] =	ssyncadd.s32 @!p0 s1  }
0x2db: {  	[bflag:$0x3] =	sbarrier.arrive $0xFFFF  }
0x2dc: {  	_ =	shalt  }

</sc_bundles>
